<compile_context>
chip_gen: v7x
topology: tpu7x:2x2x1
jax: 0.10.2.dev20260603
libtpu: 0.0.44.dev20260713+nightly
codegen_flags: <defaults>
</compile_context>

<pallas_src>
import functools

import jax
import jax.numpy as jnp
from jax import lax
from jax.experimental import pallas as pl
from jax.experimental.pallas import tpu as pltpu
from jax.experimental.pallas import tpu_sc as plsc

N = 10000
C = 128
E = 320000
NPAD = 10016
NC = 2
NS = 16
NW = NC * NS
CHUNK = 128
NCHUNKS = E // CHUNK
BASE_CH = NCHUNKS // NW
EXTRA_CH = NCHUNKS % NW
GROUPS = NPAD // 16
BASE_GR = GROUPS // NS
EXTRA_GR = GROUPS % NS


@functools.cache
def _sc_gather_scatter_kernel():
    return functools.partial(
        pl.kernel,
        mesh=plsc.VectorSubcoreMesh(core_axis_name="c", subcore_axis_name="s"),
        out_type=[
            jax.ShapeDtypeStruct((NC, NPAD, C), jnp.float32),
            jax.ShapeDtypeStruct((NC, NPAD), jnp.float32),
        ],
        scratch_types=[
            pltpu.VMEM_SHARED((NPAD, C), jnp.float32),
            pltpu.VMEM_SHARED((NPAD,), jnp.float32),
            pltpu.VMEM((CHUNK, C), jnp.float32),
            pltpu.VMEM((CHUNK, C), jnp.float32),
            pltpu.VMEM((CHUNK,), jnp.int32),
            pltpu.VMEM((CHUNK,), jnp.int32),
            pltpu.VMEM((CHUNK,), jnp.int32),
            pltpu.VMEM((CHUNK,), jnp.int32),
            pltpu.VMEM((16, C), jnp.float32),
            pltpu.VMEM((1024,), jnp.float32),
            pltpu.VMEM((CHUNK,), jnp.float32),
            pltpu.SemaphoreType.DMA,
            pltpu.SemaphoreType.DMA,
            pltpu.SemaphoreType.DMA,
            pltpu.SemaphoreType.DMA,
        ],
    )(_sc_body)


def _sc_body(x_hbm, row_hbm, col_hbm, p_hbm, deg_hbm,
             acc, degs, rows_a, rows_b,
             row_va, col_va, row_vb, col_vb, zrow, zflat, ones_v,
             sg_a, sg_b, si_a, si_b):
    cid = lax.axis_index("c")
    sid = lax.axis_index("s")
    wid = sid * NC + cid

    def _coff(k):
        return pl.multiple_of((wid + k * NW) * CHUNK, CHUNK)

    def _idx_start(k, row_v, col_v, sem):
        off = _coff(k)
        pltpu.async_copy(row_hbm.at[pl.ds(off, CHUNK)], row_v, sem)
        pltpu.async_copy(col_hbm.at[pl.ds(off, CHUNK)], col_v, sem)

    def _idx_drain(k, row_v, col_v, sem):
        off = _coff(k)
        pltpu.make_async_copy(row_hbm.at[pl.ds(off, CHUNK)], row_v, sem).wait()
        pltpu.make_async_copy(col_hbm.at[pl.ds(off, CHUNK)], col_v, sem).wait()

    _idx_start(0, row_va, col_va, si_a)
    _idx_start(1, row_vb, col_vb, si_b)

    z16 = jnp.zeros((16,), jnp.float32)
    for i in range(16):
        for j in range(C // 16):
            zrow[i, pl.ds(j * 16, 16)] = z16
    for j in range(CHUNK // 16):
        ones_v[pl.ds(j * 16, 16)] = jnp.ones((16,), jnp.float32)

    def _zflat_body(i, carry):
        zflat[pl.ds(pl.multiple_of(i * 16, 16), 16)] = z16
        return carry
    lax.fori_loop(0, 1024 // 16, _zflat_body, 0)

    ngr = BASE_GR + jnp.where(sid < EXTRA_GR, 1, 0)

    def _zero_body(k, carry):
        g = sid + k * NS
        off = pl.multiple_of(g * 16, 16)
        pltpu.sync_copy(zrow, acc.at[pl.ds(off, 16)])
        return carry
    lax.fori_loop(0, ngr, _zero_body, 0)

    @pl.when(sid == 0)
    def _():
        for k in range(9):
            pltpu.sync_copy(zflat, degs.at[pl.ds(k * 1024, 1024)])
        pltpu.sync_copy(zflat.at[pl.ds(0, NPAD - 9216)],
                        degs.at[pl.ds(9216, NPAD - 9216)])

    plsc.subcore_barrier()

    def _gather_start(row_v, buf, sem):
        pltpu.async_copy(x_hbm.at[row_v], buf, sem)

    def _gather_drain(row_v, buf, sem):
        pltpu.make_async_copy(x_hbm.at[row_v], buf, sem).wait()

    def _mask(row_v, col_v):
        for j in range(CHUNK // 16):
            r = row_v[pl.ds(j * 16, 16)]
            c = col_v[pl.ds(j * 16, 16)]
            col_v[pl.ds(j * 16, 16)] = jnp.where(r == c, N, c)

    nch = BASE_CH + jnp.where(wid < EXTRA_CH, 1, 0)

    _idx_drain(0, row_va, col_va, si_a)
    _gather_start(row_va, rows_a, sg_a)
    _mask(row_va, col_va)
    _idx_drain(1, row_vb, col_vb, si_b)
    _gather_start(row_vb, rows_b, sg_b)
    _mask(row_vb, col_vb)

    def _pipe_body(t, carry):
        k0 = t * 2
        k1 = k0 + 1
        _gather_drain(row_va, rows_a, sg_a)
        pltpu.sync_copy(rows_a, acc.at[col_va], add=True)
        pltpu.sync_copy(ones_v, degs.at[col_va], add=True)

        @pl.when(k0 + 2 < nch)
        def _():
            _idx_start(k0 + 2, row_va, col_va, si_a)
        _gather_drain(row_vb, rows_b, sg_b)
        pltpu.sync_copy(rows_b, acc.at[col_vb], add=True)
        pltpu.sync_copy(ones_v, degs.at[col_vb], add=True)

        @pl.when(k1 + 2 < nch)
        def _():
            _idx_start(k1 + 2, row_vb, col_vb, si_b)

        @pl.when(k0 + 2 < nch)
        def _():
            _idx_drain(k0 + 2, row_va, col_va, si_a)
            _gather_start(row_va, rows_a, sg_a)
            _mask(row_va, col_va)

        @pl.when(k1 + 2 < nch)
        def _():
            _idx_drain(k1 + 2, row_vb, col_vb, si_b)
            _gather_start(row_vb, rows_b, sg_b)
            _mask(row_vb, col_vb)
        return carry
    lax.fori_loop(0, BASE_CH // 2, _pipe_body, 0)

    @pl.when(wid < EXTRA_CH)
    def _():
        _gather_drain(row_va, rows_a, sg_a)
        pltpu.sync_copy(rows_a, acc.at[col_va], add=True)
        pltpu.sync_copy(ones_v, degs.at[col_va], add=True)

    plsc.subcore_barrier()

    def _wb_body(k, carry):
        g = sid + k * NS
        off = pl.multiple_of(g * 16, 16)
        pltpu.sync_copy(acc.at[pl.ds(off, 16)], p_hbm.at[cid, pl.ds(off, 16)])
        return carry
    lax.fori_loop(0, ngr, _wb_body, 0)

    @pl.when(sid == 0)
    def _():
        pltpu.sync_copy(degs, deg_hbm.at[cid])


BN = 400


def _tc_body(x_ref, p_ref, d_ref, woutT, bout, wrootT, wfcT, bfc,
             w1T, b1, w2T, b2, woT, bo, o_ref):
    xb = x_ref[...]
    psum = p_ref[0] + p_ref[1]
    d = d_ref[...]
    deg = 1.0 + d[:, 0:1] + d[:, 1:2]
    agg = (xb + psum) / deg
    h = (jnp.dot(agg, woutT[...], preferred_element_type=jnp.float32)
         + jnp.dot(xb, wrootT[...], preferred_element_type=jnp.float32)
         + bout[...])
    h = jnp.maximum(h, 0.0)
    h = jnp.dot(h, wfcT[...], preferred_element_type=jnp.float32) + bfc[...]
    h = jnp.where(h >= 0, h, 0.01 * h)
    h = jnp.dot(h, w1T[...], preferred_element_type=jnp.float32) + b1[...]
    h = jnp.dot(h, w2T[...], preferred_element_type=jnp.float32) + b2[...]
    h = jnp.dot(h, woT[...], preferred_element_type=jnp.float32) + bo[...]
    o_ref[...] = jax.nn.sigmoid(h)


def _tc_head(x, p, dT, woutT, bout, wrootT, wfcT, bfc, w1T, b1, w2T, b2,
             woT, bo, *, interpret=False):
    grid = N // BN
    full = lambda i: (0, 0)
    return pl.pallas_call(
        _tc_body,
        grid=(grid,),
        in_specs=[
            pl.BlockSpec((BN, C), lambda i: (i, 0)),
            pl.BlockSpec((NC, BN, C), lambda i: (0, i, 0)),
            pl.BlockSpec((BN, NC), lambda i: (i, 0)),
            pl.BlockSpec((C, C), full),
            pl.BlockSpec((1, C), full),
            pl.BlockSpec((C, C), full),
            pl.BlockSpec((C, C), full),
            pl.BlockSpec((1, C), full),
            pl.BlockSpec((C, C), full),
            pl.BlockSpec((1, C), full),
            pl.BlockSpec((C, 64), full),
            pl.BlockSpec((1, 64), full),
            pl.BlockSpec((64, 6), full),
            pl.BlockSpec((1, 6), full),
        ],
        out_specs=pl.BlockSpec((BN, 6), lambda i: (i, 0)),
        out_shape=jax.ShapeDtypeStruct((N, 6), jnp.float32),
        interpret=interpret,
    )(x, p, dT, woutT, bout, wrootT, wfcT, bfc, w1T, b1, w2T, b2, woT, bo)


def kernel(x, edge_index, batch_graph, W_out, b_out, W_root, W_fc, b_fc,
           W1, b1, W2, b2, Wo, bo):
    p, dpart = _sc_gather_scatter_kernel()(x, edge_index[0], edge_index[1])
    return _tc_head(
        x, p, dpart.T,
        W_out.T, b_out.reshape(1, -1),
        W_root.T,
        W_fc.T, b_fc.reshape(1, -1),
        W1.T, b1.reshape(1, -1),
        W2.T, b2.reshape(1, -1),
        Wo.T, bo.reshape(1, -1),
    )

# --- scband reference (transcript-rebuilt; emitter-appended) ---
"""Pipeline reference for scband-gcnconv-net-6184752906331 (READ-ONLY COPY).

The authoritative reference and input builder live on the scoring server;
editing this copy changes nothing except your own understanding.
"""

import jax, jax.numpy as jnp
import numpy as np

N, C, E, HID1, HID2, OUT, NGRAPH = 10000, 128, 320000, 128, 64, 6, 16


def setup_inputs(seed: int = 0) -> dict:
    key = jax.random.key(seed)
    ks = jax.random.split(key, 16)
    x = jax.random.normal(ks[0], (N, C), dtype=jnp.float32)
    edge_index = jax.random.randint(ks[1], (2, E), 0, N)
    batch_graph = jnp.sort(jax.random.randint(ks[2], (N,), 0, NGRAPH))
    s = 0.05
    W_out = jax.random.normal(ks[3], (C, C), dtype=jnp.float32) * s
    b_out = jax.random.normal(ks[4], (C,), dtype=jnp.float32) * s
    W_root = jax.random.normal(ks[5], (C, C), dtype=jnp.float32) * s
    W_fc = jax.random.normal(ks[6], (HID1, C), dtype=jnp.float32) * s
    b_fc = jax.random.normal(ks[7], (HID1,), dtype=jnp.float32) * s
    W1 = jax.random.normal(ks[8], (HID1, HID1), dtype=jnp.float32) * s
    b1 = jax.random.normal(ks[9], (HID1,), dtype=jnp.float32) * s
    W2 = jax.random.normal(ks[10], (HID2, HID1), dtype=jnp.float32) * s
    b2 = jax.random.normal(ks[11], (HID2,), dtype=jnp.float32) * s
    Wo = jax.random.normal(ks[12], (OUT, HID2), dtype=jnp.float32) * s
    bo = jax.random.normal(ks[13], (OUT,), dtype=jnp.float32) * s
    return {"x": x, "edge_index": edge_index, "batch_graph": batch_graph,
            "W_out": W_out, "b_out": b_out, "W_root": W_root,
            "W_fc": W_fc, "b_fc": b_fc, "W1": W1, "b1": b1,
            "W2": W2, "b2": b2, "Wo": Wo, "bo": bo}


def _leaky_relu(v, slope=0.01):
    return jnp.where(v >= 0, v, slope * v)


def reference(x, edge_index, batch_graph, W_out, b_out, W_root, W_fc, b_fc, W1, b1, W2, b2, Wo, bo):
    n = x.shape[0]
    diag_lambda = 0.0
    # ClusterGCNConv: remove self loops, add self loops
    row, col = edge_index[0], edge_index[1]
    mask = row != col
    loop = jnp.arange(n, dtype=row.dtype)
    row = jnp.concatenate([row, loop])
    col = jnp.concatenate([col, loop])
    valid = jnp.concatenate([mask.astype(jnp.float32), jnp.ones((n,), dtype=jnp.float32)])
    # degree of target nodes (col), clamped at 1
    deg = jnp.zeros((n,), dtype=jnp.float32).at[col].add(valid)
    deg_inv = 1.0 / jnp.clip(deg, 1.0)
    edge_weight = valid * deg_inv[col]
    edge_weight = edge_weight + jnp.where((row == col) & (valid > 0), diag_lambda * deg_inv[col], 0.0)
    # propagate: gather from source (row), weighted, scatter-add into target (col)
    msg = edge_weight[:, None] * jnp.take(x, row, axis=0)
    agg = jnp.zeros_like(x).at[col].add(msg)
    h = agg @ W_out.T + b_out + x @ W_root.T
    # net
    h = jnp.maximum(h, 0.0)                      # torch.relu
    h = _leaky_relu(h @ W_fc.T + b_fc)           # LeakyReLU(0.01)
    # dropout: eval mode -> identity
    h = h @ W1.T + b1
    h = h @ W2.T + b2
    h = h @ Wo.T + bo
    return jax.nn.sigmoid(h)

if __name__ == "__main__":
    import jax
    _d = setup_inputs()
    print(jax.jit(kernel)(*tuple(_d.values())))

</pallas_src>

<mosaic_0001>
#map = affine_map<(d0, d1) -> (0, 0)>
#map1 = affine_map<(d0, d1) -> (0)>
#map2 = affine_map<(d0, d1) -> (0, 0, 0)>
module attributes {stable_mosaic.version = 14 : i64} {
  func.func @_sc_body(%arg0: i32, %arg1: i32, %arg2: memref<10000x128xf32, #tpu.memory_space<hbm>>, %arg3: memref<320000xi32, #tpu.memory_space<hbm>>, %arg4: memref<320000xi32, #tpu.memory_space<hbm>>, %arg5: memref<2x10016x128xf32, #tpu.memory_space<hbm>>, %arg6: memref<2x10016xf32, #tpu.memory_space<hbm>>, %arg7: memref<10016x128xf32, #tpu.memory_space<vmem_shared>>, %arg8: memref<10016xf32, #tpu.memory_space<vmem_shared>>, %arg9: memref<128x128xf32, #tpu.memory_space<vmem>>, %arg10: memref<128x128xf32, #tpu.memory_space<vmem>>, %arg11: memref<128xi32, #tpu.memory_space<vmem>>, %arg12: memref<128xi32, #tpu.memory_space<vmem>>, %arg13: memref<128xi32, #tpu.memory_space<vmem>>, %arg14: memref<128xi32, #tpu.memory_space<vmem>>, %arg15: memref<16x128xf32, #tpu.memory_space<vmem>>, %arg16: memref<1024xf32, #tpu.memory_space<vmem>>, %arg17: memref<128xf32, #tpu.memory_space<vmem>>, %arg18: memref<!tpu.dma_semaphore, #tpu.memory_space<semaphore_mem>>, %arg19: memref<!tpu.dma_semaphore, #tpu.memory_space<semaphore_mem>>, %arg20: memref<!tpu.dma_semaphore, #tpu.memory_space<semaphore_mem>>, %arg21: memref<!tpu.dma_semaphore, #tpu.memory_space<semaphore_mem>>) attributes {dimension_semantics = [#tpu.dimension_semantics<core_parallel>, #tpu.dimension_semantics<subcore_parallel>], iteration_bounds = array<i64: 2, 16>, scalar_prefetch = 0 : i64, scratch_operands = 15 : i64, tpu.core_type = #tpu.core_type<sc_vector_subcore>, window_params = [{transform_indices = #map}, {transform_indices = #map1}, {transform_indices = #map1}, {transform_indices = #map2}, {transform_indices = #map}]} {
    %mul3A = arith.constant 2 : i32
    %mul3A_0 = arith.muli %arg1, %mul3A : i32
    %add3A = arith.addi %mul3A_0, %arg0 : i32
    %add3A_1 = arith.constant 0 : i32
    %add3A_2 = arith.addi %add3A, %add3A_1 : i32
    %mul3A_3 = arith.constant 128 : i32
    %mul3A_4 = arith.muli %add3A_2, %mul3A_3 : i32
    %multiple_of3A = tpu.assume_multiple %mul3A_4, 128 : i32
    %dma_start3A = tpu.memref_slice %arg3[%multiple_of3A] : memref<320000xi32, #tpu.memory_space<hbm>> -> memref<128xi32, #tpu.memory_space<hbm>>
    %dma_start3A_5 = tpu.memref_slice %arg3[%multiple_of3A] : memref<320000xi32, #tpu.memory_space<hbm>> -> memref<128xi32, #tpu.memory_space<hbm>>
    tpu.enqueue_dma source(%dma_start3A_5 : memref<128xi32, #tpu.memory_space<hbm>>) target(%arg11 : memref<128xi32, #tpu.memory_space<vmem>>) target_semaphore(%arg20 : memref<!tpu.dma_semaphore, #tpu.memory_space<semaphore_mem>>)
    %dma_start3A_6 = tpu.memref_slice %arg4[%multiple_of3A] : memref<320000xi32, #tpu.memory_space<hbm>> -> memref<128xi32, #tpu.memory_space<hbm>>
    %dma_start3A_7 = tpu.memref_slice %arg4[%multiple_of3A] : memref<320000xi32, #tpu.memory_space<hbm>> -> memref<128xi32, #tpu.memory_space<hbm>>
    tpu.enqueue_dma source(%dma_start3A_7 : memref<128xi32, #tpu.memory_space<hbm>>) target(%arg12 : memref<128xi32, #tpu.memory_space<vmem>>) target_semaphore(%arg20 : memref<!tpu.dma_semaphore, #tpu.memory_space<semaphore_mem>>)
    %add3A_8 = arith.constant 32 : i32
    %add3A_9 = arith.addi %add3A, %add3A_8 : i32
    %mul3A_10 = arith.constant 128 : i32
    %mul3A_11 = arith.muli %add3A_9, %mul3A_10 : i32
    %multiple_of3A_12 = tpu.assume_multiple %mul3A_11, 128 : i32
    %dma_start3A_13 = tpu.memref_slice %arg3[%multiple_of3A_12] : memref<320000xi32, #tpu.memory_space<hbm>> -> memref<128xi32, #tpu.memory_space<hbm>>
    %dma_start3A_14 = tpu.memref_slice %arg3[%multiple_of3A_12] : memref<320000xi32, #tpu.memory_space<hbm>> -> memref<128xi32, #tpu.memory_space<hbm>>
    tpu.enqueue_dma source(%dma_start3A_14 : memref<128xi32, #tpu.memory_space<hbm>>) target(%arg13 : memref<128xi32, #tpu.memory_space<vmem>>) target_semaphore(%arg21 : memref<!tpu.dma_semaphore, #tpu.memory_space<semaphore_mem>>)
    %dma_start3A_15 = tpu.memref_slice %arg4[%multiple_of3A_12] : memref<320000xi32, #tpu.memory_space<hbm>> -> memref<128xi32, #tpu.memory_space<hbm>>
    %dma_start3A_16 = tpu.memref_slice %arg4[%multiple_of3A_12] : memref<320000xi32, #tpu.memory_space<hbm>> -> memref<128xi32, #tpu.memory_space<hbm>>
    tpu.enqueue_dma source(%dma_start3A_16 : memref<128xi32, #tpu.memory_space<hbm>>) target(%arg14 : memref<128xi32, #tpu.memory_space<vmem>>) target_semaphore(%arg21 : memref<!tpu.dma_semaphore, #tpu.memory_space<semaphore_mem>>)
    %broadcast_in_dim3A = arith.constant 0.000000e+00 : f32
    %broadcast_in_dim3A_17 = vector.broadcast %broadcast_in_dim3A : f32 to vector<16xf32>
    %swap3A = arith.constant 0 : i32
    %swap3A_18 = arith.index_cast %swap3A : i32 to index
    %swap3A_19 = arith.constant 0 : index
    %swap3A_20 = tpu.vector_load %arg15[%swap3A_18, %swap3A_19] {strides = array<i32>} : memref<16x128xf32, #tpu.memory_space<vmem>>, vector<1x16xf32>,
    %swap3A_21 = vector.shape_cast %swap3A_20 : vector<1x16xf32> to vector<16xf32>
    %swap3A_22 = vector.shape_cast %broadcast_in_dim3A_17 : vector<16xf32> to vector<1x16xf32>
    tpu.vector_store %arg15[%swap3A_18, %swap3A_19], %swap3A_22 {strides = array<i32>} : memref<16x128xf32, #tpu.memory_space<vmem>>, vector<1x16xf32>,
    %swap3A_23 = arith.constant 0 : i32
    %swap3A_24 = arith.index_cast %swap3A_23 : i32 to index
    %swap3A_25 = arith.constant 16 : index
    %swap3A_26 = tpu.vector_load %arg15[%swap3A_24, %swap3A_25] {strides = array<i32>} : memref<16x128xf32, #tpu.memory_space<vmem>>, vector<1x16xf32>,
    %swap3A_27 = vector.shape_cast %swap3A_26 : vector<1x16xf32> to vector<16xf32>
    %swap3A_28 = vector.shape_cast %broadcast_in_dim3A_17 : vector<16xf32> to vector<1x16xf32>
    tpu.vector_store %arg15[%swap3A_24, %swap3A_25], %swap3A_28 {strides = array<i32>} : memref<16x128xf32, #tpu.memory_space<vmem>>, vector<1x16xf32>,
    %swap3A_29 = arith.constant 0 : i32
    %swap3A_30 = arith.index_cast %swap3A_29 : i32 to index
    %swap3A_31 = arith.constant 32 : index
    %swap3A_32 = tpu.vector_load %arg15[%swap3A_30, %swap3A_31] {strides = array<i32>} : memref<16x128xf32, #tpu.memory_space<vmem>>, vector<1x16xf32>,
    %swap3A_33 = vector.shape_cast %swap3A_32 : vector<1x16xf32> to vector<16xf32>
    %swap3A_34 = vector.shape_cast %broadcast_in_dim3A_17 : vector<16xf32> to vector<1x16xf32>
    tpu.vector_store %arg15[%swap3A_30, %swap3A_31], %swap3A_34 {strides = array<i32>} : memref<16x128xf32, #tpu.memory_space<vmem>>, vector<1x16xf32>,
    %swap3A_35 = arith.constant 0 : i32
    %swap3A_36 = arith.index_cast %swap3A_35 : i32 to index
    %swap3A_37 = arith.constant 48 : index
    %swap3A_38 = tpu.vector_load %arg15[%swap3A_36, %swap3A_37] {strides = array<i32>} : memref<16x128xf32, #tpu.memory_space<vmem>>, vector<1x16xf32>,
    %swap3A_39 = vector.shape_cast %swap3A_38 : vector<1x16xf32> to vector<16xf32>
    %swap3A_40 = vector.shape_cast %broadcast_in_dim3A_17 : vector<16xf32> to vector<1x16xf32>
    tpu.vector_store %arg15[%swap3A_36, %swap3A_37], %swap3A_40 {strides = array<i32>} : memref<16x128xf32, #tpu.memory_space<vmem>>, vector<1x16xf32>,
    %swap3A_41 = arith.constant 0 : i32
    %swap3A_42 = arith.index_cast %swap3A_41 : i32 to index
    %swap3A_43 = arith.constant 64 : index
    %swap3A_44 = tpu.vector_load %arg15[%swap3A_42, %swap3A_43] {strides = array<i32>} : memref<16x128xf32, #tpu.memory_space<vmem>>, vector<1x16xf32>,
    %swap3A_45 = vector.shape_cast %swap3A_44 : vector<1x16xf32> to vector<16xf32>
    %swap3A_46 = vector.shape_cast %broadcast_in_dim3A_17 : vector<16xf32> to vector<1x16xf32>
    tpu.vector_store %arg15[%swap3A_42, %swap3A_43], %swap3A_46 {strides = array<i32>} : memref<16x128xf32, #tpu.memory_space<vmem>>, vector<1x16xf32>,
    %swap3A_47 = arith.constant 0 : i32
    %swap3A_48 = arith.index_cast %swap3A_47 : i32 to index
    %swap3A_49 = arith.constant 80 : index
    %swap3A_50 = tpu.vector_load %arg15[%swap3A_48, %swap3A_49] {strides = array<i32>} : memref<16x128xf32, #tpu.memory_space<vmem>>, vector<1x16xf32>,
    %swap3A_51 = vector.shape_cast %swap3A_50 : vector<1x16xf32> to vector<16xf32>
    %swap3A_52 = vector.shape_cast %broadcast_in_dim3A_17 : vector<16xf32> to vector<1x16xf32>
    tpu.vector_store %arg15[%swap3A_48, %swap3A_49], %swap3A_52 {strides = array<i32>} : memref<16x128xf32, #tpu.memory_space<vmem>>, vector<1x16xf32>,
    %swap3A_53 = arith.constant 0 : i32
    %swap3A_54 = arith.index_cast %swap3A_53 : i32 to index
    %swap3A_55 = arith.constant 96 : index
    %swap3A_56 = tpu.vector_load %arg15[%swap3A_54, %swap3A_55] {strides = array<i32>} : memref<16x128xf32, #tpu.memory_space<vmem>>, vector<1x16xf32>,
    %swap3A_57 = vector.shape_cast %swap3A_56 : vector<1x16xf32> to vector<16xf32>
    %swap3A_58 = vector.shape_cast %broadcast_in_dim3A_17 : vector<16xf32> to vector<1x16xf32>
    tpu.vector_store %arg15[%swap3A_54, %swap3A_55], %swap3A_58 {strides = array<i32>} : memref<16x128xf32, #tpu.memory_space<vmem>>, vector<1x16xf32>,
    %swap3A_59 = arith.constant 0 : i32
    %swap3A_60 = arith.index_cast %swap3A_59 : i32 to index
    %swap3A_61 = arith.constant 112 : index
    %swap3A_62 = tpu.vector_load %arg15[%swap3A_60, %swap3A_61] {strides = array<i32>} : memref<16x128xf32, #tpu.memory_space<vmem>>, vector<1x16xf32>,
    %swap3A_63 = vector.shape_cast %swap3A_62 : vector<1x16xf32> to vector<16xf32>
    %swap3A_64 = vector.shape_cast %broadcast_in_dim3A_17 : vector<16xf32> to vector<1x16xf32>
    tpu.vector_store %arg15[%swap3A_60, %swap3A_61], %swap3A_64 {strides = array<i32>} : memref<16x128xf32, #tpu.memory_space<vmem>>, vector<1x16xf32>,
    %swap3A_65 = arith.constant 1 : i32
    %swap3A_66 = arith.index_cast %swap3A_65 : i32 to index
    %swap3A_67 = arith.constant 0 : index
    %swap3A_68 = tpu.vector_load %arg15[%swap3A_66, %swap3A_67] {strides = array<i32>} : memref<16x128xf32, #tpu.memory_space<vmem>>, vector<1x16xf32>,
    %swap3A_69 = vector.shape_cast %swap3A_68 : vector<1x16xf32> to vector<16xf32>
    %swap3A_70 = vector.shape_cast %broadcast_in_dim3A_17 : vector<16xf32> to vector<1x16xf32>
    tpu.vector_store %arg15[%swap3A_66, %swap3A_67], %swap3A_70 {strides = array<i32>} : memref<16x128xf32, #tpu.memory_space<vmem>>, vector<1x16xf32>,
    %swap3A_71 = arith.constant 1 : i32
    %swap3A_72 = arith.index_cast %swap3A_71 : i32 to index
    %swap3A_73 = arith.constant 16 : index
    %swap3A_74 = tpu.vector_load %arg15[%swap3A_72, %swap3A_73] {strides = array<i32>} : memref<16x128xf32, #tpu.memory_space<vmem>>, vector<1x16xf32>,
    %swap3A_75 = vector.shape_cast %swap3A_74 : vector<1x16xf32> to vector<16xf32>
    %swap3A_76 = vector.shape_cast %broadcast_in_dim3A_17 : vector<16xf32> to vector<1x16xf32>
    tpu.vector_store %arg15[%swap3A_72, %swap3A_73], %swap3A_76 {strides = array<i32>} : memref<16x128xf32, #tpu.memory_space<vmem>>, vector<1x16xf32>,
    %swap3A_77 = arith.constant 1 : i32
    %swap3A_78 = arith.index_cast %swap3A_77 : i32 to index
    %swap3A_79 = arith.constant 32 : index
    %swap3A_80 = tpu.vector_load %arg15[%swap3A_78, %swap3A_79] {strides = array<i32>} : memref<16x128xf32, #tpu.memory_space<vmem>>, vector<1x16xf32>,
    %swap3A_81 = vector.shape_cast %swap3A_80 : vector<1x16xf32> to vector<16xf32>
    %swap3A_82 = vector.shape_cast %broadcast_in_dim3A_17 : vector<16xf32> to vector<1x16xf32>
    tpu.vector_store %arg15[%swap3A_78, %swap3A_79], %swap3A_82 {strides = array<i32>} : memref<16x128xf32, #tpu.memory_space<vmem>>, vector<1x16xf32>,
    %swap3A_83 = arith.constant 1 : i32
    %swap3A_84 = arith.index_cast %swap3A_83 : i32 to index
    %swap3A_85 = arith.constant 48 : index
    %swap3A_86 = tpu.vector_load %arg15[%swap3A_84, %swap3A_85] {strides = array<i32>} : memref<16x128xf32, #tpu.memory_space<vmem>>, vector<1x16xf32>,
    %swap3A_87 = vector.shape_cast %swap3A_86 : vector<1x16xf32> to vector<16xf32>
    %swap3A_88 = vector.shape_cast %broadcast_in_dim3A_17 : vector<16xf32> to vector<1x16xf32>
    tpu.vector_store %arg15[%swap3A_84, %swap3A_85], %swap3A_88 {strides = array<i32>} : memref<16x128xf32, #tpu.memory_space<vmem>>, vector<1x16xf32>,
    %swap3A_89 = arith.constant 1 : i32
    %swap3A_90 = arith.index_cast %swap3A_89 : i32 to index
    %swap3A_91 = arith.constant 64 : index
    %swap3A_92 = tpu.vector_load %arg15[%swap3A_90, %swap3A_91] {strides = array<i32>} : memref<16x128xf32, #tpu.memory_space<vmem>>, vector<1x16xf32>,
    %swap3A_93 = vector.shape_cast %swap3A_92 : vector<1x16xf32> to vector<16xf32>
    %swap3A_94 = vector.shape_cast %broadcast_in_dim3A_17 : vector<16xf32> to vector<1x16xf32>
    tpu.vector_store %arg15[%swap3A_90, %swap3A_91], %swap3A_94 {strides = array<i32>} : memref<16x128xf32, #tpu.memory_space<vmem>>, vector<1x16xf32>,
    %swap3A_95 = arith.constant 1 : i32
    %swap3A_96 = arith.index_cast %swap3A_95 : i32 to index
    %swap3A_97 = arith.constant 80 : index
    %swap3A_98 = tpu.vector_load %arg15[%swap3A_96, %swap3A_97] {strides = array<i32>} : memref<16x128xf32, #tpu.memory_space<vmem>>, vector<1x16xf32>,
    %swap3A_99 = vector.shape_cast %swap3A_98 : vector<1x16xf32> to vector<16xf32>
    %swap3A_100 = vector.shape_cast %broadcast_in_dim3A_17 : vector<16xf32> to vector<1x16xf32>
    tpu.vector_store %arg15[%swap3A_96, %swap3A_97], %swap3A_100 {strides = array<i32>} : memref<16x128xf32, #tpu.memory_space<vmem>>, vector<1x16xf32>,
    %swap3A_101 = arith.constant 1 : i32
    %swap3A_102 = arith.index_cast %swap3A_101 : i32 to index
    %swap3A_103 = arith.constant 96 : index
    %swap3A_104 = tpu.vector_load %arg15[%swap3A_102, %swap3A_103] {strides = array<i32>} : memref<16x128xf32, #tpu.memory_space<vmem>>, vector<1x16xf32>,
    %swap3A_105 = vector.shape_cast %swap3A_104 : vector<1x16xf32> to vector<16xf32>
    %swap3A_106 = vector.shape_cast %broadcast_in_dim3A_17 : vector<16xf32> to vector<1x16xf32>
    tpu.vector_store %arg15[%swap3A_102, %swap3A_103], %swap3A_106 {strides = array<i32>} : memref<16x128xf32, #tpu.memory_space<vmem>>, vector<1x16xf32>,
    %swap3A_107 = arith.constant 1 : i32
    %swap3A_108 = arith.index_cast %swap3A_107 : i32 to index
    %swap3A_109 = arith.constant 112 : index
    %swap3A_110 = tpu.vector_load %arg15[%swap3A_108, %swap3A_109] {strides = array<i32>} : memref<16x128xf32, #tpu.memory_space<vmem>>, vector<1x16xf32>,
    %swap3A_111 = vector.shape_cast %swap3A_110 : vector<1x16xf32> to vector<16xf32>
    %swap3A_112 = vector.shape_cast %broadcast_in_dim3A_17 : vector<16xf32> to vector<1x16xf32>
    tpu.vector_store %arg15[%swap3A_108, %swap3A_109], %swap3A_112 {strides = array<i32>} : memref<16x128xf32, #tpu.memory_space<vmem>>, vector<1x16xf32>,
    %swap3A_113 = arith.constant 2 : i32
    %swap3A_114 = arith.index_cast %swap3A_113 : i32 to index
    %swap3A_115 = arith.constant 0 : index
    %swap3A_116 = tpu.vector_load %arg15[%swap3A_114, %swap3A_115] {strides = array<i32>} : memref<16x128xf32, #tpu.memory_space<vmem>>, vector<1x16xf32>,
    %swap3A_117 = vector.shape_cast %swap3A_116 : vector<1x16xf32> to vector<16xf32>
    %swap3A_118 = vector.shape_cast %broadcast_in_dim3A_17 : vector<16xf32> to vector<1x16xf32>
    tpu.vector_store %arg15[%swap3A_114, %swap3A_115], %swap3A_118 {strides = array<i32>} : memref<16x128xf32, #tpu.memory_space<vmem>>, vector<1x16xf32>,
    %swap3A_119 = arith.constant 2 : i32
    %swap3A_120 = arith.index_cast %swap3A_119 : i32 to index
    %swap3A_121 = arith.constant 16 : index
    %swap3A_122 = tpu.vector_load %arg15[%swap3A_120, %swap3A_121] {strides = array<i32>} : memref<16x128xf32, #tpu.memory_space<vmem>>, vector<1x16xf32>,
    %swap3A_123 = vector.shape_cast %swap3A_122 : vector<1x16xf32> to vector<16xf32>
    %swap3A_124 = vector.shape_cast %broadcast_in_dim3A_17 : vector<16xf32> to vector<1x16xf32>
    tpu.vector_store %arg15[%swap3A_120, %swap3A_121], %swap3A_124 {strides = array<i32>} : memref<16x128xf32, #tpu.memory_space<vmem>>, vector<1x16xf32>,
    %swap3A_125 = arith.constant 2 : i32
    %swap3A_126 = arith.index_cast %swap3A_125 : i32 to index
    %swap3A_127 = arith.constant 32 : index
    %swap3A_128 = tpu.vector_load %arg15[%swap3A_126, %swap3A_127] {strides = array<i32>} : memref<16x128xf32, #tpu.memory_space<vmem>>, vector<1x16xf32>,
    %swap3A_129 = vector.shape_cast %swap3A_128 : vector<1x16xf32> to vector<16xf32>
    %swap3A_130 = vector.shape_cast %broadcast_in_dim3A_17 : vector<16xf32> to vector<1x16xf32>
    tpu.vector_store %arg15[%swap3A_126, %swap3A_127], %swap3A_130 {strides = array<i32>} : memref<16x128xf32, #tpu.memory_space<vmem>>, vector<1x16xf32>,
    %swap3A_131 = arith.constant 2 : i32
    %swap3A_132 = arith.index_cast %swap3A_131 : i32 to index
    %swap3A_133 = arith.constant 48 : index
    %swap3A_134 = tpu.vector_load %arg15[%swap3A_132, %swap3A_133] {strides = array<i32>} : memref<16x128xf32, #tpu.memory_space<vmem>>, vector<1x16xf32>,
    %swap3A_135 = vector.shape_cast %swap3A_134 : vector<1x16xf32> to vector<16xf32>
    %swap3A_136 = vector.shape_cast %broadcast_in_dim3A_17 : vector<16xf32> to vector<1x16xf32>
    tpu.vector_store %arg15[%swap3A_132, %swap3A_133], %swap3A_136 {strides = array<i32>} : memref<16x128xf32, #tpu.memory_space<vmem>>, vector<1x16xf32>,
    %swap3A_137 = arith.constant 2 : i32
    %swap3A_138 = arith.index_cast %swap3A_137 : i32 to index
    %swap3A_139 = arith.constant 64 : index
    %swap3A_140 = tpu.vector_load %arg15[%swap3A_138, %swap3A_139] {strides = array<i32>} : memref<16x128xf32, #tpu.memory_space<vmem>>, vector<1x16xf32>,
    %swap3A_141 = vector.shape_cast %swap3A_140 : vector<1x16xf32> to vector<16xf32>
    %swap3A_142 = vector.shape_cast %broadcast_in_dim3A_17 : vector<16xf32> to vector<1x16xf32>
    tpu.vector_store %arg15[%swap3A_138, %swap3A_139], %swap3A_142 {strides = array<i32>} : memref<16x128xf32, #tpu.memory_space<vmem>>, vector<1x16xf32>,
    %swap3A_143 = arith.constant 2 : i32
    %swap3A_144 = arith.index_cast %swap3A_143 : i32 to index
    %swap3A_145 = arith.constant 80 : index
    %swap3A_146 = tpu.vector_load %arg15[%swap3A_144, %swap3A_145] {strides = array<i32>} : memref<16x128xf32, #tpu.memory_space<vmem>>, vector<1x16xf32>,
    %swap3A_147 = vector.shape_cast %swap3A_146 : vector<1x16xf32> to vector<16xf32>
    %swap3A_148 = vector.shape_cast %broadcast_in_dim3A_17 : vector<16xf32> to vector<1x16xf32>
    tpu.vector_store %arg15[%swap3A_144, %swap3A_145], %swap3A_148 {strides = array<i32>} : memref<16x128xf32, #tpu.memory_space<vmem>>, vector<1x16xf32>,
    %swap3A_149 = arith.constant 2 : i32
    %swap3A_150 = arith.index_cast %swap3A_149 : i32 to index
    %swap3A_151 = arith.constant 96 : index
    %swap3A_152 = tpu.vector_load %arg15[%swap3A_150, %swap3A_151] {strides = array<i32>} : memref<16x128xf32, #tpu.memory_space<vmem>>, vector<1x16xf32>,
    %swap3A_153 = vector.shape_cast %swap3A_152 : vector<1x16xf32> to vector<16xf32>
    %swap3A_154 = vector.shape_cast %broadcast_in_dim3A_17 : vector<16xf32> to vector<1x16xf32>
    tpu.vector_store %arg15[%swap3A_150, %swap3A_151], %swap3A_154 {strides = array<i32>} : memref<16x128xf32, #tpu.memory_space<vmem>>, vector<1x16xf32>,
    %swap3A_155 = arith.constant 2 : i32
    %swap3A_156 = arith.index_cast %swap3A_155 : i32 to index
    %swap3A_157 = arith.constant 112 : index
    %swap3A_158 = tpu.vector_load %arg15[%swap3A_156, %swap3A_157] {strides = array<i32>} : memref<16x128xf32, #tpu.memory_space<vmem>>, vector<1x16xf32>,
    %swap3A_159 = vector.shape_cast %swap3A_158 : vector<1x16xf32> to vector<16xf32>
    %swap3A_160 = vector.shape_cast %broadcast_in_dim3A_17 : vector<16xf32> to vector<1x16xf32>
    tpu.vector_store %arg15[%swap3A_156, %swap3A_157], %swap3A_160 {strides = array<i32>} : memref<16x128xf32, #tpu.memory_space<vmem>>, vector<1x16xf32>,
    %swap3A_161 = arith.constant 3 : i32
    %swap3A_162 = arith.index_cast %swap3A_161 : i32 to index
    %swap3A_163 = arith.constant 0 : index
    %swap3A_164 = tpu.vector_load %arg15[%swap3A_162, %swap3A_163] {strides = array<i32>} : memref<16x128xf32, #tpu.memory_space<vmem>>, vector<1x16xf32>,
    %swap3A_165 = vector.shape_cast %swap3A_164 : vector<1x16xf32> to vector<16xf32>
    %swap3A_166 = vector.shape_cast %broadcast_in_dim3A_17 : vector<16xf32> to vector<1x16xf32>
    tpu.vector_store %arg15[%swap3A_162, %swap3A_163], %swap3A_166 {strides = array<i32>} : memref<16x128xf32, #tpu.memory_space<vmem>>, vector<1x16xf32>,
    %swap3A_167 = arith.constant 3 : i32
    %swap3A_168 = arith.index_cast %swap3A_167 : i32 to index
    %swap3A_169 = arith.constant 16 : index
    %swap3A_170 = tpu.vector_load %arg15[%swap3A_168, %swap3A_169] {strides = array<i32>} : memref<16x128xf32, #tpu.memory_space<vmem>>, vector<1x16xf32>,
    %swap3A_171 = vector.shape_cast %swap3A_170 : vector<1x16xf32> to vector<16xf32>
    %swap3A_172 = vector.shape_cast %broadcast_in_dim3A_17 : vector<16xf32> to vector<1x16xf32>
    tpu.vector_store %arg15[%swap3A_168, %swap3A_169], %swap3A_172 {strides = array<i32>} : memref<16x128xf32, #tpu.memory_space<vmem>>, vector<1x16xf32>,
    %swap3A_173 = arith.constant 3 : i32
    %swap3A_174 = arith.index_cast %swap3A_173 : i32 to index
    %swap3A_175 = arith.constant 32 : index
    %swap3A_176 = tpu.vector_load %arg15[%swap3A_174, %swap3A_175] {strides = array<i32>} : memref<16x128xf32, #tpu.memory_space<vmem>>, vector<1x16xf32>,
    %swap3A_177 = vector.shape_cast %swap3A_176 : vector<1x16xf32> to vector<16xf32>
    %swap3A_178 = vector.shape_cast %broadcast_in_dim3A_17 : vector<16xf32> to vector<1x16xf32>
    tpu.vector_store %arg15[%swap3A_174, %swap3A_175], %swap3A_178 {strides = array<i32>} : memref<16x128xf32, #tpu.memory_space<vmem>>, vector<1x16xf32>,
    %swap3A_179 = arith.constant 3 : i32
    %swap3A_180 = arith.index_cast %swap3A_179 : i32 to index
    %swap3A_181 = arith.constant 48 : index
    %swap3A_182 = tpu.vector_load %arg15[%swap3A_180, %swap3A_181] {strides = array<i32>} : memref<16x128xf32, #tpu.memory_space<vmem>>, vector<1x16xf32>,
    %swap3A_183 = vector.shape_cast %swap3A_182 : vector<1x16xf32> to vector<16xf32>
    %swap3A_184 = vector.shape_cast %broadcast_in_dim3A_17 : vector<16xf32> to vector<1x16xf32>
    tpu.vector_store %arg15[%swap3A_180, %swap3A_181], %swap3A_184 {strides = array<i32>} : memref<16x128xf32, #tpu.memory_space<vmem>>, vector<1x16xf32>,
    %swap3A_185 = arith.constant 3 : i32
    %swap3A_186 = arith.index_cast %swap3A_185 : i32 to index
    %swap3A_187 = arith.constant 64 : index
    %swap3A_188 = tpu.vector_load %arg15[%swap3A_186, %swap3A_187] {strides = array<i32>} : memref<16x128xf32, #tpu.memory_space<vmem>>, vector<1x16xf32>,
    %swap3A_189 = vector.shape_cast %swap3A_188 : vector<1x16xf32> to vector<16xf32>
    %swap3A_190 = vector.shape_cast %broadcast_in_dim3A_17 : vector<16xf32> to vector<1x16xf32>
    tpu.vector_store %arg15[%swap3A_186, %swap3A_187], %swap3A_190 {strides = array<i32>} : memref<16x128xf32, #tpu.memory_space<vmem>>, vector<1x16xf32>,
    %swap3A_191 = arith.constant 3 : i32
    %swap3A_192 = arith.index_cast %swap3A_191 : i32 to index
    %swap3A_193 = arith.constant 80 : index
    %swap3A_194 = tpu.vector_load %arg15[%swap3A_192, %swap3A_193] {strides = array<i32>} : memref<16x128xf32, #tpu.memory_space<vmem>>, vector<1x16xf32>,
    %swap3A_195 = vector.shape_cast %swap3A_194 : vector<1x16xf32> to vector<16xf32>
    %swap3A_196 = vector.shape_cast %broadcast_in_dim3A_17 : vector<16xf32> to vector<1x16xf32>
    tpu.vector_store %arg15[%swap3A_192, %swap3A_193], %swap3A_196 {strides = array<i32>} : memref<16x128xf32, #tpu.memory_space<vmem>>, vector<1x16xf32>,
    %swap3A_197 = arith.constant 3 : i32
    %swap3A_198 = arith.index_cast %swap3A_197 : i32 to index
    %swap3A_199 = arith.constant 96 : index
    %swap3A_200 = tpu.vector_load %arg15[%swap3A_198, %swap3A_199] {strides = array<i32>} : memref<16x128xf32, #tpu.memory_space<vmem>>, vector<1x16xf32>,
    %swap3A_201 = vector.shape_cast %swap3A_200 : vector<1x16xf32> to vector<16xf32>
    %swap3A_202 = vector.shape_cast %broadcast_in_dim3A_17 : vector<16xf32> to vector<1x16xf32>
    tpu.vector_store %arg15[%swap3A_198, %swap3A_199], %swap3A_202 {strides = array<i32>} : memref<16x128xf32, #tpu.memory_space<vmem>>, vector<1x16xf32>,
    %swap3A_203 = arith.constant 3 : i32
    %swap3A_204 = arith.index_cast %swap3A_203 : i32 to index
    %swap3A_205 = arith.constant 112 : index
    %swap3A_206 = tpu.vector_load %arg15[%swap3A_204, %swap3A_205] {strides = array<i32>} : memref<16x128xf32, #tpu.memory_space<vmem>>, vector<1x16xf32>,
    %swap3A_207 = vector.shape_cast %swap3A_206 : vector<1x16xf32> to vector<16xf32>
    %swap3A_208 = vector.shape_cast %broadcast_in_dim3A_17 : vector<16xf32> to vector<1x16xf32>
    tpu.vector_store %arg15[%swap3A_204, %swap3A_205], %swap3A_208 {strides = array<i32>} : memref<16x128xf32, #tpu.memory_space<vmem>>, vector<1x16xf32>,
    %swap3A_209 = arith.constant 4 : i32
    %swap3A_210 = arith.index_cast %swap3A_209 : i32 to index
    %swap3A_211 = arith.constant 0 : index
    %swap3A_212 = tpu.vector_load %arg15[%swap3A_210, %swap3A_211] {strides = array<i32>} : memref<16x128xf32, #tpu.memory_space<vmem>>, vector<1x16xf32>,
    %swap3A_213 = vector.shape_cast %swap3A_212 : vector<1x16xf32> to vector<16xf32>
    %swap3A_214 = vector.shape_cast %broadcast_in_dim3A_17 : vector<16xf32> to vector<1x16xf32>
    tpu.vector_store %arg15[%swap3A_210, %swap3A_211], %swap3A_214 {strides = array<i32>} : memref<16x128xf32, #tpu.memory_space<vmem>>, vector<1x16xf32>,
    %swap3A_215 = arith.constant 4 : i32
    %swap3A_216 = arith.index_cast %swap3A_215 : i32 to index
    %swap3A_217 = arith.constant 16 : index
    %swap3A_218 = tpu.vector_load %arg15[%swap3A_216, %swap3A_217] {strides = array<i32>} : memref<16x128xf32, #tpu.memory_space<vmem>>, vector<1x16xf32>,
    %swap3A_219 = vector.shape_cast %swap3A_218 : vector<1x16xf32> to vector<16xf32>
    %swap3A_220 = vector.shape_cast %broadcast_in_dim3A_17 : vector<16xf32> to vector<1x16xf32>
    tpu.vector_store %arg15[%swap3A_216, %swap3A_217], %swap3A_220 {strides = array<i32>} : memref<16x128xf32, #tpu.memory_space<vmem>>, vector<1x16xf32>,
    %swap3A_221 = arith.constant 4 : i32
    %swap3A_222 = arith.index_cast %swap3A_221 : i32 to index
    %swap3A_223 = arith.constant 32 : index
    %swap3A_224 = tpu.vector_load %arg15[%swap3A_222, %swap3A_223] {strides = array<i32>} : memref<16x128xf32, #tpu.memory_space<vmem>>, vector<1x16xf32>,
    %swap3A_225 = vector.shape_cast %swap3A_224 : vector<1x16xf32> to vector<16xf32>
    %swap3A_226 = vector.shape_cast %broadcast_in_dim3A_17 : vector<16xf32> to vector<1x16xf32>
    tpu.vector_store %arg15[%swap3A_222, %swap3A_223], %swap3A_226 {strides = array<i32>} : memref<16x128xf32, #tpu.memory_space<vmem>>, vector<1x16xf32>,
    %swap3A_227 = arith.constant 4 : i32
    %swap3A_228 = arith.index_cast %swap3A_227 : i32 to index
    %swap3A_229 = arith.constant 48 : index
    %swap3A_230 = tpu.vector_load %arg15[%swap3A_228, %swap3A_229] {strides = array<i32>} : memref<16x128xf32, #tpu.memory_space<vmem>>, vector<1x16xf32>,
    %swap3A_231 = vector.shape_cast %swap3A_230 : vector<1x16xf32> to vector<16xf32>
    %swap3A_232 = vector.shape_cast %broadcast_in_dim3A_17 : vector<16xf32> to vector<1x16xf32>
    tpu.vector_store %arg15[%swap3A_228, %swap3A_229], %swap3A_232 {strides = array<i32>} : memref<16x128xf32, #tpu.memory_space<vmem>>, vector<1x16xf32>,
    %swap3A_233 = arith.constant 4 : i32
    %swap3A_234 = arith.index_cast %swap3A_233 : i32 to index
    %swap3A_235 = arith.constant 64 : index
    %swap3A_236 = tpu.vector_load %arg15[%swap3A_234, %swap3A_235] {strides = array<i32>} : memref<16x128xf32, #tpu.memory_space<vmem>>, vector<1x16xf32>,
    %swap3A_237 = vector.shape_cast %swap3A_236 : vector<1x16xf32> to vector<16xf32>
    %swap3A_238 = vector.shape_cast %broadcast_in_dim3A_17 : vector<16xf32> to vector<1x16xf32>
    tpu.vector_store %arg15[%swap3A_234, %swap3A_235], %swap3A_238 {strides = array<i32>} : memref<16x128xf32, #tpu.memory_space<vmem>>, vector<1x16xf32>,
    %swap3A_239 = arith.constant 4 : i32
    %swap3A_240 = arith.index_cast %swap3A_239 : i32 to index
    %swap3A_241 = arith.constant 80 : index
    %swap3A_242 = tpu.vector_load %arg15[%swap3A_240, %swap3A_241] {strides = array<i32>} : memref<16x128xf32, #tpu.memory_space<vmem>>, vector<1x16xf32>,
    %swap3A_243 = vector.shape_cast %swap3A_242 : vector<1x16xf32> to vector<16xf32>
    %swap3A_244 = vector.shape_cast %broadcast_in_dim3A_17 : vector<16xf32> to vector<1x16xf32>
    tpu.vector_store %arg15[%swap3A_240, %swap3A_241], %swap3A_244 {strides = array<i32>} : memref<16x128xf32, #tpu.memory_space<vmem>>, vector<1x16xf32>,
    %swap3A_245 = arith.constant 4 : i32
    %swap3A_246 = arith.index_cast %swap3A_245 : i32 to index
    %swap3A_247 = arith.constant 96 : index
    %swap3A_248 = tpu.vector_load %arg15[%swap3A_246, %swap3A_247] {strides = array<i32>} : memref<16x128xf32, #tpu.memory_space<vmem>>, vector<1x16xf32>,
    %swap3A_249 = vector.shape_cast %swap3A_248 : vector<1x16xf32> to vector<16xf32>
    %swap3A_250 = vector.shape_cast %broadcast_in_dim3A_17 : vector<16xf32> to vector<1x16xf32>
    tpu.vector_store %arg15[%swap3A_246, %swap3A_247], %swap3A_250 {strides = array<i32>} : memref<16x128xf32, #tpu.memory_space<vmem>>, vector<1x16xf32>,
    %swap3A_251 = arith.constant 4 : i32
    %swap3A_252 = arith.index_cast %swap3A_251 : i32 to index
    %swap3A_253 = arith.constant 112 : index
    %swap3A_254 = tpu.vector_load %arg15[%swap3A_252, %swap3A_253] {strides = array<i32>} : memref<16x128xf32, #tpu.memory_space<vmem>>, vector<1x16xf32>,
    %swap3A_255 = vector.shape_cast %swap3A_254 : vector<1x16xf32> to vector<16xf32>
    %swap3A_256 = vector.shape_cast %broadcast_in_dim3A_17 : vector<16xf32> to vector<1x16xf32>
    tpu.vector_store %arg15[%swap3A_252, %swap3A_253], %swap3A_256 {strides = array<i32>} : memref<16x128xf32, #tpu.memory_space<vmem>>, vector<1x16xf32>,
    %swap3A_257 = arith.constant 5 : i32
    %swap3A_258 = arith.index_cast %swap3A_257 : i32 to index
    %swap3A_259 = arith.constant 0 : index
    %swap3A_260 = tpu.vector_load %arg15[%swap3A_258, %swap3A_259] {strides = array<i32>} : memref<16x128xf32, #tpu.memory_space<vmem>>, vector<1x16xf32>,
    %swap3A_261 = vector.shape_cast %swap3A_260 : vector<1x16xf32> to vector<16xf32>
    %swap3A_262 = vector.shape_cast %broadcast_in_dim3A_17 : vector<16xf32> to vector<1x16xf32>
    tpu.vector_store %arg15[%swap3A_258, %swap3A_259], %swap3A_262 {strides = array<i32>} : memref<16x128xf32, #tpu.memory_space<vmem>>, vector<1x16xf32>,
    %swap3A_263 = arith.constant 5 : i32
    %swap3A_264 = arith.index_cast %swap3A_263 : i32 to index
    %swap3A_265 = arith.constant 16 : index
    %swap3A_266 = tpu.vector_load %arg15[%swap3A_264, %swap3A_265] {strides = array<i32>} : memref<16x128xf32, #tpu.memory_space<vmem>>, vector<1x16xf32>,
    %swap3A_267 = vector.shape_cast %swap3A_266 : vector<1x16xf32> to vector<16xf32>
    %swap3A_268 = vector.shape_cast %broadcast_in_dim3A_17 : vector<16xf32> to vector<1x16xf32>
    tpu.vector_store %arg15[%swap3A_264, %swap3A_265], %swap3A_268 {strides = array<i32>} : memref<16x128xf32, #tpu.memory_space<vmem>>, vector<1x16xf32>,
    %swap3A_269 = arith.constant 5 : i32
    %swap3A_270 = arith.index_cast %swap3A_269 : i32 to index
    %swap3A_271 = arith.constant 32 : index
    %swap3A_272 = tpu.vector_load %arg15[%swap3A_270, %swap3A_271] {strides = array<i32>} : memref<16x128xf32, #tpu.memory_space<vmem>>, vector<1x16xf32>,
    %swap3A_273 = vector.shape_cast %swap3A_272 : vector<1x16xf32> to vector<16xf32>
    %swap3A_274 = vector.shape_cast %broadcast_in_dim3A_17 : vector<16xf32> to vector<1x16xf32>
    tpu.vector_store %arg15[%swap3A_270, %swap3A_271], %swap3A_274 {strides = array<i32>} : memref<16x128xf32, #tpu.memory_space<vmem>>, vector<1x16xf32>,
    %swap3A_275 = arith.constant 5 : i32
    %swap3A_276 = arith.index_cast %swap3A_275 : i32 to index
    %swap3A_277 = arith.constant 48 : index
    %swap3A_278 = tpu.vector_load %arg15[%swap3A_276, %swap3A_277] {strides = array<i32>} : memref<16x128xf32, #tpu.memory_space<vmem>>, vector<1x16xf32>,
    %swap3A_279 = vector.shape_cast %swap3A_278 : vector<1x16xf32> to vector<16xf32>
    %swap3A_280 = vector.shape_cast %broadcast_in_dim3A_17 : vector<16xf32> to vector<1x16xf32>
    tpu.vector_store %arg15[%swap3A_276, %swap3A_277], %swap3A_280 {strides = array<i32>} : memref<16x128xf32, #tpu.memory_space<vmem>>, vector<1x16xf32>,
    %swap3A_281 = arith.constant 5 : i32
    %swap3A_282 = arith.index_cast %swap3A_281 : i32 to index
    %swap3A_283 = arith.constant 64 : index
    %swap3A_284 = tpu.vector_load %arg15[%swap3A_282, %swap3A_283] {strides = array<i32>} : memref<16x128xf32, #tpu.memory_space<vmem>>, vector<1x16xf32>,
    %swap3A_285 = vector.shape_cast %swap3A_284 : vector<1x16xf32> to vector<16xf32>
    %swap3A_286 = vector.shape_cast %broadcast_in_dim3A_17 : vector<16xf32> to vector<1x16xf32>
    tpu.vector_store %arg15[%swap3A_282, %swap3A_283], %swap3A_286 {strides = array<i32>} : memref<16x128xf32, #tpu.memory_space<vmem>>, vector<1x16xf32>,
    %swap3A_287 = arith.constant 5 : i32
    %swap3A_288 = arith.index_cast %swap3A_287 : i32 to index
    %swap3A_289 = arith.constant 80 : index
    %swap3A_290 = tpu.vector_load %arg15[%swap3A_288, %swap3A_289] {strides = array<i32>} : memref<16x128xf32, #tpu.memory_space<vmem>>, vector<1x16xf32>,
    %swap3A_291 = vector.shape_cast %swap3A_290 : vector<1x16xf32> to vector<16xf32>
    %swap3A_292 = vector.shape_cast %broadcast_in_dim3A_17 : vector<16xf32> to vector<1x16xf32>
    tpu.vector_store %arg15[%swap3A_288, %swap3A_289], %swap3A_292 {strides = array<i32>} : memref<16x128xf32, #tpu.memory_space<vmem>>, vector<1x16xf32>,
    %swap3A_293 = arith.constant 5 : i32
    %swap3A_294 = arith.index_cast %swap3A_293 : i32 to index
    %swap3A_295 = arith.constant 96 : index
    %swap3A_296 = tpu.vector_load %arg15[%swap3A_294, %swap3A_295] {strides = array<i32>} : memref<16x128xf32, #tpu.memory_space<vmem>>, vector<1x16xf32>,
    %swap3A_297 = vector.shape_cast %swap3A_296 : vector<1x16xf32> to vector<16xf32>
    %swap3A_298 = vector.shape_cast %broadcast_in_dim3A_17 : vector<16xf32> to vector<1x16xf32>
    tpu.vector_store %arg15[%swap3A_294, %swap3A_295], %swap3A_298 {strides = array<i32>} : memref<16x128xf32, #tpu.memory_space<vmem>>, vector<1x16xf32>,
    %swap3A_299 = arith.constant 5 : i32
    %swap3A_300 = arith.index_cast %swap3A_299 : i32 to index
    %swap3A_301 = arith.constant 112 : index
    %swap3A_302 = tpu.vector_load %arg15[%swap3A_300, %swap3A_301] {strides = array<i32>} : memref<16x128xf32, #tpu.memory_space<vmem>>, vector<1x16xf32>,
    %swap3A_303 = vector.shape_cast %swap3A_302 : vector<1x16xf32> to vector<16xf32>
    %swap3A_304 = vector.shape_cast %broadcast_in_dim3A_17 : vector<16xf32> to vector<1x16xf32>
    tpu.vector_store %arg15[%swap3A_300, %swap3A_301], %swap3A_304 {strides = array<i32>} : memref<16x128xf32, #tpu.memory_space<vmem>>, vector<1x16xf32>,
    %swap3A_305 = arith.constant 6 : i32
    %swap3A_306 = arith.index_cast %swap3A_305 : i32 to index
    %swap3A_307 = arith.constant 0 : index
    %swap3A_308 = tpu.vector_load %arg15[%swap3A_306, %swap3A_307] {strides = array<i32>} : memref<16x128xf32, #tpu.memory_space<vmem>>, vector<1x16xf32>,
    %swap3A_309 = vector.shape_cast %swap3A_308 : vector<1x16xf32> to vector<16xf32>
    %swap3A_310 = vector.shape_cast %broadcast_in_dim3A_17 : vector<16xf32> to vector<1x16xf32>
    tpu.vector_store %arg15[%swap3A_306, %swap3A_307], %swap3A_310 {strides = array<i32>} : memref<16x128xf32, #tpu.memory_space<vmem>>, vector<1x16xf32>,
    %swap3A_311 = arith.constant 6 : i32
    %swap3A_312 = arith.index_cast %swap3A_311 : i32 to index
    %swap3A_313 = arith.constant 16 : index
    %swap3A_314 = tpu.vector_load %arg15[%swap3A_312, %swap3A_313] {strides = array<i32>} : memref<16x128xf32, #tpu.memory_space<vmem>>, vector<1x16xf32>,
    %swap3A_315 = vector.shape_cast %swap3A_314 : vector<1x16xf32> to vector<16xf32>
    %swap3A_316 = vector.shape_cast %broadcast_in_dim3A_17 : vector<16xf32> to vector<1x16xf32>
    tpu.vector_store %arg15[%swap3A_312, %swap3A_313], %swap3A_316 {strides = array<i32>} : memref<16x128xf32, #tpu.memory_space<vmem>>, vector<1x16xf32>,
    %swap3A_317 = arith.constant 6 : i32
    %swap3A_318 = arith.index_cast %swap3A_317 : i32 to index
    %swap3A_319 = arith.constant 32 : index
    %swap3A_320 = tpu.vector_load %arg15[%swap3A_318, %swap3A_319] {strides = array<i32>} : memref<16x128xf32, #tpu.memory_space<vmem>>, vector<1x16xf32>,
    %swap3A_321 = vector.shape_cast %swap3A_320 : vector<1x16xf32> to vector<16xf32>
    %swap3A_322 = vector.shape_cast %broadcast_in_dim3A_17 : vector<16xf32> to vector<1x16xf32>
    tpu.vector_store %arg15[%swap3A_318, %swap3A_319], %swap3A_322 {strides = array<i32>} : memref<16x128xf32, #tpu.memory_space<vmem>>, vector<1x16xf32>,
    %swap3A_323 = arith.constant 6 : i32
    %swap3A_324 = arith.index_cast %swap3A_323 : i32 to index
    %swap3A_325 = arith.constant 48 : index
    %swap3A_326 = tpu.vector_load %arg15[%swap3A_324, %swap3A_325] {strides = array<i32>} : memref<16x128xf32, #tpu.memory_space<vmem>>, vector<1x16xf32>,
    %swap3A_327 = vector.shape_cast %swap3A_326 : vector<1x16xf32> to vector<16xf32>
    %swap3A_328 = vector.shape_cast %broadcast_in_dim3A_17 : vector<16xf32> to vector<1x16xf32>
    tpu.vector_store %arg15[%swap3A_324, %swap3A_325], %swap3A_328 {strides = array<i32>} : memref<16x128xf32, #tpu.memory_space<vmem>>, vector<1x16xf32>,
    %swap3A_329 = arith.constant 6 : i32
    %swap3A_330 = arith.index_cast %swap3A_329 : i32 to index
    %swap3A_331 = arith.constant 64 : index
    %swap3A_332 = tpu.vector_load %arg15[%swap3A_330, %swap3A_331] {strides = array<i32>} : memref<16x128xf32, #tpu.memory_space<vmem>>, vector<1x16xf32>,
    %swap3A_333 = vector.shape_cast %swap3A_332 : vector<1x16xf32> to vector<16xf32>
    %swap3A_334 = vector.shape_cast %broadcast_in_dim3A_17 : vector<16xf32> to vector<1x16xf32>
    tpu.vector_store %arg15[%swap3A_330, %swap3A_331], %swap3A_334 {strides = array<i32>} : memref<16x128xf32, #tpu.memory_space<vmem>>, vector<1x16xf32>,
    %swap3A_335 = arith.constant 6 : i32
    %swap3A_336 = arith.index_cast %swap3A_335 : i32 to index
    %swap3A_337 = arith.constant 80 : index
    %swap3A_338 = tpu.vector_load %arg15[%swap3A_336, %swap3A_337] {strides = array<i32>} : memref<16x128xf32, #tpu.memory_space<vmem>>, vector<1x16xf32>,
    %swap3A_339 = vector.shape_cast %swap3A_338 : vector<1x16xf32> to vector<16xf32>
    %swap3A_340 = vector.shape_cast %broadcast_in_dim3A_17 : vector<16xf32> to vector<1x16xf32>
    tpu.vector_store %arg15[%swap3A_336, %swap3A_337], %swap3A_340 {strides = array<i32>} : memref<16x128xf32, #tpu.memory_space<vmem>>, vector<1x16xf32>,
    %swap3A_341 = arith.constant 6 : i32
    %swap3A_342 = arith.index_cast %swap3A_341 : i32 to index
    %swap3A_343 = arith.constant 96 : index
    %swap3A_344 = tpu.vector_load %arg15[%swap3A_342, %swap3A_343] {strides = array<i32>} : memref<16x128xf32, #tpu.memory_space<vmem>>, vector<1x16xf32>,
    %swap3A_345 = vector.shape_cast %swap3A_344 : vector<1x16xf32> to vector<16xf32>
    %swap3A_346 = vector.shape_cast %broadcast_in_dim3A_17 : vector<16xf32> to vector<1x16xf32>
    tpu.vector_store %arg15[%swap3A_342, %swap3A_343], %swap3A_346 {strides = array<i32>} : memref<16x128xf32, #tpu.memory_space<vmem>>, vector<1x16xf32>,
    %swap3A_347 = arith.constant 6 : i32
    %swap3A_348 = arith.index_cast %swap3A_347 : i32 to index
    %swap3A_349 = arith.constant 112 : index
    %swap3A_350 = tpu.vector_load %arg15[%swap3A_348, %swap3A_349] {strides = array<i32>} : memref<16x128xf32, #tpu.memory_space<vmem>>, vector<1x16xf32>,
    %swap3A_351 = vector.shape_cast %swap3A_350 : vector<1x16xf32> to vector<16xf32>
    %swap3A_352 = vector.shape_cast %broadcast_in_dim3A_17 : vector<16xf32> to vector<1x16xf32>
    tpu.vector_store %arg15[%swap3A_348, %swap3A_349], %swap3A_352 {strides = array<i32>} : memref<16x128xf32, #tpu.memory_space<vmem>>, vector<1x16xf32>,
    %swap3A_353 = arith.constant 7 : i32
    %swap3A_354 = arith.index_cast %swap3A_353 : i32 to index
    %swap3A_355 = arith.constant 0 : index
    %swap3A_356 = tpu.vector_load %arg15[%swap3A_354, %swap3A_355] {strides = array<i32>} : memref<16x128xf32, #tpu.memory_space<vmem>>, vector<1x16xf32>,
    %swap3A_357 = vector.shape_cast %swap3A_356 : vector<1x16xf32> to vector<16xf32>
    %swap3A_358 = vector.shape_cast %broadcast_in_dim3A_17 : vector<16xf32> to vector<1x16xf32>
    tpu.vector_store %arg15[%swap3A_354, %swap3A_355], %swap3A_358 {strides = array<i32>} : memref<16x128xf32, #tpu.memory_space<vmem>>, vector<1x16xf32>,
    %swap3A_359 = arith.constant 7 : i32
    %swap3A_360 = arith.index_cast %swap3A_359 : i32 to index
    %swap3A_361 = arith.constant 16 : index
    %swap3A_362 = tpu.vector_load %arg15[%swap3A_360, %swap3A_361] {strides = array<i32>} : memref<16x128xf32, #tpu.memory_space<vmem>>, vector<1x16xf32>,
    %swap3A_363 = vector.shape_cast %swap3A_362 : vector<1x16xf32> to vector<16xf32>
    %swap3A_364 = vector.shape_cast %broadcast_in_dim3A_17 : vector<16xf32> to vector<1x16xf32>
    tpu.vector_store %arg15[%swap3A_360, %swap3A_361], %swap3A_364 {strides = array<i32>} : memref<16x128xf32, #tpu.memory_space<vmem>>, vector<1x16xf32>,
    %swap3A_365 = arith.constant 7 : i32
    %swap3A_366 = arith.index_cast %swap3A_365 : i32 to index
    %swap3A_367 = arith.constant 32 : index
    %swap3A_368 = tpu.vector_load %arg15[%swap3A_366, %swap3A_367] {strides = array<i32>} : memref<16x128xf32, #tpu.memory_space<vmem>>, vector<1x16xf32>,
    %swap3A_369 = vector.shape_cast %swap3A_368 : vector<1x16xf32> to vector<16xf32>
    %swap3A_370 = vector.shape_cast %broadcast_in_dim3A_17 : vector<16xf32> to vector<1x16xf32>
    tpu.vector_store %arg15[%swap3A_366, %swap3A_367], %swap3A_370 {strides = array<i32>} : memref<16x128xf32, #tpu.memory_space<vmem>>, vector<1x16xf32>,
    %swap3A_371 = arith.constant 7 : i32
    %swap3A_372 = arith.index_cast %swap3A_371 : i32 to index
    %swap3A_373 = arith.constant 48 : index
    %swap3A_374 = tpu.vector_load %arg15[%swap3A_372, %swap3A_373] {strides = array<i32>} : memref<16x128xf32, #tpu.memory_space<vmem>>, vector<1x16xf32>,
    %swap3A_375 = vector.shape_cast %swap3A_374 : vector<1x16xf32> to vector<16xf32>
    %swap3A_376 = vector.shape_cast %broadcast_in_dim3A_17 : vector<16xf32> to vector<1x16xf32>
    tpu.vector_store %arg15[%swap3A_372, %swap3A_373], %swap3A_376 {strides = array<i32>} : memref<16x128xf32, #tpu.memory_space<vmem>>, vector<1x16xf32>,
    %swap3A_377 = arith.constant 7 : i32
    %swap3A_378 = arith.index_cast %swap3A_377 : i32 to index
    %swap3A_379 = arith.constant 64 : index
    %swap3A_380 = tpu.vector_load %arg15[%swap3A_378, %swap3A_379] {strides = array<i32>} : memref<16x128xf32, #tpu.memory_space<vmem>>, vector<1x16xf32>,
    %swap3A_381 = vector.shape_cast %swap3A_380 : vector<1x16xf32> to vector<16xf32>
    %swap3A_382 = vector.shape_cast %broadcast_in_dim3A_17 : vector<16xf32> to vector<1x16xf32>
    tpu.vector_store %arg15[%swap3A_378, %swap3A_379], %swap3A_382 {strides = array<i32>} : memref<16x128xf32, #tpu.memory_space<vmem>>, vector<1x16xf32>,
    %swap3A_383 = arith.constant 7 : i32
    %swap3A_384 = arith.index_cast %swap3A_383 : i32 to index
    %swap3A_385 = arith.constant 80 : index
    %swap3A_386 = tpu.vector_load %arg15[%swap3A_384, %swap3A_385] {strides = array<i32>} : memref<16x128xf32, #tpu.memory_space<vmem>>, vector<1x16xf32>,
    %swap3A_387 = vector.shape_cast %swap3A_386 : vector<1x16xf32> to vector<16xf32>
    %swap3A_388 = vector.shape_cast %broadcast_in_dim3A_17 : vector<16xf32> to vector<1x16xf32>
    tpu.vector_store %arg15[%swap3A_384, %swap3A_385], %swap3A_388 {strides = array<i32>} : memref<16x128xf32, #tpu.memory_space<vmem>>, vector<1x16xf32>,
    %swap3A_389 = arith.constant 7 : i32
    %swap3A_390 = arith.index_cast %swap3A_389 : i32 to index
    %swap3A_391 = arith.constant 96 : index
    %swap3A_392 = tpu.vector_load %arg15[%swap3A_390, %swap3A_391] {strides = array<i32>} : memref<16x128xf32, #tpu.memory_space<vmem>>, vector<1x16xf32>,
    %swap3A_393 = vector.shape_cast %swap3A_392 : vector<1x16xf32> to vector<16xf32>
    %swap3A_394 = vector.shape_cast %broadcast_in_dim3A_17 : vector<16xf32> to vector<1x16xf32>
    tpu.vector_store %arg15[%swap3A_390, %swap3A_391], %swap3A_394 {strides = array<i32>} : memref<16x128xf32, #tpu.memory_space<vmem>>, vector<1x16xf32>,
    %swap3A_395 = arith.constant 7 : i32
    %swap3A_396 = arith.index_cast %swap3A_395 : i32 to index
    %swap3A_397 = arith.constant 112 : index
    %swap3A_398 = tpu.vector_load %arg15[%swap3A_396, %swap3A_397] {strides = array<i32>} : memref<16x128xf32, #tpu.memory_space<vmem>>, vector<1x16xf32>,
    %swap3A_399 = vector.shape_cast %swap3A_398 : vector<1x16xf32> to vector<16xf32>
    %swap3A_400 = vector.shape_cast %broadcast_in_dim3A_17 : vector<16xf32> to vector<1x16xf32>
    tpu.vector_store %arg15[%swap3A_396, %swap3A_397], %swap3A_400 {strides = array<i32>} : memref<16x128xf32, #tpu.memory_space<vmem>>, vector<1x16xf32>,
    %swap3A_401 = arith.constant 8 : i32
    %swap3A_402 = arith.index_cast %swap3A_401 : i32 to index
    %swap3A_403 = arith.constant 0 : index
    %swap3A_404 = tpu.vector_load %arg15[%swap3A_402, %swap3A_403] {strides = array<i32>} : memref<16x128xf32, #tpu.memory_space<vmem>>, vector<1x16xf32>,
    %swap3A_405 = vector.shape_cast %swap3A_404 : vector<1x16xf32> to vector<16xf32>
    %swap3A_406 = vector.shape_cast %broadcast_in_dim3A_17 : vector<16xf32> to vector<1x16xf32>
    tpu.vector_store %arg15[%swap3A_402, %swap3A_403], %swap3A_406 {strides = array<i32>} : memref<16x128xf32, #tpu.memory_space<vmem>>, vector<1x16xf32>,
    %swap3A_407 = arith.constant 8 : i32
    %swap3A_408 = arith.index_cast %swap3A_407 : i32 to index
    %swap3A_409 = arith.constant 16 : index
    %swap3A_410 = tpu.vector_load %arg15[%swap3A_408, %swap3A_409] {strides = array<i32>} : memref<16x128xf32, #tpu.memory_space<vmem>>, vector<1x16xf32>,
    %swap3A_411 = vector.shape_cast %swap3A_410 : vector<1x16xf32> to vector<16xf32>
    %swap3A_412 = vector.shape_cast %broadcast_in_dim3A_17 : vector<16xf32> to vector<1x16xf32>
    tpu.vector_store %arg15[%swap3A_408, %swap3A_409], %swap3A_412 {strides = array<i32>} : memref<16x128xf32, #tpu.memory_space<vmem>>, vector<1x16xf32>,
    %swap3A_413 = arith.constant 8 : i32
    %swap3A_414 = arith.index_cast %swap3A_413 : i32 to index
    %swap3A_415 = arith.constant 32 : index
    %swap3A_416 = tpu.vector_load %arg15[%swap3A_414, %swap3A_415] {strides = array<i32>} : memref<16x128xf32, #tpu.memory_space<vmem>>, vector<1x16xf32>,
    %swap3A_417 = vector.shape_cast %swap3A_416 : vector<1x16xf32> to vector<16xf32>
    %swap3A_418 = vector.shape_cast %broadcast_in_dim3A_17 : vector<16xf32> to vector<1x16xf32>
    tpu.vector_store %arg15[%swap3A_414, %swap3A_415], %swap3A_418 {strides = array<i32>} : memref<16x128xf32, #tpu.memory_space<vmem>>, vector<1x16xf32>,
    %swap3A_419 = arith.constant 8 : i32
    %swap3A_420 = arith.index_cast %swap3A_419 : i32 to index
    %swap3A_421 = arith.constant 48 : index
    %swap3A_422 = tpu.vector_load %arg15[%swap3A_420, %swap3A_421] {strides = array<i32>} : memref<16x128xf32, #tpu.memory_space<vmem>>, vector<1x16xf32>,
    %swap3A_423 = vector.shape_cast %swap3A_422 : vector<1x16xf32> to vector<16xf32>
    %swap3A_424 = vector.shape_cast %broadcast_in_dim3A_17 : vector<16xf32> to vector<1x16xf32>
    tpu.vector_store %arg15[%swap3A_420, %swap3A_421], %swap3A_424 {strides = array<i32>} : memref<16x128xf32, #tpu.memory_space<vmem>>, vector<1x16xf32>,
    %swap3A_425 = arith.constant 8 : i32
    %swap3A_426 = arith.index_cast %swap3A_425 : i32 to index
    %swap3A_427 = arith.constant 64 : index
    %swap3A_428 = tpu.vector_load %arg15[%swap3A_426, %swap3A_427] {strides = array<i32>} : memref<16x128xf32, #tpu.memory_space<vmem>>, vector<1x16xf32>,
    %swap3A_429 = vector.shape_cast %swap3A_428 : vector<1x16xf32> to vector<16xf32>
    %swap3A_430 = vector.shape_cast %broadcast_in_dim3A_17 : vector<16xf32> to vector<1x16xf32>
    tpu.vector_store %arg15[%swap3A_426, %swap3A_427], %swap3A_430 {strides = array<i32>} : memref<16x128xf32, #tpu.memory_space<vmem>>, vector<1x16xf32>,
    %swap3A_431 = arith.constant 8 : i32
    %swap3A_432 = arith.index_cast %swap3A_431 : i32 to index
    %swap3A_433 = arith.constant 80 : index
    %swap3A_434 = tpu.vector_load %arg15[%swap3A_432, %swap3A_433] {strides = array<i32>} : memref<16x128xf32, #tpu.memory_space<vmem>>, vector<1x16xf32>,
    %swap3A_435 = vector.shape_cast %swap3A_434 : vector<1x16xf32> to vector<16xf32>
    %swap3A_436 = vector.shape_cast %broadcast_in_dim3A_17 : vector<16xf32> to vector<1x16xf32>
    tpu.vector_store %arg15[%swap3A_432, %swap3A_433], %swap3A_436 {strides = array<i32>} : memref<16x128xf32, #tpu.memory_space<vmem>>, vector<1x16xf32>,
    %swap3A_437 = arith.constant 8 : i32
    %swap3A_438 = arith.index_cast %swap3A_437 : i32 to index
    %swap3A_439 = arith.constant 96 : index
    %swap3A_440 = tpu.vector_load %arg15[%swap3A_438, %swap3A_439] {strides = array<i32>} : memref<16x128xf32, #tpu.memory_space<vmem>>, vector<1x16xf32>,
    %swap3A_441 = vector.shape_cast %swap3A_440 : vector<1x16xf32> to vector<16xf32>
    %swap3A_442 = vector.shape_cast %broadcast_in_dim3A_17 : vector<16xf32> to vector<1x16xf32>
    tpu.vector_store %arg15[%swap3A_438, %swap3A_439], %swap3A_442 {strides = array<i32>} : memref<16x128xf32, #tpu.memory_space<vmem>>, vector<1x16xf32>,
    %swap3A_443 = arith.constant 8 : i32
    %swap3A_444 = arith.index_cast %swap3A_443 : i32 to index
    %swap3A_445 = arith.constant 112 : index
    %swap3A_446 = tpu.vector_load %arg15[%swap3A_444, %swap3A_445] {strides = array<i32>} : memref<16x128xf32, #tpu.memory_space<vmem>>, vector<1x16xf32>,
    %swap3A_447 = vector.shape_cast %swap3A_446 : vector<1x16xf32> to vector<16xf32>
    %swap3A_448 = vector.shape_cast %broadcast_in_dim3A_17 : vector<16xf32> to vector<1x16xf32>
    tpu.vector_store %arg15[%swap3A_444, %swap3A_445], %swap3A_448 {strides = array<i32>} : memref<16x128xf32, #tpu.memory_space<vmem>>, vector<1x16xf32>,
    %swap3A_449 = arith.constant 9 : i32
    %swap3A_450 = arith.index_cast %swap3A_449 : i32 to index
    %swap3A_451 = arith.constant 0 : index
    %swap3A_452 = tpu.vector_load %arg15[%swap3A_450, %swap3A_451] {strides = array<i32>} : memref<16x128xf32, #tpu.memory_space<vmem>>, vector<1x16xf32>,
    %swap3A_453 = vector.shape_cast %swap3A_452 : vector<1x16xf32> to vector<16xf32>
    %swap3A_454 = vector.shape_cast %broadcast_in_dim3A_17 : vector<16xf32> to vector<1x16xf32>
    tpu.vector_store %arg15[%swap3A_450, %swap3A_451], %swap3A_454 {strides = array<i32>} : memref<16x128xf32, #tpu.memory_space<vmem>>, vector<1x16xf32>,
    %swap3A_455 = arith.constant 9 : i32
    %swap3A_456 = arith.index_cast %swap3A_455 : i32 to index
    %swap3A_457 = arith.constant 16 : index
    %swap3A_458 = tpu.vector_load %arg15[%swap3A_456, %swap3A_457] {strides = array<i32>} : memref<16x128xf32, #tpu.memory_space<vmem>>, vector<1x16xf32>,
    %swap3A_459 = vector.shape_cast %swap3A_458 : vector<1x16xf32> to vector<16xf32>
    %swap3A_460 = vector.shape_cast %broadcast_in_dim3A_17 : vector<16xf32> to vector<1x16xf32>
    tpu.vector_store %arg15[%swap3A_456, %swap3A_457], %swap3A_460 {strides = array<i32>} : memref<16x128xf32, #tpu.memory_space<vmem>>, vector<1x16xf32>,
    %swap3A_461 = arith.constant 9 : i32
    %swap3A_462 = arith.index_cast %swap3A_461 : i32 to index
    %swap3A_463 = arith.constant 32 : index
    %swap3A_464 = tpu.vector_load %arg15[%swap3A_462, %swap3A_463] {strides = array<i32>} : memref<16x128xf32, #tpu.memory_space<vmem>>, vector<1x16xf32>,
    %swap3A_465 = vector.shape_cast %swap3A_464 : vector<1x16xf32> to vector<16xf32>
    %swap3A_466 = vector.shape_cast %broadcast_in_dim3A_17 : vector<16xf32> to vector<1x16xf32>
    tpu.vector_store %arg15[%swap3A_462, %swap3A_463], %swap3A_466 {strides = array<i32>} : memref<16x128xf32, #tpu.memory_space<vmem>>, vector<1x16xf32>,
    %swap3A_467 = arith.constant 9 : i32
    %swap3A_468 = arith.index_cast %swap3A_467 : i32 to index
    %swap3A_469 = arith.constant 48 : index
    %swap3A_470 = tpu.vector_load %arg15[%swap3A_468, %swap3A_469] {strides = array<i32>} : memref<16x128xf32, #tpu.memory_space<vmem>>, vector<1x16xf32>,
    %swap3A_471 = vector.shape_cast %swap3A_470 : vector<1x16xf32> to vector<16xf32>
    %swap3A_472 = vector.shape_cast %broadcast_in_dim3A_17 : vector<16xf32> to vector<1x16xf32>
    tpu.vector_store %arg15[%swap3A_468, %swap3A_469], %swap3A_472 {strides = array<i32>} : memref<16x128xf32, #tpu.memory_space<vmem>>, vector<1x16xf32>,
    %swap3A_473 = arith.constant 9 : i32
    %swap3A_474 = arith.index_cast %swap3A_473 : i32 to index
    %swap3A_475 = arith.constant 64 : index
    %swap3A_476 = tpu.vector_load %arg15[%swap3A_474, %swap3A_475] {strides = array<i32>} : memref<16x128xf32, #tpu.memory_space<vmem>>, vector<1x16xf32>,
    %swap3A_477 = vector.shape_cast %swap3A_476 : vector<1x16xf32> to vector<16xf32>
    %swap3A_478 = vector.shape_cast %broadcast_in_dim3A_17 : vector<16xf32> to vector<1x16xf32>
    tpu.vector_store %arg15[%swap3A_474, %swap3A_475], %swap3A_478 {strides = array<i32>} : memref<16x128xf32, #tpu.memory_space<vmem>>, vector<1x16xf32>,
    %swap3A_479 = arith.constant 9 : i32
    %swap3A_480 = arith.index_cast %swap3A_479 : i32 to index
    %swap3A_481 = arith.constant 80 : index
    %swap3A_482 = tpu.vector_load %arg15[%swap3A_480, %swap3A_481] {strides = array<i32>} : memref<16x128xf32, #tpu.memory_space<vmem>>, vector<1x16xf32>,
    %swap3A_483 = vector.shape_cast %swap3A_482 : vector<1x16xf32> to vector<16xf32>
    %swap3A_484 = vector.shape_cast %broadcast_in_dim3A_17 : vector<16xf32> to vector<1x16xf32>
    tpu.vector_store %arg15[%swap3A_480, %swap3A_481], %swap3A_484 {strides = array<i32>} : memref<16x128xf32, #tpu.memory_space<vmem>>, vector<1x16xf32>,
    %swap3A_485 = arith.constant 9 : i32
    %swap3A_486 = arith.index_cast %swap3A_485 : i32 to index
    %swap3A_487 = arith.constant 96 : index
    %swap3A_488 = tpu.vector_load %arg15[%swap3A_486, %swap3A_487] {strides = array<i32>} : memref<16x128xf32, #tpu.memory_space<vmem>>, vector<1x16xf32>,
    %swap3A_489 = vector.shape_cast %swap3A_488 : vector<1x16xf32> to vector<16xf32>
    %swap3A_490 = vector.shape_cast %broadcast_in_dim3A_17 : vector<16xf32> to vector<1x16xf32>
    tpu.vector_store %arg15[%swap3A_486, %swap3A_487], %swap3A_490 {strides = array<i32>} : memref<16x128xf32, #tpu.memory_space<vmem>>, vector<1x16xf32>,
    %swap3A_491 = arith.constant 9 : i32
    %swap3A_492 = arith.index_cast %swap3A_491 : i32 to index
    %swap3A_493 = arith.constant 112 : index
    %swap3A_494 = tpu.vector_load %arg15[%swap3A_492, %swap3A_493] {strides = array<i32>} : memref<16x128xf32, #tpu.memory_space<vmem>>, vector<1x16xf32>,
    %swap3A_495 = vector.shape_cast %swap3A_494 : vector<1x16xf32> to vector<16xf32>
    %swap3A_496 = vector.shape_cast %broadcast_in_dim3A_17 : vector<16xf32> to vector<1x16xf32>
    tpu.vector_store %arg15[%swap3A_492, %swap3A_493], %swap3A_496 {strides = array<i32>} : memref<16x128xf32, #tpu.memory_space<vmem>>, vector<1x16xf32>,
    %swap3A_497 = arith.constant 10 : i32
    %swap3A_498 = arith.index_cast %swap3A_497 : i32 to index
    %swap3A_499 = arith.constant 0 : index
    %swap3A_500 = tpu.vector_load %arg15[%swap3A_498, %swap3A_499] {strides = array<i32>} : memref<16x128xf32, #tpu.memory_space<vmem>>, vector<1x16xf32>,
    %swap3A_501 = vector.shape_cast %swap3A_500 : vector<1x16xf32> to vector<16xf32>
    %swap3A_502 = vector.shape_cast %broadcast_in_dim3A_17 : vector<16xf32> to vector<1x16xf32>
    tpu.vector_store %arg15[%swap3A_498, %swap3A_499], %swap3A_502 {strides = array<i32>} : memref<16x128xf32, #tpu.memory_space<vmem>>, vector<1x16xf32>,
    %swap3A_503 = arith.constant 10 : i32
    %swap3A_504 = arith.index_cast %swap3A_503 : i32 to index
    %swap3A_505 = arith.constant 16 : index
    %swap3A_506 = tpu.vector_load %arg15[%swap3A_504, %swap3A_505] {strides = array<i32>} : memref<16x128xf32, #tpu.memory_space<vmem>>, vector<1x16xf32>,
    %swap3A_507 = vector.shape_cast %swap3A_506 : vector<1x16xf32> to vector<16xf32>
    %swap3A_508 = vector.shape_cast %broadcast_in_dim3A_17 : vector<16xf32> to vector<1x16xf32>
    tpu.vector_store %arg15[%swap3A_504, %swap3A_505], %swap3A_508 {strides = array<i32>} : memref<16x128xf32, #tpu.memory_space<vmem>>, vector<1x16xf32>,
    %swap3A_509 = arith.constant 10 : i32
    %swap3A_510 = arith.index_cast %swap3A_509 : i32 to index
    %swap3A_511 = arith.constant 32 : index
    %swap3A_512 = tpu.vector_load %arg15[%swap3A_510, %swap3A_511] {strides = array<i32>} : memref<16x128xf32, #tpu.memory_space<vmem>>, vector<1x16xf32>,
    %swap3A_513 = vector.shape_cast %swap3A_512 : vector<1x16xf32> to vector<16xf32>
    %swap3A_514 = vector.shape_cast %broadcast_in_dim3A_17 : vector<16xf32> to vector<1x16xf32>
    tpu.vector_store %arg15[%swap3A_510, %swap3A_511], %swap3A_514 {strides = array<i32>} : memref<16x128xf32, #tpu.memory_space<vmem>>, vector<1x16xf32>,
    %swap3A_515 = arith.constant 10 : i32
    %swap3A_516 = arith.index_cast %swap3A_515 : i32 to index
    %swap3A_517 = arith.constant 48 : index
    %swap3A_518 = tpu.vector_load %arg15[%swap3A_516, %swap3A_517] {strides = array<i32>} : memref<16x128xf32, #tpu.memory_space<vmem>>, vector<1x16xf32>,
    %swap3A_519 = vector.shape_cast %swap3A_518 : vector<1x16xf32> to vector<16xf32>
    %swap3A_520 = vector.shape_cast %broadcast_in_dim3A_17 : vector<16xf32> to vector<1x16xf32>
    tpu.vector_store %arg15[%swap3A_516, %swap3A_517], %swap3A_520 {strides = array<i32>} : memref<16x128xf32, #tpu.memory_space<vmem>>, vector<1x16xf32>,
    %swap3A_521 = arith.constant 10 : i32
    %swap3A_522 = arith.index_cast %swap3A_521 : i32 to index
    %swap3A_523 = arith.constant 64 : index
    %swap3A_524 = tpu.vector_load %arg15[%swap3A_522, %swap3A_523] {strides = array<i32>} : memref<16x128xf32, #tpu.memory_space<vmem>>, vector<1x16xf32>,
    %swap3A_525 = vector.shape_cast %swap3A_524 : vector<1x16xf32> to vector<16xf32>
    %swap3A_526 = vector.shape_cast %broadcast_in_dim3A_17 : vector<16xf32> to vector<1x16xf32>
    tpu.vector_store %arg15[%swap3A_522, %swap3A_523], %swap3A_526 {strides = array<i32>} : memref<16x128xf32, #tpu.memory_space<vmem>>, vector<1x16xf32>,
    %swap3A_527 = arith.constant 10 : i32
    %swap3A_528 = arith.index_cast %swap3A_527 : i32 to index
    %swap3A_529 = arith.constant 80 : index
    %swap3A_530 = tpu.vector_load %arg15[%swap3A_528, %swap3A_529] {strides = array<i32>} : memref<16x128xf32, #tpu.memory_space<vmem>>, vector<1x16xf32>,
    %swap3A_531 = vector.shape_cast %swap3A_530 : vector<1x16xf32> to vector<16xf32>
    %swap3A_532 = vector.shape_cast %broadcast_in_dim3A_17 : vector<16xf32> to vector<1x16xf32>
    tpu.vector_store %arg15[%swap3A_528, %swap3A_529], %swap3A_532 {strides = array<i32>} : memref<16x128xf32, #tpu.memory_space<vmem>>, vector<1x16xf32>,
    %swap3A_533 = arith.constant 10 : i32
    %swap3A_534 = arith.index_cast %swap3A_533 : i32 to index
    %swap3A_535 = arith.constant 96 : index
    %swap3A_536 = tpu.vector_load %arg15[%swap3A_534, %swap3A_535] {strides = array<i32>} : memref<16x128xf32, #tpu.memory_space<vmem>>, vector<1x16xf32>,
    %swap3A_537 = vector.shape_cast %swap3A_536 : vector<1x16xf32> to vector<16xf32>
    %swap3A_538 = vector.shape_cast %broadcast_in_dim3A_17 : vector<16xf32> to vector<1x16xf32>
    tpu.vector_store %arg15[%swap3A_534, %swap3A_535], %swap3A_538 {strides = array<i32>} : memref<16x128xf32, #tpu.memory_space<vmem>>, vector<1x16xf32>,
    %swap3A_539 = arith.constant 10 : i32
    %swap3A_540 = arith.index_cast %swap3A_539 : i32 to index
    %swap3A_541 = arith.constant 112 : index
    %swap3A_542 = tpu.vector_load %arg15[%swap3A_540, %swap3A_541] {strides = array<i32>} : memref<16x128xf32, #tpu.memory_space<vmem>>, vector<1x16xf32>,
    %swap3A_543 = vector.shape_cast %swap3A_542 : vector<1x16xf32> to vector<16xf32>
    %swap3A_544 = vector.shape_cast %broadcast_in_dim3A_17 : vector<16xf32> to vector<1x16xf32>
    tpu.vector_store %arg15[%swap3A_540, %swap3A_541], %swap3A_544 {strides = array<i32>} : memref<16x128xf32, #tpu.memory_space<vmem>>, vector<1x16xf32>,
    %swap3A_545 = arith.constant 11 : i32
    %swap3A_546 = arith.index_cast %swap3A_545 : i32 to index
    %swap3A_547 = arith.constant 0 : index
    %swap3A_548 = tpu.vector_load %arg15[%swap3A_546, %swap3A_547] {strides = array<i32>} : memref<16x128xf32, #tpu.memory_space<vmem>>, vector<1x16xf32>,
    %swap3A_549 = vector.shape_cast %swap3A_548 : vector<1x16xf32> to vector<16xf32>
    %swap3A_550 = vector.shape_cast %broadcast_in_dim3A_17 : vector<16xf32> to vector<1x16xf32>
    tpu.vector_store %arg15[%swap3A_546, %swap3A_547], %swap3A_550 {strides = array<i32>} : memref<16x128xf32, #tpu.memory_space<vmem>>, vector<1x16xf32>,
    %swap3A_551 = arith.constant 11 : i32
    %swap3A_552 = arith.index_cast %swap3A_551 : i32 to index
    %swap3A_553 = arith.constant 16 : index
    %swap3A_554 = tpu.vector_load %arg15[%swap3A_552, %swap3A_553] {strides = array<i32>} : memref<16x128xf32, #tpu.memory_space<vmem>>, vector<1x16xf32>,
    %swap3A_555 = vector.shape_cast %swap3A_554 : vector<1x16xf32> to vector<16xf32>
    %swap3A_556 = vector.shape_cast %broadcast_in_dim3A_17 : vector<16xf32> to vector<1x16xf32>
    tpu.vector_store %arg15[%swap3A_552, %swap3A_553], %swap3A_556 {strides = array<i32>} : memref<16x128xf32, #tpu.memory_space<vmem>>, vector<1x16xf32>,
    %swap3A_557 = arith.constant 11 : i32
    %swap3A_558 = arith.index_cast %swap3A_557 : i32 to index
    %swap3A_559 = arith.constant 32 : index
    %swap3A_560 = tpu.vector_load %arg15[%swap3A_558, %swap3A_559] {strides = array<i32>} : memref<16x128xf32, #tpu.memory_space<vmem>>, vector<1x16xf32>,
    %swap3A_561 = vector.shape_cast %swap3A_560 : vector<1x16xf32> to vector<16xf32>
    %swap3A_562 = vector.shape_cast %broadcast_in_dim3A_17 : vector<16xf32> to vector<1x16xf32>
    tpu.vector_store %arg15[%swap3A_558, %swap3A_559], %swap3A_562 {strides = array<i32>} : memref<16x128xf32, #tpu.memory_space<vmem>>, vector<1x16xf32>,
    %swap3A_563 = arith.constant 11 : i32
    %swap3A_564 = arith.index_cast %swap3A_563 : i32 to index
    %swap3A_565 = arith.constant 48 : index
    %swap3A_566 = tpu.vector_load %arg15[%swap3A_564, %swap3A_565] {strides = array<i32>} : memref<16x128xf32, #tpu.memory_space<vmem>>, vector<1x16xf32>,
    %swap3A_567 = vector.shape_cast %swap3A_566 : vector<1x16xf32> to vector<16xf32>
    %swap3A_568 = vector.shape_cast %broadcast_in_dim3A_17 : vector<16xf32> to vector<1x16xf32>
    tpu.vector_store %arg15[%swap3A_564, %swap3A_565], %swap3A_568 {strides = array<i32>} : memref<16x128xf32, #tpu.memory_space<vmem>>, vector<1x16xf32>,
    %swap3A_569 = arith.constant 11 : i32
    %swap3A_570 = arith.index_cast %swap3A_569 : i32 to index
    %swap3A_571 = arith.constant 64 : index
    %swap3A_572 = tpu.vector_load %arg15[%swap3A_570, %swap3A_571] {strides = array<i32>} : memref<16x128xf32, #tpu.memory_space<vmem>>, vector<1x16xf32>,
    %swap3A_573 = vector.shape_cast %swap3A_572 : vector<1x16xf32> to vector<16xf32>
    %swap3A_574 = vector.shape_cast %broadcast_in_dim3A_17 : vector<16xf32> to vector<1x16xf32>
    tpu.vector_store %arg15[%swap3A_570, %swap3A_571], %swap3A_574 {strides = array<i32>} : memref<16x128xf32, #tpu.memory_space<vmem>>, vector<1x16xf32>,
    %swap3A_575 = arith.constant 11 : i32
    %swap3A_576 = arith.index_cast %swap3A_575 : i32 to index
    %swap3A_577 = arith.constant 80 : index
    %swap3A_578 = tpu.vector_load %arg15[%swap3A_576, %swap3A_577] {strides = array<i32>} : memref<16x128xf32, #tpu.memory_space<vmem>>, vector<1x16xf32>,
    %swap3A_579 = vector.shape_cast %swap3A_578 : vector<1x16xf32> to vector<16xf32>
    %swap3A_580 = vector.shape_cast %broadcast_in_dim3A_17 : vector<16xf32> to vector<1x16xf32>
    tpu.vector_store %arg15[%swap3A_576, %swap3A_577], %swap3A_580 {strides = array<i32>} : memref<16x128xf32, #tpu.memory_space<vmem>>, vector<1x16xf32>,
    %swap3A_581 = arith.constant 11 : i32
    %swap3A_582 = arith.index_cast %swap3A_581 : i32 to index
    %swap3A_583 = arith.constant 96 : index
    %swap3A_584 = tpu.vector_load %arg15[%swap3A_582, %swap3A_583] {strides = array<i32>} : memref<16x128xf32, #tpu.memory_space<vmem>>, vector<1x16xf32>,
    %swap3A_585 = vector.shape_cast %swap3A_584 : vector<1x16xf32> to vector<16xf32>
    %swap3A_586 = vector.shape_cast %broadcast_in_dim3A_17 : vector<16xf32> to vector<1x16xf32>
    tpu.vector_store %arg15[%swap3A_582, %swap3A_583], %swap3A_586 {strides = array<i32>} : memref<16x128xf32, #tpu.memory_space<vmem>>, vector<1x16xf32>,
    %swap3A_587 = arith.constant 11 : i32
    %swap3A_588 = arith.index_cast %swap3A_587 : i32 to index
    %swap3A_589 = arith.constant 112 : index
    %swap3A_590 = tpu.vector_load %arg15[%swap3A_588, %swap3A_589] {strides = array<i32>} : memref<16x128xf32, #tpu.memory_space<vmem>>, vector<1x16xf32>,
    %swap3A_591 = vector.shape_cast %swap3A_590 : vector<1x16xf32> to vector<16xf32>
    %swap3A_592 = vector.shape_cast %broadcast_in_dim3A_17 : vector<16xf32> to vector<1x16xf32>
    tpu.vector_store %arg15[%swap3A_588, %swap3A_589], %swap3A_592 {strides = array<i32>} : memref<16x128xf32, #tpu.memory_space<vmem>>, vector<1x16xf32>,
    %swap3A_593 = arith.constant 12 : i32
    %swap3A_594 = arith.index_cast %swap3A_593 : i32 to index
    %swap3A_595 = arith.constant 0 : index
    %swap3A_596 = tpu.vector_load %arg15[%swap3A_594, %swap3A_595] {strides = array<i32>} : memref<16x128xf32, #tpu.memory_space<vmem>>, vector<1x16xf32>,
    %swap3A_597 = vector.shape_cast %swap3A_596 : vector<1x16xf32> to vector<16xf32>
    %swap3A_598 = vector.shape_cast %broadcast_in_dim3A_17 : vector<16xf32> to vector<1x16xf32>
    tpu.vector_store %arg15[%swap3A_594, %swap3A_595], %swap3A_598 {strides = array<i32>} : memref<16x128xf32, #tpu.memory_space<vmem>>, vector<1x16xf32>,
    %swap3A_599 = arith.constant 12 : i32
    %swap3A_600 = arith.index_cast %swap3A_599 : i32 to index
    %swap3A_601 = arith.constant 16 : index
    %swap3A_602 = tpu.vector_load %arg15[%swap3A_600, %swap3A_601] {strides = array<i32>} : memref<16x128xf32, #tpu.memory_space<vmem>>, vector<1x16xf32>,
    %swap3A_603 = vector.shape_cast %swap3A_602 : vector<1x16xf32> to vector<16xf32>
    %swap3A_604 = vector.shape_cast %broadcast_in_dim3A_17 : vector<16xf32> to vector<1x16xf32>
    tpu.vector_store %arg15[%swap3A_600, %swap3A_601], %swap3A_604 {strides = array<i32>} : memref<16x128xf32, #tpu.memory_space<vmem>>, vector<1x16xf32>,
    %swap3A_605 = arith.constant 12 : i32
    %swap3A_606 = arith.index_cast %swap3A_605 : i32 to index
    %swap3A_607 = arith.constant 32 : index
    %swap3A_608 = tpu.vector_load %arg15[%swap3A_606, %swap3A_607] {strides = array<i32>} : memref<16x128xf32, #tpu.memory_space<vmem>>, vector<1x16xf32>,
    %swap3A_609 = vector.shape_cast %swap3A_608 : vector<1x16xf32> to vector<16xf32>
    %swap3A_610 = vector.shape_cast %broadcast_in_dim3A_17 : vector<16xf32> to vector<1x16xf32>
    tpu.vector_store %arg15[%swap3A_606, %swap3A_607], %swap3A_610 {strides = array<i32>} : memref<16x128xf32, #tpu.memory_space<vmem>>, vector<1x16xf32>,
    %swap3A_611 = arith.constant 12 : i32
    %swap3A_612 = arith.index_cast %swap3A_611 : i32 to index
    %swap3A_613 = arith.constant 48 : index
    %swap3A_614 = tpu.vector_load %arg15[%swap3A_612, %swap3A_613] {strides = array<i32>} : memref<16x128xf32, #tpu.memory_space<vmem>>, vector<1x16xf32>,
    %swap3A_615 = vector.shape_cast %swap3A_614 : vector<1x16xf32> to vector<16xf32>
    %swap3A_616 = vector.shape_cast %broadcast_in_dim3A_17 : vector<16xf32> to vector<1x16xf32>
    tpu.vector_store %arg15[%swap3A_612, %swap3A_613], %swap3A_616 {strides = array<i32>} : memref<16x128xf32, #tpu.memory_space<vmem>>, vector<1x16xf32>,
    %swap3A_617 = arith.constant 12 : i32
    %swap3A_618 = arith.index_cast %swap3A_617 : i32 to index
    %swap3A_619 = arith.constant 64 : index
    %swap3A_620 = tpu.vector_load %arg15[%swap3A_618, %swap3A_619] {strides = array<i32>} : memref<16x128xf32, #tpu.memory_space<vmem>>, vector<1x16xf32>,
    %swap3A_621 = vector.shape_cast %swap3A_620 : vector<1x16xf32> to vector<16xf32>
    %swap3A_622 = vector.shape_cast %broadcast_in_dim3A_17 : vector<16xf32> to vector<1x16xf32>
    tpu.vector_store %arg15[%swap3A_618, %swap3A_619], %swap3A_622 {strides = array<i32>} : memref<16x128xf32, #tpu.memory_space<vmem>>, vector<1x16xf32>,
    %swap3A_623 = arith.constant 12 : i32
    %swap3A_624 = arith.index_cast %swap3A_623 : i32 to index
    %swap3A_625 = arith.constant 80 : index
    %swap3A_626 = tpu.vector_load %arg15[%swap3A_624, %swap3A_625] {strides = array<i32>} : memref<16x128xf32, #tpu.memory_space<vmem>>, vector<1x16xf32>,
    %swap3A_627 = vector.shape_cast %swap3A_626 : vector<1x16xf32> to vector<16xf32>
    %swap3A_628 = vector.shape_cast %broadcast_in_dim3A_17 : vector<16xf32> to vector<1x16xf32>
    tpu.vector_store %arg15[%swap3A_624, %swap3A_625], %swap3A_628 {strides = array<i32>} : memref<16x128xf32, #tpu.memory_space<vmem>>, vector<1x16xf32>,
    %swap3A_629 = arith.constant 12 : i32
    %swap3A_630 = arith.index_cast %swap3A_629 : i32 to index
    %swap3A_631 = arith.constant 96 : index
    %swap3A_632 = tpu.vector_load %arg15[%swap3A_630, %swap3A_631] {strides = array<i32>} : memref<16x128xf32, #tpu.memory_space<vmem>>, vector<1x16xf32>,
    %swap3A_633 = vector.shape_cast %swap3A_632 : vector<1x16xf32> to vector<16xf32>
    %swap3A_634 = vector.shape_cast %broadcast_in_dim3A_17 : vector<16xf32> to vector<1x16xf32>
    tpu.vector_store %arg15[%swap3A_630, %swap3A_631], %swap3A_634 {strides = array<i32>} : memref<16x128xf32, #tpu.memory_space<vmem>>, vector<1x16xf32>,
    %swap3A_635 = arith.constant 12 : i32
    %swap3A_636 = arith.index_cast %swap3A_635 : i32 to index
    %swap3A_637 = arith.constant 112 : index
    %swap3A_638 = tpu.vector_load %arg15[%swap3A_636, %swap3A_637] {strides = array<i32>} : memref<16x128xf32, #tpu.memory_space<vmem>>, vector<1x16xf32>,
    %swap3A_639 = vector.shape_cast %swap3A_638 : vector<1x16xf32> to vector<16xf32>
    %swap3A_640 = vector.shape_cast %broadcast_in_dim3A_17 : vector<16xf32> to vector<1x16xf32>
    tpu.vector_store %arg15[%swap3A_636, %swap3A_637], %swap3A_640 {strides = array<i32>} : memref<16x128xf32, #tpu.memory_space<vmem>>, vector<1x16xf32>,
    %swap3A_641 = arith.constant 13 : i32
    %swap3A_642 = arith.index_cast %swap3A_641 : i32 to index
    %swap3A_643 = arith.constant 0 : index
    %swap3A_644 = tpu.vector_load %arg15[%swap3A_642, %swap3A_643] {strides = array<i32>} : memref<16x128xf32, #tpu.memory_space<vmem>>, vector<1x16xf32>,
    %swap3A_645 = vector.shape_cast %swap3A_644 : vector<1x16xf32> to vector<16xf32>
    %swap3A_646 = vector.shape_cast %broadcast_in_dim3A_17 : vector<16xf32> to vector<1x16xf32>
    tpu.vector_store %arg15[%swap3A_642, %swap3A_643], %swap3A_646 {strides = array<i32>} : memref<16x128xf32, #tpu.memory_space<vmem>>, vector<1x16xf32>,
    %swap3A_647 = arith.constant 13 : i32
    %swap3A_648 = arith.index_cast %swap3A_647 : i32 to index
    %swap3A_649 = arith.constant 16 : index
    %swap3A_650 = tpu.vector_load %arg15[%swap3A_648, %swap3A_649] {strides = array<i32>} : memref<16x128xf32, #tpu.memory_space<vmem>>, vector<1x16xf32>,
    %swap3A_651 = vector.shape_cast %swap3A_650 : vector<1x16xf32> to vector<16xf32>
    %swap3A_652 = vector.shape_cast %broadcast_in_dim3A_17 : vector<16xf32> to vector<1x16xf32>
    tpu.vector_store %arg15[%swap3A_648, %swap3A_649], %swap3A_652 {strides = array<i32>} : memref<16x128xf32, #tpu.memory_space<vmem>>, vector<1x16xf32>,
    %swap3A_653 = arith.constant 13 : i32
    %swap3A_654 = arith.index_cast %swap3A_653 : i32 to index
    %swap3A_655 = arith.constant 32 : index
    %swap3A_656 = tpu.vector_load %arg15[%swap3A_654, %swap3A_655] {strides = array<i32>} : memref<16x128xf32, #tpu.memory_space<vmem>>, vector<1x16xf32>,
    %swap3A_657 = vector.shape_cast %swap3A_656 : vector<1x16xf32> to vector<16xf32>
    %swap3A_658 = vector.shape_cast %broadcast_in_dim3A_17 : vector<16xf32> to vector<1x16xf32>
    tpu.vector_store %arg15[%swap3A_654, %swap3A_655], %swap3A_658 {strides = array<i32>} : memref<16x128xf32, #tpu.memory_space<vmem>>, vector<1x16xf32>,
    %swap3A_659 = arith.constant 13 : i32
    %swap3A_660 = arith.index_cast %swap3A_659 : i32 to index
    %swap3A_661 = arith.constant 48 : index
    %swap3A_662 = tpu.vector_load %arg15[%swap3A_660, %swap3A_661] {strides = array<i32>} : memref<16x128xf32, #tpu.memory_space<vmem>>, vector<1x16xf32>,
    %swap3A_663 = vector.shape_cast %swap3A_662 : vector<1x16xf32> to vector<16xf32>
    %swap3A_664 = vector.shape_cast %broadcast_in_dim3A_17 : vector<16xf32> to vector<1x16xf32>
    tpu.vector_store %arg15[%swap3A_660, %swap3A_661], %swap3A_664 {strides = array<i32>} : memref<16x128xf32, #tpu.memory_space<vmem>>, vector<1x16xf32>,
    %swap3A_665 = arith.constant 13 : i32
    %swap3A_666 = arith.index_cast %swap3A_665 : i32 to index
    %swap3A_667 = arith.constant 64 : index
    %swap3A_668 = tpu.vector_load %arg15[%swap3A_666, %swap3A_667] {strides = array<i32>} : memref<16x128xf32, #tpu.memory_space<vmem>>, vector<1x16xf32>,
    %swap3A_669 = vector.shape_cast %swap3A_668 : vector<1x16xf32> to vector<16xf32>
    %swap3A_670 = vector.shape_cast %broadcast_in_dim3A_17 : vector<16xf32> to vector<1x16xf32>
    tpu.vector_store %arg15[%swap3A_666, %swap3A_667], %swap3A_670 {strides = array<i32>} : memref<16x128xf32, #tpu.memory_space<vmem>>, vector<1x16xf32>,
    %swap3A_671 = arith.constant 13 : i32
    %swap3A_672 = arith.index_cast %swap3A_671 : i32 to index
    %swap3A_673 = arith.constant 80 : index
    %swap3A_674 = tpu.vector_load %arg15[%swap3A_672, %swap3A_673] {strides = array<i32>} : memref<16x128xf32, #tpu.memory_space<vmem>>, vector<1x16xf32>,
    %swap3A_675 = vector.shape_cast %swap3A_674 : vector<1x16xf32> to vector<16xf32>
    %swap3A_676 = vector.shape_cast %broadcast_in_dim3A_17 : vector<16xf32> to vector<1x16xf32>
    tpu.vector_store %arg15[%swap3A_672, %swap3A_673], %swap3A_676 {strides = array<i32>} : memref<16x128xf32, #tpu.memory_space<vmem>>, vector<1x16xf32>,
    %swap3A_677 = arith.constant 13 : i32
    %swap3A_678 = arith.index_cast %swap3A_677 : i32 to index
    %swap3A_679 = arith.constant 96 : index
    %swap3A_680 = tpu.vector_load %arg15[%swap3A_678, %swap3A_679] {strides = array<i32>} : memref<16x128xf32, #tpu.memory_space<vmem>>, vector<1x16xf32>,
    %swap3A_681 = vector.shape_cast %swap3A_680 : vector<1x16xf32> to vector<16xf32>
    %swap3A_682 = vector.shape_cast %broadcast_in_dim3A_17 : vector<16xf32> to vector<1x16xf32>
    tpu.vector_store %arg15[%swap3A_678, %swap3A_679], %swap3A_682 {strides = array<i32>} : memref<16x128xf32, #tpu.memory_space<vmem>>, vector<1x16xf32>,
    %swap3A_683 = arith.constant 13 : i32
    %swap3A_684 = arith.index_cast %swap3A_683 : i32 to index
    %swap3A_685 = arith.constant 112 : index
    %swap3A_686 = tpu.vector_load %arg15[%swap3A_684, %swap3A_685] {strides = array<i32>} : memref<16x128xf32, #tpu.memory_space<vmem>>, vector<1x16xf32>,
    %swap3A_687 = vector.shape_cast %swap3A_686 : vector<1x16xf32> to vector<16xf32>
    %swap3A_688 = vector.shape_cast %broadcast_in_dim3A_17 : vector<16xf32> to vector<1x16xf32>
    tpu.vector_store %arg15[%swap3A_684, %swap3A_685], %swap3A_688 {strides = array<i32>} : memref<16x128xf32, #tpu.memory_space<vmem>>, vector<1x16xf32>,
    %swap3A_689 = arith.constant 14 : i32
    %swap3A_690 = arith.index_cast %swap3A_689 : i32 to index
    %swap3A_691 = arith.constant 0 : index
    %swap3A_692 = tpu.vector_load %arg15[%swap3A_690, %swap3A_691] {strides = array<i32>} : memref<16x128xf32, #tpu.memory_space<vmem>>, vector<1x16xf32>,
    %swap3A_693 = vector.shape_cast %swap3A_692 : vector<1x16xf32> to vector<16xf32>
    %swap3A_694 = vector.shape_cast %broadcast_in_dim3A_17 : vector<16xf32> to vector<1x16xf32>
    tpu.vector_store %arg15[%swap3A_690, %swap3A_691], %swap3A_694 {strides = array<i32>} : memref<16x128xf32, #tpu.memory_space<vmem>>, vector<1x16xf32>,
    %swap3A_695 = arith.constant 14 : i32
    %swap3A_696 = arith.index_cast %swap3A_695 : i32 to index
    %swap3A_697 = arith.constant 16 : index
    %swap3A_698 = tpu.vector_load %arg15[%swap3A_696, %swap3A_697] {strides = array<i32>} : memref<16x128xf32, #tpu.memory_space<vmem>>, vector<1x16xf32>,
    %swap3A_699 = vector.shape_cast %swap3A_698 : vector<1x16xf32> to vector<16xf32>
    %swap3A_700 = vector.shape_cast %broadcast_in_dim3A_17 : vector<16xf32> to vector<1x16xf32>
    tpu.vector_store %arg15[%swap3A_696, %swap3A_697], %swap3A_700 {strides = array<i32>} : memref<16x128xf32, #tpu.memory_space<vmem>>, vector<1x16xf32>,
    %swap3A_701 = arith.constant 14 : i32
    %swap3A_702 = arith.index_cast %swap3A_701 : i32 to index
    %swap3A_703 = arith.constant 32 : index
    %swap3A_704 = tpu.vector_load %arg15[%swap3A_702, %swap3A_703] {strides = array<i32>} : memref<16x128xf32, #tpu.memory_space<vmem>>, vector<1x16xf32>,
    %swap3A_705 = vector.shape_cast %swap3A_704 : vector<1x16xf32> to vector<16xf32>
    %swap3A_706 = vector.shape_cast %broadcast_in_dim3A_17 : vector<16xf32> to vector<1x16xf32>
    tpu.vector_store %arg15[%swap3A_702, %swap3A_703], %swap3A_706 {strides = array<i32>} : memref<16x128xf32, #tpu.memory_space<vmem>>, vector<1x16xf32>,
    %swap3A_707 = arith.constant 14 : i32
    %swap3A_708 = arith.index_cast %swap3A_707 : i32 to index
    %swap3A_709 = arith.constant 48 : index
    %swap3A_710 = tpu.vector_load %arg15[%swap3A_708, %swap3A_709] {strides = array<i32>} : memref<16x128xf32, #tpu.memory_space<vmem>>, vector<1x16xf32>,
    %swap3A_711 = vector.shape_cast %swap3A_710 : vector<1x16xf32> to vector<16xf32>
    %swap3A_712 = vector.shape_cast %broadcast_in_dim3A_17 : vector<16xf32> to vector<1x16xf32>
    tpu.vector_store %arg15[%swap3A_708, %swap3A_709], %swap3A_712 {strides = array<i32>} : memref<16x128xf32, #tpu.memory_space<vmem>>, vector<1x16xf32>,
    %swap3A_713 = arith.constant 14 : i32
    %swap3A_714 = arith.index_cast %swap3A_713 : i32 to index
    %swap3A_715 = arith.constant 64 : index
    %swap3A_716 = tpu.vector_load %arg15[%swap3A_714, %swap3A_715] {strides = array<i32>} : memref<16x128xf32, #tpu.memory_space<vmem>>, vector<1x16xf32>,
    %swap3A_717 = vector.shape_cast %swap3A_716 : vector<1x16xf32> to vector<16xf32>
    %swap3A_718 = vector.shape_cast %broadcast_in_dim3A_17 : vector<16xf32> to vector<1x16xf32>
    tpu.vector_store %arg15[%swap3A_714, %swap3A_715], %swap3A_718 {strides = array<i32>} : memref<16x128xf32, #tpu.memory_space<vmem>>, vector<1x16xf32>,
    %swap3A_719 = arith.constant 14 : i32
    %swap3A_720 = arith.index_cast %swap3A_719 : i32 to index
    %swap3A_721 = arith.constant 80 : index
    %swap3A_722 = tpu.vector_load %arg15[%swap3A_720, %swap3A_721] {strides = array<i32>} : memref<16x128xf32, #tpu.memory_space<vmem>>, vector<1x16xf32>,
    %swap3A_723 = vector.shape_cast %swap3A_722 : vector<1x16xf32> to vector<16xf32>
    %swap3A_724 = vector.shape_cast %broadcast_in_dim3A_17 : vector<16xf32> to vector<1x16xf32>
    tpu.vector_store %arg15[%swap3A_720, %swap3A_721], %swap3A_724 {strides = array<i32>} : memref<16x128xf32, #tpu.memory_space<vmem>>, vector<1x16xf32>,
    %swap3A_725 = arith.constant 14 : i32
    %swap3A_726 = arith.index_cast %swap3A_725 : i32 to index
    %swap3A_727 = arith.constant 96 : index
    %swap3A_728 = tpu.vector_load %arg15[%swap3A_726, %swap3A_727] {strides = array<i32>} : memref<16x128xf32, #tpu.memory_space<vmem>>, vector<1x16xf32>,
    %swap3A_729 = vector.shape_cast %swap3A_728 : vector<1x16xf32> to vector<16xf32>
    %swap3A_730 = vector.shape_cast %broadcast_in_dim3A_17 : vector<16xf32> to vector<1x16xf32>
    tpu.vector_store %arg15[%swap3A_726, %swap3A_727], %swap3A_730 {strides = array<i32>} : memref<16x128xf32, #tpu.memory_space<vmem>>, vector<1x16xf32>,
    %swap3A_731 = arith.constant 14 : i32
    %swap3A_732 = arith.index_cast %swap3A_731 : i32 to index
    %swap3A_733 = arith.constant 112 : index
    %swap3A_734 = tpu.vector_load %arg15[%swap3A_732, %swap3A_733] {strides = array<i32>} : memref<16x128xf32, #tpu.memory_space<vmem>>, vector<1x16xf32>,
    %swap3A_735 = vector.shape_cast %swap3A_734 : vector<1x16xf32> to vector<16xf32>
    %swap3A_736 = vector.shape_cast %broadcast_in_dim3A_17 : vector<16xf32> to vector<1x16xf32>
    tpu.vector_store %arg15[%swap3A_732, %swap3A_733], %swap3A_736 {strides = array<i32>} : memref<16x128xf32, #tpu.memory_space<vmem>>, vector<1x16xf32>,
    %swap3A_737 = arith.constant 15 : i32
    %swap3A_738 = arith.index_cast %swap3A_737 : i32 to index
    %swap3A_739 = arith.constant 0 : index
    %swap3A_740 = tpu.vector_load %arg15[%swap3A_738, %swap3A_739] {strides = array<i32>} : memref<16x128xf32, #tpu.memory_space<vmem>>, vector<1x16xf32>,
    %swap3A_741 = vector.shape_cast %swap3A_740 : vector<1x16xf32> to vector<16xf32>
    %swap3A_742 = vector.shape_cast %broadcast_in_dim3A_17 : vector<16xf32> to vector<1x16xf32>
    tpu.vector_store %arg15[%swap3A_738, %swap3A_739], %swap3A_742 {strides = array<i32>} : memref<16x128xf32, #tpu.memory_space<vmem>>, vector<1x16xf32>,
    %swap3A_743 = arith.constant 15 : i32
    %swap3A_744 = arith.index_cast %swap3A_743 : i32 to index
    %swap3A_745 = arith.constant 16 : index
    %swap3A_746 = tpu.vector_load %arg15[%swap3A_744, %swap3A_745] {strides = array<i32>} : memref<16x128xf32, #tpu.memory_space<vmem>>, vector<1x16xf32>,
    %swap3A_747 = vector.shape_cast %swap3A_746 : vector<1x16xf32> to vector<16xf32>
    %swap3A_748 = vector.shape_cast %broadcast_in_dim3A_17 : vector<16xf32> to vector<1x16xf32>
    tpu.vector_store %arg15[%swap3A_744, %swap3A_745], %swap3A_748 {strides = array<i32>} : memref<16x128xf32, #tpu.memory_space<vmem>>, vector<1x16xf32>,
    %swap3A_749 = arith.constant 15 : i32
    %swap3A_750 = arith.index_cast %swap3A_749 : i32 to index
    %swap3A_751 = arith.constant 32 : index
    %swap3A_752 = tpu.vector_load %arg15[%swap3A_750, %swap3A_751] {strides = array<i32>} : memref<16x128xf32, #tpu.memory_space<vmem>>, vector<1x16xf32>,
    %swap3A_753 = vector.shape_cast %swap3A_752 : vector<1x16xf32> to vector<16xf32>
    %swap3A_754 = vector.shape_cast %broadcast_in_dim3A_17 : vector<16xf32> to vector<1x16xf32>
    tpu.vector_store %arg15[%swap3A_750, %swap3A_751], %swap3A_754 {strides = array<i32>} : memref<16x128xf32, #tpu.memory_space<vmem>>, vector<1x16xf32>,
    %swap3A_755 = arith.constant 15 : i32
    %swap3A_756 = arith.index_cast %swap3A_755 : i32 to index
    %swap3A_757 = arith.constant 48 : index
    %swap3A_758 = tpu.vector_load %arg15[%swap3A_756, %swap3A_757] {strides = array<i32>} : memref<16x128xf32, #tpu.memory_space<vmem>>, vector<1x16xf32>,
    %swap3A_759 = vector.shape_cast %swap3A_758 : vector<1x16xf32> to vector<16xf32>
    %swap3A_760 = vector.shape_cast %broadcast_in_dim3A_17 : vector<16xf32> to vector<1x16xf32>
    tpu.vector_store %arg15[%swap3A_756, %swap3A_757], %swap3A_760 {strides = array<i32>} : memref<16x128xf32, #tpu.memory_space<vmem>>, vector<1x16xf32>,
    %swap3A_761 = arith.constant 15 : i32
    %swap3A_762 = arith.index_cast %swap3A_761 : i32 to index
    %swap3A_763 = arith.constant 64 : index
    %swap3A_764 = tpu.vector_load %arg15[%swap3A_762, %swap3A_763] {strides = array<i32>} : memref<16x128xf32, #tpu.memory_space<vmem>>, vector<1x16xf32>,
    %swap3A_765 = vector.shape_cast %swap3A_764 : vector<1x16xf32> to vector<16xf32>
    %swap3A_766 = vector.shape_cast %broadcast_in_dim3A_17 : vector<16xf32> to vector<1x16xf32>
    tpu.vector_store %arg15[%swap3A_762, %swap3A_763], %swap3A_766 {strides = array<i32>} : memref<16x128xf32, #tpu.memory_space<vmem>>, vector<1x16xf32>,
    %swap3A_767 = arith.constant 15 : i32
    %swap3A_768 = arith.index_cast %swap3A_767 : i32 to index
    %swap3A_769 = arith.constant 80 : index
    %swap3A_770 = tpu.vector_load %arg15[%swap3A_768, %swap3A_769] {strides = array<i32>} : memref<16x128xf32, #tpu.memory_space<vmem>>, vector<1x16xf32>,
    %swap3A_771 = vector.shape_cast %swap3A_770 : vector<1x16xf32> to vector<16xf32>
    %swap3A_772 = vector.shape_cast %broadcast_in_dim3A_17 : vector<16xf32> to vector<1x16xf32>
    tpu.vector_store %arg15[%swap3A_768, %swap3A_769], %swap3A_772 {strides = array<i32>} : memref<16x128xf32, #tpu.memory_space<vmem>>, vector<1x16xf32>,
    %swap3A_773 = arith.constant 15 : i32
    %swap3A_774 = arith.index_cast %swap3A_773 : i32 to index
    %swap3A_775 = arith.constant 96 : index
    %swap3A_776 = tpu.vector_load %arg15[%swap3A_774, %swap3A_775] {strides = array<i32>} : memref<16x128xf32, #tpu.memory_space<vmem>>, vector<1x16xf32>,
    %swap3A_777 = vector.shape_cast %swap3A_776 : vector<1x16xf32> to vector<16xf32>
    %swap3A_778 = vector.shape_cast %broadcast_in_dim3A_17 : vector<16xf32> to vector<1x16xf32>
    tpu.vector_store %arg15[%swap3A_774, %swap3A_775], %swap3A_778 {strides = array<i32>} : memref<16x128xf32, #tpu.memory_space<vmem>>, vector<1x16xf32>,
    %swap3A_779 = arith.constant 15 : i32
    %swap3A_780 = arith.index_cast %swap3A_779 : i32 to index
    %swap3A_781 = arith.constant 112 : index
    %swap3A_782 = tpu.vector_load %arg15[%swap3A_780, %swap3A_781] {strides = array<i32>} : memref<16x128xf32, #tpu.memory_space<vmem>>, vector<1x16xf32>,
    %swap3A_783 = vector.shape_cast %swap3A_782 : vector<1x16xf32> to vector<16xf32>
    %swap3A_784 = vector.shape_cast %broadcast_in_dim3A_17 : vector<16xf32> to vector<1x16xf32>
    tpu.vector_store %arg15[%swap3A_780, %swap3A_781], %swap3A_784 {strides = array<i32>} : memref<16x128xf32, #tpu.memory_space<vmem>>, vector<1x16xf32>,
    %broadcast_in_dim3A_785 = arith.constant 1.000000e+00 : f32
    %broadcast_in_dim3A_786 = vector.broadcast %broadcast_in_dim3A_785 : f32 to vector<16xf32>
    %swap3A_787 = arith.constant 0 : index
    %swap3A_788 = tpu.vector_load %arg17[%swap3A_787] {strides = array<i32>} : memref<128xf32, #tpu.memory_space<vmem>>, vector<16xf32>,
    %swap3A_789 = vector.shape_cast %swap3A_788 : vector<16xf32> to vector<16xf32>
    %swap3A_790 = vector.shape_cast %broadcast_in_dim3A_786 : vector<16xf32> to vector<16xf32>
    tpu.vector_store %arg17[%swap3A_787], %swap3A_790 {strides = array<i32>} : memref<128xf32, #tpu.memory_space<vmem>>, vector<16xf32>,
    %broadcast_in_dim3A_791 = arith.constant 1.000000e+00 : f32
    %broadcast_in_dim3A_792 = vector.broadcast %broadcast_in_dim3A_791 : f32 to vector<16xf32>
    %swap3A_793 = arith.constant 16 : index
    %swap3A_794 = tpu.vector_load %arg17[%swap3A_793] {strides = array<i32>} : memref<128xf32, #tpu.memory_space<vmem>>, vector<16xf32>,
    %swap3A_795 = vector.shape_cast %swap3A_794 : vector<16xf32> to vector<16xf32>
    %swap3A_796 = vector.shape_cast %broadcast_in_dim3A_792 : vector<16xf32> to vector<16xf32>
    tpu.vector_store %arg17[%swap3A_793], %swap3A_796 {strides = array<i32>} : memref<128xf32, #tpu.memory_space<vmem>>, vector<16xf32>,
    %broadcast_in_dim3A_797 = arith.constant 1.000000e+00 : f32
    %broadcast_in_dim3A_798 = vector.broadcast %broadcast_in_dim3A_797 : f32 to vector<16xf32>
    %swap3A_799 = arith.constant 32 : index
    %swap3A_800 = tpu.vector_load %arg17[%swap3A_799] {strides = array<i32>} : memref<128xf32, #tpu.memory_space<vmem>>, vector<16xf32>,
    %swap3A_801 = vector.shape_cast %swap3A_800 : vector<16xf32> to vector<16xf32>
    %swap3A_802 = vector.shape_cast %broadcast_in_dim3A_798 : vector<16xf32> to vector<16xf32>
    tpu.vector_store %arg17[%swap3A_799], %swap3A_802 {strides = array<i32>} : memref<128xf32, #tpu.memory_space<vmem>>, vector<16xf32>,
    %broadcast_in_dim3A_803 = arith.constant 1.000000e+00 : f32
    %broadcast_in_dim3A_804 = vector.broadcast %broadcast_in_dim3A_803 : f32 to vector<16xf32>
    %swap3A_805 = arith.constant 48 : index
    %swap3A_806 = tpu.vector_load %arg17[%swap3A_805] {strides = array<i32>} : memref<128xf32, #tpu.memory_space<vmem>>, vector<16xf32>,
    %swap3A_807 = vector.shape_cast %swap3A_806 : vector<16xf32> to vector<16xf32>
    %swap3A_808 = vector.shape_cast %broadcast_in_dim3A_804 : vector<16xf32> to vector<16xf32>
    tpu.vector_store %arg17[%swap3A_805], %swap3A_808 {strides = array<i32>} : memref<128xf32, #tpu.memory_space<vmem>>, vector<16xf32>,
    %broadcast_in_dim3A_809 = arith.constant 1.000000e+00 : f32
    %broadcast_in_dim3A_810 = vector.broadcast %broadcast_in_dim3A_809 : f32 to vector<16xf32>
    %swap3A_811 = arith.constant 64 : index
    %swap3A_812 = tpu.vector_load %arg17[%swap3A_811] {strides = array<i32>} : memref<128xf32, #tpu.memory_space<vmem>>, vector<16xf32>,
    %swap3A_813 = vector.shape_cast %swap3A_812 : vector<16xf32> to vector<16xf32>
    %swap3A_814 = vector.shape_cast %broadcast_in_dim3A_810 : vector<16xf32> to vector<16xf32>
    tpu.vector_store %arg17[%swap3A_811], %swap3A_814 {strides = array<i32>} : memref<128xf32, #tpu.memory_space<vmem>>, vector<16xf32>,
    %broadcast_in_dim3A_815 = arith.constant 1.000000e+00 : f32
    %broadcast_in_dim3A_816 = vector.broadcast %broadcast_in_dim3A_815 : f32 to vector<16xf32>
    %swap3A_817 = arith.constant 80 : index
    %swap3A_818 = tpu.vector_load %arg17[%swap3A_817] {strides = array<i32>} : memref<128xf32, #tpu.memory_space<vmem>>, vector<16xf32>,
    %swap3A_819 = vector.shape_cast %swap3A_818 : vector<16xf32> to vector<16xf32>
    %swap3A_820 = vector.shape_cast %broadcast_in_dim3A_816 : vector<16xf32> to vector<16xf32>
    tpu.vector_store %arg17[%swap3A_817], %swap3A_820 {strides = array<i32>} : memref<128xf32, #tpu.memory_space<vmem>>, vector<16xf32>,
    %broadcast_in_dim3A_821 = arith.constant 1.000000e+00 : f32
    %broadcast_in_dim3A_822 = vector.broadcast %broadcast_in_dim3A_821 : f32 to vector<16xf32>
    %swap3A_823 = arith.constant 96 : index
    %swap3A_824 = tpu.vector_load %arg17[%swap3A_823] {strides = array<i32>} : memref<128xf32, #tpu.memory_space<vmem>>, vector<16xf32>,
    %swap3A_825 = vector.shape_cast %swap3A_824 : vector<16xf32> to vector<16xf32>
    %swap3A_826 = vector.shape_cast %broadcast_in_dim3A_822 : vector<16xf32> to vector<16xf32>
    tpu.vector_store %arg17[%swap3A_823], %swap3A_826 {strides = array<i32>} : memref<128xf32, #tpu.memory_space<vmem>>, vector<16xf32>,
    %broadcast_in_dim3A_827 = arith.constant 1.000000e+00 : f32
    %broadcast_in_dim3A_828 = vector.broadcast %broadcast_in_dim3A_827 : f32 to vector<16xf32>
    %swap3A_829 = arith.constant 112 : index
    %swap3A_830 = tpu.vector_load %arg17[%swap3A_829] {strides = array<i32>} : memref<128xf32, #tpu.memory_space<vmem>>, vector<16xf32>,
    %swap3A_831 = vector.shape_cast %swap3A_830 : vector<16xf32> to vector<16xf32>
    %swap3A_832 = vector.shape_cast %broadcast_in_dim3A_828 : vector<16xf32> to vector<16xf32>
    tpu.vector_store %arg17[%swap3A_829], %swap3A_832 {strides = array<i32>} : memref<128xf32, #tpu.memory_space<vmem>>, vector<16xf32>,
    %scan3A = arith.constant 0 : i32
    %scan3A_833 = arith.constant 0 : i32
    %scan3A_834 = arith.constant 64 : i32
    %scan3A_835 = arith.addi %scan3A_833, %scan3A_834 : i32
    %scan3A_836 = arith.constant 1 : i32
    scf.for %scan3A_1133 = %scan3A_833 to %scan3A_835 step %scan3A_836  : i32 {
      %mul3A_1134 = arith.constant 16 : i32
      %mul3A_1135 = arith.muli %scan3A_1133, %mul3A_1134 : i32
      %multiple_of3A_1136 = tpu.assume_multiple %mul3A_1135, 16 : i32
      %swap3A_1137 = arith.index_cast %multiple_of3A_1136 : i32 to index
      %swap3A_1138 = tpu.vector_load %arg16[%swap3A_1137] {strides = array<i32>} : memref<1024xf32, #tpu.memory_space<vmem>>, vector<16xf32>,
      %swap3A_1139 = vector.shape_cast %swap3A_1138 : vector<16xf32> to vector<16xf32>
      %swap3A_1140 = vector.shape_cast %broadcast_in_dim3A_17 : vector<16xf32> to vector<16xf32>
      tpu.vector_store %arg16[%swap3A_1137], %swap3A_1140 {strides = array<i32>} : memref<1024xf32, #tpu.memory_space<vmem>>, vector<16xf32>,
    }
    %scan3A_837 = arith.constant 64 : i32
    %lt3A = arith.constant 2 : i32
    %lt3A_838 = arith.cmpi slt, %arg1, %lt3A : i32
    %jit3A = arith.constant 1 : i32
    %jit3A_839 = arith.constant 0 : i32
    %select_n3A = arith.select %lt3A_838, %jit3A, %jit3A_839 : i32
    %add3A_840 = arith.constant 39 : i32
    %add3A_841 = arith.addi %add3A_840, %select_n3A : i32
    %while3A = arith.constant 0 : i32
    %while3A_842 = arith.constant 0 : i32
    %while3A_843 = arith.subi %add3A_841, %while3A_842 : i32
    %while3A_844 = arith.addi %while3A_842, %while3A_843 : i32
    %while3A_845 = arith.constant 1 : i32
    %while3A_846 = arith.divsi %while3A_843, %while3A_845 : i32
    %while3A_847 = arith.muli %while3A_846, %while3A_845 : i32
    %while3A_848 = arith.addi %while3A_842, %while3A_847 : i32
    %while3A_849 = arith.constant 1 : i32
    scf.for %while3A_1133 = %while3A_842 to %while3A_848 step %while3A_849  : i32 {
      %mul3A_1134 = arith.constant 16 : i32
      %mul3A_1135 = arith.muli %while3A_1133, %mul3A_1134 : i32
      %add3A_1136 = arith.addi %arg1, %mul3A_1135 : i32
      %mul3A_1137 = arith.constant 16 : i32
      %mul3A_1138 = arith.muli %add3A_1136, %mul3A_1137 : i32
      %multiple_of3A_1139 = tpu.assume_multiple %mul3A_1138, 16 : i32
      "tpu.region"() ({
        %run_scoped3A = tpu.sem_alloc : memref<!tpu.dma_semaphore, #tpu.memory_space<semaphore_mem>>
        %dma_start3A_1140 = arith.constant 0 : i32
        %dma_start3A_1141 = tpu.memref_slice %arg7[%multiple_of3A_1139, %dma_start3A_1140] : memref<10016x128xf32, #tpu.memory_space<vmem_shared>> -> memref<16x128xf32, #tpu.memory_space<vmem_shared>>
        %dma_start3A_1142 = arith.constant 0 : i32
        %dma_start3A_1143 = tpu.memref_slice %arg7[%multiple_of3A_1139, %dma_start3A_1142] : memref<10016x128xf32, #tpu.memory_space<vmem_shared>> -> memref<16x128xf32, #tpu.memory_space<vmem_shared>>
        tpu.enqueue_dma source(%arg15 : memref<16x128xf32, #tpu.memory_space<vmem>>) target(%dma_start3A_1143 : memref<16x128xf32, #tpu.memory_space<vmem_shared>>) target_semaphore(%run_scoped3A : memref<!tpu.dma_semaphore, #tpu.memory_space<semaphore_mem>>)
        %dma_wait3A_1144 = arith.constant 0 : i32
        %dma_wait3A_1145 = tpu.memref_slice %arg7[%multiple_of3A_1139, %dma_wait3A_1144] : memref<10016x128xf32, #tpu.memory_space<vmem_shared>> -> memref<16x128xf32, #tpu.memory_space<vmem_shared>>
        %dma_wait3A_1146 = arith.constant 0 : i32
        %dma_wait3A_1147 = tpu.memref_slice %arg7[%multiple_of3A_1139, %dma_wait3A_1146] : memref<10016x128xf32, #tpu.memory_space<vmem_shared>> -> memref<16x128xf32, #tpu.memory_space<vmem_shared>>
        tpu.wait_dma2 semaphore(%run_scoped3A : memref<!tpu.dma_semaphore, #tpu.memory_space<semaphore_mem>>) src(%arg15 : memref<16x128xf32, #tpu.memory_space<vmem>>) dst(%dma_wait3A_1147 : memref<16x128xf32, #tpu.memory_space<vmem_shared>>)
        tpu.yield
      }) : () -> ()
    }
    %while3A_850 = arith.constant 1 : i32
    scf.for %while3A_1133 = %while3A_848 to %while3A_844 step %while3A_850  : i32 {
      %mul3A_1134 = arith.constant 16 : i32
      %mul3A_1135 = arith.muli %while3A_1133, %mul3A_1134 : i32
      %add3A_1136 = arith.addi %arg1, %mul3A_1135 : i32
      %mul3A_1137 = arith.constant 16 : i32
      %mul3A_1138 = arith.muli %add3A_1136, %mul3A_1137 : i32
      %multiple_of3A_1139 = tpu.assume_multiple %mul3A_1138, 16 : i32
      "tpu.region"() ({
        %run_scoped3A = tpu.sem_alloc : memref<!tpu.dma_semaphore, #tpu.memory_space<semaphore_mem>>
        %dma_start3A_1140 = arith.constant 0 : i32
        %dma_start3A_1141 = tpu.memref_slice %arg7[%multiple_of3A_1139, %dma_start3A_1140] : memref<10016x128xf32, #tpu.memory_space<vmem_shared>> -> memref<16x128xf32, #tpu.memory_space<vmem_shared>>
        %dma_start3A_1142 = arith.constant 0 : i32
        %dma_start3A_1143 = tpu.memref_slice %arg7[%multiple_of3A_1139, %dma_start3A_1142] : memref<10016x128xf32, #tpu.memory_space<vmem_shared>> -> memref<16x128xf32, #tpu.memory_space<vmem_shared>>
        tpu.enqueue_dma source(%arg15 : memref<16x128xf32, #tpu.memory_space<vmem>>) target(%dma_start3A_1143 : memref<16x128xf32, #tpu.memory_space<vmem_shared>>) target_semaphore(%run_scoped3A : memref<!tpu.dma_semaphore, #tpu.memory_space<semaphore_mem>>)
        %dma_wait3A_1144 = arith.constant 0 : i32
        %dma_wait3A_1145 = tpu.memref_slice %arg7[%multiple_of3A_1139, %dma_wait3A_1144] : memref<10016x128xf32, #tpu.memory_space<vmem_shared>> -> memref<16x128xf32, #tpu.memory_space<vmem_shared>>
        %dma_wait3A_1146 = arith.constant 0 : i32
        %dma_wait3A_1147 = tpu.memref_slice %arg7[%multiple_of3A_1139, %dma_wait3A_1146] : memref<10016x128xf32, #tpu.memory_space<vmem_shared>> -> memref<16x128xf32, #tpu.memory_space<vmem_shared>>
        tpu.wait_dma2 semaphore(%run_scoped3A : memref<!tpu.dma_semaphore, #tpu.memory_space<semaphore_mem>>) src(%arg15 : memref<16x128xf32, #tpu.memory_space<vmem>>) dst(%dma_wait3A_1147 : memref<16x128xf32, #tpu.memory_space<vmem_shared>>)
        tpu.yield
      }) : () -> ()
    }
    %eq3A = arith.constant 0 : i32
    %eq3A_851 = arith.cmpi eq, %arg1, %eq3A : i32
    %convert_element_type3A = arith.extui %eq3A_851 : i1 to i32
    %cond3A = arith.constant 0 : i32
    %cond3A_852 = arith.cmpi ne, %convert_element_type3A, %cond3A : i32
    scf.if %cond3A_852 {
      "tpu.region"() ({
        %run_scoped3A = tpu.sem_alloc : memref<!tpu.dma_semaphore, #tpu.memory_space<semaphore_mem>>
        %dma_start3A_1133 = arith.constant 0 : i32
        %dma_start3A_1134 = tpu.memref_slice %arg8[%dma_start3A_1133] : memref<10016xf32, #tpu.memory_space<vmem_shared>> -> memref<1024xf32, #tpu.memory_space<vmem_shared>>
        %dma_start3A_1135 = arith.constant 0 : i32
        %dma_start3A_1136 = tpu.memref_slice %arg8[%dma_start3A_1135] : memref<10016xf32, #tpu.memory_space<vmem_shared>> -> memref<1024xf32, #tpu.memory_space<vmem_shared>>
        tpu.enqueue_dma source(%arg16 : memref<1024xf32, #tpu.memory_space<vmem>>) target(%dma_start3A_1136 : memref<1024xf32, #tpu.memory_space<vmem_shared>>) target_semaphore(%run_scoped3A : memref<!tpu.dma_semaphore, #tpu.memory_space<semaphore_mem>>)
        %dma_wait3A_1137 = arith.constant 0 : i32
        %dma_wait3A_1138 = tpu.memref_slice %arg8[%dma_wait3A_1137] : memref<10016xf32, #tpu.memory_space<vmem_shared>> -> memref<1024xf32, #tpu.memory_space<vmem_shared>>
        %dma_wait3A_1139 = arith.constant 0 : i32
        %dma_wait3A_1140 = tpu.memref_slice %arg8[%dma_wait3A_1139] : memref<10016xf32, #tpu.memory_space<vmem_shared>> -> memref<1024xf32, #tpu.memory_space<vmem_shared>>
        tpu.wait_dma2 semaphore(%run_scoped3A : memref<!tpu.dma_semaphore, #tpu.memory_space<semaphore_mem>>) src(%arg16 : memref<1024xf32, #tpu.memory_space<vmem>>) dst(%dma_wait3A_1140 : memref<1024xf32, #tpu.memory_space<vmem_shared>>)
        tpu.yield
      }) : () -> ()
      "tpu.region"() ({
        %run_scoped3A = tpu.sem_alloc : memref<!tpu.dma_semaphore, #tpu.memory_space<semaphore_mem>>
        %dma_start3A_1133 = arith.constant 1024 : i32
        %dma_start3A_1134 = tpu.memref_slice %arg8[%dma_start3A_1133] : memref<10016xf32, #tpu.memory_space<vmem_shared>> -> memref<1024xf32, #tpu.memory_space<vmem_shared>>
        %dma_start3A_1135 = arith.constant 1024 : i32
        %dma_start3A_1136 = tpu.memref_slice %arg8[%dma_start3A_1135] : memref<10016xf32, #tpu.memory_space<vmem_shared>> -> memref<1024xf32, #tpu.memory_space<vmem_shared>>
        tpu.enqueue_dma source(%arg16 : memref<1024xf32, #tpu.memory_space<vmem>>) target(%dma_start3A_1136 : memref<1024xf32, #tpu.memory_space<vmem_shared>>) target_semaphore(%run_scoped3A : memref<!tpu.dma_semaphore, #tpu.memory_space<semaphore_mem>>)
        %dma_wait3A_1137 = arith.constant 1024 : i32
        %dma_wait3A_1138 = tpu.memref_slice %arg8[%dma_wait3A_1137] : memref<10016xf32, #tpu.memory_space<vmem_shared>> -> memref<1024xf32, #tpu.memory_space<vmem_shared>>
        %dma_wait3A_1139 = arith.constant 1024 : i32
        %dma_wait3A_1140 = tpu.memref_slice %arg8[%dma_wait3A_1139] : memref<10016xf32, #tpu.memory_space<vmem_shared>> -> memref<1024xf32, #tpu.memory_space<vmem_shared>>
        tpu.wait_dma2 semaphore(%run_scoped3A : memref<!tpu.dma_semaphore, #tpu.memory_space<semaphore_mem>>) src(%arg16 : memref<1024xf32, #tpu.memory_space<vmem>>) dst(%dma_wait3A_1140 : memref<1024xf32, #tpu.memory_space<vmem_shared>>)
        tpu.yield
      }) : () -> ()
      "tpu.region"() ({
        %run_scoped3A = tpu.sem_alloc : memref<!tpu.dma_semaphore, #tpu.memory_space<semaphore_mem>>
        %dma_start3A_1133 = arith.constant 2048 : i32
        %dma_start3A_1134 = tpu.memref_slice %arg8[%dma_start3A_1133] : memref<10016xf32, #tpu.memory_space<vmem_shared>> -> memref<1024xf32, #tpu.memory_space<vmem_shared>>
        %dma_start3A_1135 = arith.constant 2048 : i32
        %dma_start3A_1136 = tpu.memref_slice %arg8[%dma_start3A_1135] : memref<10016xf32, #tpu.memory_space<vmem_shared>> -> memref<1024xf32, #tpu.memory_space<vmem_shared>>
        tpu.enqueue_dma source(%arg16 : memref<1024xf32, #tpu.memory_space<vmem>>) target(%dma_start3A_1136 : memref<1024xf32, #tpu.memory_space<vmem_shared>>) target_semaphore(%run_scoped3A : memref<!tpu.dma_semaphore, #tpu.memory_space<semaphore_mem>>)
        %dma_wait3A_1137 = arith.constant 2048 : i32
        %dma_wait3A_1138 = tpu.memref_slice %arg8[%dma_wait3A_1137] : memref<10016xf32, #tpu.memory_space<vmem_shared>> -> memref<1024xf32, #tpu.memory_space<vmem_shared>>
        %dma_wait3A_1139 = arith.constant 2048 : i32
        %dma_wait3A_1140 = tpu.memref_slice %arg8[%dma_wait3A_1139] : memref<10016xf32, #tpu.memory_space<vmem_shared>> -> memref<1024xf32, #tpu.memory_space<vmem_shared>>
        tpu.wait_dma2 semaphore(%run_scoped3A : memref<!tpu.dma_semaphore, #tpu.memory_space<semaphore_mem>>) src(%arg16 : memref<1024xf32, #tpu.memory_space<vmem>>) dst(%dma_wait3A_1140 : memref<1024xf32, #tpu.memory_space<vmem_shared>>)
        tpu.yield
      }) : () -> ()
      "tpu.region"() ({
        %run_scoped3A = tpu.sem_alloc : memref<!tpu.dma_semaphore, #tpu.memory_space<semaphore_mem>>
        %dma_start3A_1133 = arith.constant 3072 : i32
        %dma_start3A_1134 = tpu.memref_slice %arg8[%dma_start3A_1133] : memref<10016xf32, #tpu.memory_space<vmem_shared>> -> memref<1024xf32, #tpu.memory_space<vmem_shared>>
        %dma_start3A_1135 = arith.constant 3072 : i32
        %dma_start3A_1136 = tpu.memref_slice %arg8[%dma_start3A_1135] : memref<10016xf32, #tpu.memory_space<vmem_shared>> -> memref<1024xf32, #tpu.memory_space<vmem_shared>>
        tpu.enqueue_dma source(%arg16 : memref<1024xf32, #tpu.memory_space<vmem>>) target(%dma_start3A_1136 : memref<1024xf32, #tpu.memory_space<vmem_shared>>) target_semaphore(%run_scoped3A : memref<!tpu.dma_semaphore, #tpu.memory_space<semaphore_mem>>)
        %dma_wait3A_1137 = arith.constant 3072 : i32
        %dma_wait3A_1138 = tpu.memref_slice %arg8[%dma_wait3A_1137] : memref<10016xf32, #tpu.memory_space<vmem_shared>> -> memref<1024xf32, #tpu.memory_space<vmem_shared>>
        %dma_wait3A_1139 = arith.constant 3072 : i32
        %dma_wait3A_1140 = tpu.memref_slice %arg8[%dma_wait3A_1139] : memref<10016xf32, #tpu.memory_space<vmem_shared>> -> memref<1024xf32, #tpu.memory_space<vmem_shared>>
        tpu.wait_dma2 semaphore(%run_scoped3A : memref<!tpu.dma_semaphore, #tpu.memory_space<semaphore_mem>>) src(%arg16 : memref<1024xf32, #tpu.memory_space<vmem>>) dst(%dma_wait3A_1140 : memref<1024xf32, #tpu.memory_space<vmem_shared>>)
        tpu.yield
      }) : () -> ()
      "tpu.region"() ({
        %run_scoped3A = tpu.sem_alloc : memref<!tpu.dma_semaphore, #tpu.memory_space<semaphore_mem>>
        %dma_start3A_1133 = arith.constant 4096 : i32
        %dma_start3A_1134 = tpu.memref_slice %arg8[%dma_start3A_1133] : memref<10016xf32, #tpu.memory_space<vmem_shared>> -> memref<1024xf32, #tpu.memory_space<vmem_shared>>
        %dma_start3A_1135 = arith.constant 4096 : i32
        %dma_start3A_1136 = tpu.memref_slice %arg8[%dma_start3A_1135] : memref<10016xf32, #tpu.memory_space<vmem_shared>> -> memref<1024xf32, #tpu.memory_space<vmem_shared>>
        tpu.enqueue_dma source(%arg16 : memref<1024xf32, #tpu.memory_space<vmem>>) target(%dma_start3A_1136 : memref<1024xf32, #tpu.memory_space<vmem_shared>>) target_semaphore(%run_scoped3A : memref<!tpu.dma_semaphore, #tpu.memory_space<semaphore_mem>>)
        %dma_wait3A_1137 = arith.constant 4096 : i32
        %dma_wait3A_1138 = tpu.memref_slice %arg8[%dma_wait3A_1137] : memref<10016xf32, #tpu.memory_space<vmem_shared>> -> memref<1024xf32, #tpu.memory_space<vmem_shared>>
        %dma_wait3A_1139 = arith.constant 4096 : i32
        %dma_wait3A_1140 = tpu.memref_slice %arg8[%dma_wait3A_1139] : memref<10016xf32, #tpu.memory_space<vmem_shared>> -> memref<1024xf32, #tpu.memory_space<vmem_shared>>
        tpu.wait_dma2 semaphore(%run_scoped3A : memref<!tpu.dma_semaphore, #tpu.memory_space<semaphore_mem>>) src(%arg16 : memref<1024xf32, #tpu.memory_space<vmem>>) dst(%dma_wait3A_1140 : memref<1024xf32, #tpu.memory_space<vmem_shared>>)
        tpu.yield
      }) : () -> ()
      "tpu.region"() ({
        %run_scoped3A = tpu.sem_alloc : memref<!tpu.dma_semaphore, #tpu.memory_space<semaphore_mem>>
        %dma_start3A_1133 = arith.constant 5120 : i32
        %dma_start3A_1134 = tpu.memref_slice %arg8[%dma_start3A_1133] : memref<10016xf32, #tpu.memory_space<vmem_shared>> -> memref<1024xf32, #tpu.memory_space<vmem_shared>>
        %dma_start3A_1135 = arith.constant 5120 : i32
        %dma_start3A_1136 = tpu.memref_slice %arg8[%dma_start3A_1135] : memref<10016xf32, #tpu.memory_space<vmem_shared>> -> memref<1024xf32, #tpu.memory_space<vmem_shared>>
        tpu.enqueue_dma source(%arg16 : memref<1024xf32, #tpu.memory_space<vmem>>) target(%dma_start3A_1136 : memref<1024xf32, #tpu.memory_space<vmem_shared>>) target_semaphore(%run_scoped3A : memref<!tpu.dma_semaphore, #tpu.memory_space<semaphore_mem>>)
        %dma_wait3A_1137 = arith.constant 5120 : i32
        %dma_wait3A_1138 = tpu.memref_slice %arg8[%dma_wait3A_1137] : memref<10016xf32, #tpu.memory_space<vmem_shared>> -> memref<1024xf32, #tpu.memory_space<vmem_shared>>
        %dma_wait3A_1139 = arith.constant 5120 : i32
        %dma_wait3A_1140 = tpu.memref_slice %arg8[%dma_wait3A_1139] : memref<10016xf32, #tpu.memory_space<vmem_shared>> -> memref<1024xf32, #tpu.memory_space<vmem_shared>>
        tpu.wait_dma2 semaphore(%run_scoped3A : memref<!tpu.dma_semaphore, #tpu.memory_space<semaphore_mem>>) src(%arg16 : memref<1024xf32, #tpu.memory_space<vmem>>) dst(%dma_wait3A_1140 : memref<1024xf32, #tpu.memory_space<vmem_shared>>)
        tpu.yield
      }) : () -> ()
      "tpu.region"() ({
        %run_scoped3A = tpu.sem_alloc : memref<!tpu.dma_semaphore, #tpu.memory_space<semaphore_mem>>
        %dma_start3A_1133 = arith.constant 6144 : i32
        %dma_start3A_1134 = tpu.memref_slice %arg8[%dma_start3A_1133] : memref<10016xf32, #tpu.memory_space<vmem_shared>> -> memref<1024xf32, #tpu.memory_space<vmem_shared>>
        %dma_start3A_1135 = arith.constant 6144 : i32
        %dma_start3A_1136 = tpu.memref_slice %arg8[%dma_start3A_1135] : memref<10016xf32, #tpu.memory_space<vmem_shared>> -> memref<1024xf32, #tpu.memory_space<vmem_shared>>
        tpu.enqueue_dma source(%arg16 : memref<1024xf32, #tpu.memory_space<vmem>>) target(%dma_start3A_1136 : memref<1024xf32, #tpu.memory_space<vmem_shared>>) target_semaphore(%run_scoped3A : memref<!tpu.dma_semaphore, #tpu.memory_space<semaphore_mem>>)
        %dma_wait3A_1137 = arith.constant 6144 : i32
        %dma_wait3A_1138 = tpu.memref_slice %arg8[%dma_wait3A_1137] : memref<10016xf32, #tpu.memory_space<vmem_shared>> -> memref<1024xf32, #tpu.memory_space<vmem_shared>>
        %dma_wait3A_1139 = arith.constant 6144 : i32
        %dma_wait3A_1140 = tpu.memref_slice %arg8[%dma_wait3A_1139] : memref<10016xf32, #tpu.memory_space<vmem_shared>> -> memref<1024xf32, #tpu.memory_space<vmem_shared>>
        tpu.wait_dma2 semaphore(%run_scoped3A : memref<!tpu.dma_semaphore, #tpu.memory_space<semaphore_mem>>) src(%arg16 : memref<1024xf32, #tpu.memory_space<vmem>>) dst(%dma_wait3A_1140 : memref<1024xf32, #tpu.memory_space<vmem_shared>>)
        tpu.yield
      }) : () -> ()
      "tpu.region"() ({
        %run_scoped3A = tpu.sem_alloc : memref<!tpu.dma_semaphore, #tpu.memory_space<semaphore_mem>>
        %dma_start3A_1133 = arith.constant 7168 : i32
        %dma_start3A_1134 = tpu.memref_slice %arg8[%dma_start3A_1133] : memref<10016xf32, #tpu.memory_space<vmem_shared>> -> memref<1024xf32, #tpu.memory_space<vmem_shared>>
        %dma_start3A_1135 = arith.constant 7168 : i32
        %dma_start3A_1136 = tpu.memref_slice %arg8[%dma_start3A_1135] : memref<10016xf32, #tpu.memory_space<vmem_shared>> -> memref<1024xf32, #tpu.memory_space<vmem_shared>>
        tpu.enqueue_dma source(%arg16 : memref<1024xf32, #tpu.memory_space<vmem>>) target(%dma_start3A_1136 : memref<1024xf32, #tpu.memory_space<vmem_shared>>) target_semaphore(%run_scoped3A : memref<!tpu.dma_semaphore, #tpu.memory_space<semaphore_mem>>)
        %dma_wait3A_1137 = arith.constant 7168 : i32
        %dma_wait3A_1138 = tpu.memref_slice %arg8[%dma_wait3A_1137] : memref<10016xf32, #tpu.memory_space<vmem_shared>> -> memref<1024xf32, #tpu.memory_space<vmem_shared>>
        %dma_wait3A_1139 = arith.constant 7168 : i32
        %dma_wait3A_1140 = tpu.memref_slice %arg8[%dma_wait3A_1139] : memref<10016xf32, #tpu.memory_space<vmem_shared>> -> memref<1024xf32, #tpu.memory_space<vmem_shared>>
        tpu.wait_dma2 semaphore(%run_scoped3A : memref<!tpu.dma_semaphore, #tpu.memory_space<semaphore_mem>>) src(%arg16 : memref<1024xf32, #tpu.memory_space<vmem>>) dst(%dma_wait3A_1140 : memref<1024xf32, #tpu.memory_space<vmem_shared>>)
        tpu.yield
      }) : () -> ()
      "tpu.region"() ({
        %run_scoped3A = tpu.sem_alloc : memref<!tpu.dma_semaphore, #tpu.memory_space<semaphore_mem>>
        %dma_start3A_1133 = arith.constant 8192 : i32
        %dma_start3A_1134 = tpu.memref_slice %arg8[%dma_start3A_1133] : memref<10016xf32, #tpu.memory_space<vmem_shared>> -> memref<1024xf32, #tpu.memory_space<vmem_shared>>
        %dma_start3A_1135 = arith.constant 8192 : i32
        %dma_start3A_1136 = tpu.memref_slice %arg8[%dma_start3A_1135] : memref<10016xf32, #tpu.memory_space<vmem_shared>> -> memref<1024xf32, #tpu.memory_space<vmem_shared>>
        tpu.enqueue_dma source(%arg16 : memref<1024xf32, #tpu.memory_space<vmem>>) target(%dma_start3A_1136 : memref<1024xf32, #tpu.memory_space<vmem_shared>>) target_semaphore(%run_scoped3A : memref<!tpu.dma_semaphore, #tpu.memory_space<semaphore_mem>>)
        %dma_wait3A_1137 = arith.constant 8192 : i32
        %dma_wait3A_1138 = tpu.memref_slice %arg8[%dma_wait3A_1137] : memref<10016xf32, #tpu.memory_space<vmem_shared>> -> memref<1024xf32, #tpu.memory_space<vmem_shared>>
        %dma_wait3A_1139 = arith.constant 8192 : i32
        %dma_wait3A_1140 = tpu.memref_slice %arg8[%dma_wait3A_1139] : memref<10016xf32, #tpu.memory_space<vmem_shared>> -> memref<1024xf32, #tpu.memory_space<vmem_shared>>
        tpu.wait_dma2 semaphore(%run_scoped3A : memref<!tpu.dma_semaphore, #tpu.memory_space<semaphore_mem>>) src(%arg16 : memref<1024xf32, #tpu.memory_space<vmem>>) dst(%dma_wait3A_1140 : memref<1024xf32, #tpu.memory_space<vmem_shared>>)
        tpu.yield
      }) : () -> ()
      "tpu.region"() ({
        %run_scoped3A = tpu.sem_alloc : memref<!tpu.dma_semaphore, #tpu.memory_space<semaphore_mem>>
        %dma_start3A_1133 = arith.constant 0 : i32
        %dma_start3A_1134 = tpu.memref_slice %arg16[%dma_start3A_1133] : memref<1024xf32, #tpu.memory_space<vmem>> -> memref<800xf32, #tpu.memory_space<vmem>>
        %dma_start3A_1135 = arith.constant 9216 : i32
        %dma_start3A_1136 = tpu.memref_slice %arg8[%dma_start3A_1135] : memref<10016xf32, #tpu.memory_space<vmem_shared>> -> memref<800xf32, #tpu.memory_space<vmem_shared>>
        %dma_start3A_1137 = arith.constant 9216 : i32
        %dma_start3A_1138 = tpu.memref_slice %arg8[%dma_start3A_1137] : memref<10016xf32, #tpu.memory_space<vmem_shared>> -> memref<800xf32, #tpu.memory_space<vmem_shared>>
        %dma_start3A_1139 = arith.constant 0 : i32
        %dma_start3A_1140 = tpu.memref_slice %arg16[%dma_start3A_1139] : memref<1024xf32, #tpu.memory_space<vmem>> -> memref<800xf32, #tpu.memory_space<vmem>>
        tpu.enqueue_dma source(%dma_start3A_1140 : memref<800xf32, #tpu.memory_space<vmem>>) target(%dma_start3A_1138 : memref<800xf32, #tpu.memory_space<vmem_shared>>) target_semaphore(%run_scoped3A : memref<!tpu.dma_semaphore, #tpu.memory_space<semaphore_mem>>)
        %dma_wait3A_1141 = arith.constant 0 : i32
        %dma_wait3A_1142 = tpu.memref_slice %arg16[%dma_wait3A_1141] : memref<1024xf32, #tpu.memory_space<vmem>> -> memref<800xf32, #tpu.memory_space<vmem>>
        %dma_wait3A_1143 = arith.constant 9216 : i32
        %dma_wait3A_1144 = tpu.memref_slice %arg8[%dma_wait3A_1143] : memref<10016xf32, #tpu.memory_space<vmem_shared>> -> memref<800xf32, #tpu.memory_space<vmem_shared>>
        %dma_wait3A_1145 = arith.constant 9216 : i32
        %dma_wait3A_1146 = tpu.memref_slice %arg8[%dma_wait3A_1145] : memref<10016xf32, #tpu.memory_space<vmem_shared>> -> memref<800xf32, #tpu.memory_space<vmem_shared>>
        %dma_wait3A_1147 = arith.constant 0 : i32
        %dma_wait3A_1148 = tpu.memref_slice %arg16[%dma_wait3A_1147] : memref<1024xf32, #tpu.memory_space<vmem>> -> memref<800xf32, #tpu.memory_space<vmem>>
        tpu.wait_dma2 semaphore(%run_scoped3A : memref<!tpu.dma_semaphore, #tpu.memory_space<semaphore_mem>>) src(%dma_wait3A_1148 : memref<800xf32, #tpu.memory_space<vmem>>) dst(%dma_wait3A_1146 : memref<800xf32, #tpu.memory_space<vmem_shared>>)
        tpu.yield
      }) : () -> ()
    } else {
    }
    %barrier3A = arith.constant 0 : index
    tpu.barrier barrier_id(%barrier3A)
    %lt3A_853 = arith.constant 4 : i32
    %lt3A_854 = arith.cmpi slt, %add3A, %lt3A_853 : i32
    %jit3A_855 = arith.constant 1 : i32
    %jit3A_856 = arith.constant 0 : i32
    %select_n3A_857 = arith.select %lt3A_854, %jit3A_855, %jit3A_856 : i32
    %add3A_858 = arith.constant 78 : i32
    %add3A_859 = arith.addi %add3A_858, %select_n3A_857 : i32
    %add3A_860 = arith.constant 0 : i32
    %add3A_861 = arith.addi %add3A, %add3A_860 : i32
    %mul3A_862 = arith.constant 128 : i32
    %mul3A_863 = arith.muli %add3A_861, %mul3A_862 : i32
    %multiple_of3A_864 = tpu.assume_multiple %mul3A_863, 128 : i32
    %dma_wait3A = tpu.memref_slice %arg3[%multiple_of3A_864] : memref<320000xi32, #tpu.memory_space<hbm>> -> memref<128xi32, #tpu.memory_space<hbm>>
    %dma_wait3A_865 = tpu.memref_slice %arg3[%multiple_of3A_864] : memref<320000xi32, #tpu.memory_space<hbm>> -> memref<128xi32, #tpu.memory_space<hbm>>
    tpu.wait_dma2 semaphore(%arg20 : memref<!tpu.dma_semaphore, #tpu.memory_space<semaphore_mem>>) src(%dma_wait3A_865 : memref<128xi32, #tpu.memory_space<hbm>>) dst(%arg11 : memref<128xi32, #tpu.memory_space<vmem>>)
    %dma_wait3A_866 = tpu.memref_slice %arg4[%multiple_of3A_864] : memref<320000xi32, #tpu.memory_space<hbm>> -> memref<128xi32, #tpu.memory_space<hbm>>
    %dma_wait3A_867 = tpu.memref_slice %arg4[%multiple_of3A_864] : memref<320000xi32, #tpu.memory_space<hbm>> -> memref<128xi32, #tpu.memory_space<hbm>>
    tpu.wait_dma2 semaphore(%arg20 : memref<!tpu.dma_semaphore, #tpu.memory_space<semaphore_mem>>) src(%dma_wait3A_867 : memref<128xi32, #tpu.memory_space<hbm>>) dst(%arg12 : memref<128xi32, #tpu.memory_space<vmem>>)
    %dma_start3A_868 = arith.constant 0 : i32
    %dma_start3A_869 = arith.constant 0 : i32
    %dma_start3A_870 = tpu.memref_slice %arg2[%dma_start3A_868, %dma_start3A_869] : memref<10000x128xf32, #tpu.memory_space<hbm>> -> memref<10000x128xf32, #tpu.memory_space<hbm>>
    tpu.enqueue_indirect_dma source(%dma_start3A_870 : memref<10000x128xf32, #tpu.memory_space<hbm>>) target(%arg9 : memref<128x128xf32, #tpu.memory_space<vmem>>) offsets(%arg11 : memref<128xi32, #tpu.memory_space<vmem>>) semaphore(%arg18 : memref<!tpu.dma_semaphore, #tpu.memory_space<semaphore_mem>>)
    %get3A = arith.constant 0 : index
    %get3A_871 = tpu.vector_load %arg11[%get3A] {strides = array<i32>} : memref<128xi32, #tpu.memory_space<vmem>>, vector<16xi32>,
    %get3A_872 = vector.shape_cast %get3A_871 : vector<16xi32> to vector<16xi32>
    %get3A_873 = arith.constant 0 : index
    %get3A_874 = tpu.vector_load %arg12[%get3A_873] {strides = array<i32>} : memref<128xi32, #tpu.memory_space<vmem>>, vector<16xi32>,
    %get3A_875 = vector.shape_cast %get3A_874 : vector<16xi32> to vector<16xi32>
    %eq3A_876 = arith.cmpi eq, %get3A_872, %get3A_875 : vector<16xi32>
    %jit3A_877 = arith.constant 10000 : i32
    %broadcast_in_dim3A_878 = vector.broadcast %jit3A_877 : i32 to vector<16xi32>
    %select_n3A_879 = arith.select %eq3A_876, %broadcast_in_dim3A_878, %get3A_875 : vector<16xi1>, vector<16xi32>
    %swap3A_880 = arith.constant 0 : index
    %swap3A_881 = tpu.vector_load %arg12[%swap3A_880] {strides = array<i32>} : memref<128xi32, #tpu.memory_space<vmem>>, vector<16xi32>,
    %swap3A_882 = vector.shape_cast %swap3A_881 : vector<16xi32> to vector<16xi32>
    %swap3A_883 = vector.shape_cast %select_n3A_879 : vector<16xi32> to vector<16xi32>
    tpu.vector_store %arg12[%swap3A_880], %swap3A_883 {strides = array<i32>} : memref<128xi32, #tpu.memory_space<vmem>>, vector<16xi32>,
    %get3A_884 = arith.constant 16 : index
    %get3A_885 = tpu.vector_load %arg11[%get3A_884] {strides = array<i32>} : memref<128xi32, #tpu.memory_space<vmem>>, vector<16xi32>,
    %get3A_886 = vector.shape_cast %get3A_885 : vector<16xi32> to vector<16xi32>
    %get3A_887 = arith.constant 16 : index
    %get3A_888 = tpu.vector_load %arg12[%get3A_887] {strides = array<i32>} : memref<128xi32, #tpu.memory_space<vmem>>, vector<16xi32>,
    %get3A_889 = vector.shape_cast %get3A_888 : vector<16xi32> to vector<16xi32>
    %eq3A_890 = arith.cmpi eq, %get3A_886, %get3A_889 : vector<16xi32>
    %jit3A_891 = arith.constant 10000 : i32
    %broadcast_in_dim3A_892 = vector.broadcast %jit3A_891 : i32 to vector<16xi32>
    %select_n3A_893 = arith.select %eq3A_890, %broadcast_in_dim3A_892, %get3A_889 : vector<16xi1>, vector<16xi32>
    %swap3A_894 = arith.constant 16 : index
    %swap3A_895 = tpu.vector_load %arg12[%swap3A_894] {strides = array<i32>} : memref<128xi32, #tpu.memory_space<vmem>>, vector<16xi32>,
    %swap3A_896 = vector.shape_cast %swap3A_895 : vector<16xi32> to vector<16xi32>
    %swap3A_897 = vector.shape_cast %select_n3A_893 : vector<16xi32> to vector<16xi32>
    tpu.vector_store %arg12[%swap3A_894], %swap3A_897 {strides = array<i32>} : memref<128xi32, #tpu.memory_space<vmem>>, vector<16xi32>,
    %get3A_898 = arith.constant 32 : index
    %get3A_899 = tpu.vector_load %arg11[%get3A_898] {strides = array<i32>} : memref<128xi32, #tpu.memory_space<vmem>>, vector<16xi32>,
    %get3A_900 = vector.shape_cast %get3A_899 : vector<16xi32> to vector<16xi32>
    %get3A_901 = arith.constant 32 : index
    %get3A_902 = tpu.vector_load %arg12[%get3A_901] {strides = array<i32>} : memref<128xi32, #tpu.memory_space<vmem>>, vector<16xi32>,
    %get3A_903 = vector.shape_cast %get3A_902 : vector<16xi32> to vector<16xi32>
    %eq3A_904 = arith.cmpi eq, %get3A_900, %get3A_903 : vector<16xi32>
    %jit3A_905 = arith.constant 10000 : i32
    %broadcast_in_dim3A_906 = vector.broadcast %jit3A_905 : i32 to vector<16xi32>
    %select_n3A_907 = arith.select %eq3A_904, %broadcast_in_dim3A_906, %get3A_903 : vector<16xi1>, vector<16xi32>
    %swap3A_908 = arith.constant 32 : index
    %swap3A_909 = tpu.vector_load %arg12[%swap3A_908] {strides = array<i32>} : memref<128xi32, #tpu.memory_space<vmem>>, vector<16xi32>,
    %swap3A_910 = vector.shape_cast %swap3A_909 : vector<16xi32> to vector<16xi32>
    %swap3A_911 = vector.shape_cast %select_n3A_907 : vector<16xi32> to vector<16xi32>
    tpu.vector_store %arg12[%swap3A_908], %swap3A_911 {strides = array<i32>} : memref<128xi32, #tpu.memory_space<vmem>>, vector<16xi32>,
    %get3A_912 = arith.constant 48 : index
    %get3A_913 = tpu.vector_load %arg11[%get3A_912] {strides = array<i32>} : memref<128xi32, #tpu.memory_space<vmem>>, vector<16xi32>,
    %get3A_914 = vector.shape_cast %get3A_913 : vector<16xi32> to vector<16xi32>
    %get3A_915 = arith.constant 48 : index
    %get3A_916 = tpu.vector_load %arg12[%get3A_915] {strides = array<i32>} : memref<128xi32, #tpu.memory_space<vmem>>, vector<16xi32>,
    %get3A_917 = vector.shape_cast %get3A_916 : vector<16xi32> to vector<16xi32>
    %eq3A_918 = arith.cmpi eq, %get3A_914, %get3A_917 : vector<16xi32>
    %jit3A_919 = arith.constant 10000 : i32
    %broadcast_in_dim3A_920 = vector.broadcast %jit3A_919 : i32 to vector<16xi32>
    %select_n3A_921 = arith.select %eq3A_918, %broadcast_in_dim3A_920, %get3A_917 : vector<16xi1>, vector<16xi32>
    %swap3A_922 = arith.constant 48 : index
    %swap3A_923 = tpu.vector_load %arg12[%swap3A_922] {strides = array<i32>} : memref<128xi32, #tpu.memory_space<vmem>>, vector<16xi32>,
    %swap3A_924 = vector.shape_cast %swap3A_923 : vector<16xi32> to vector<16xi32>
    %swap3A_925 = vector.shape_cast %select_n3A_921 : vector<16xi32> to vector<16xi32>
    tpu.vector_store %arg12[%swap3A_922], %swap3A_925 {strides = array<i32>} : memref<128xi32, #tpu.memory_space<vmem>>, vector<16xi32>,
    %get3A_926 = arith.constant 64 : index
    %get3A_927 = tpu.vector_load %arg11[%get3A_926] {strides = array<i32>} : memref<128xi32, #tpu.memory_space<vmem>>, vector<16xi32>,
    %get3A_928 = vector.shape_cast %get3A_927 : vector<16xi32> to vector<16xi32>
    %get3A_929 = arith.constant 64 : index
    %get3A_930 = tpu.vector_load %arg12[%get3A_929] {strides = array<i32>} : memref<128xi32, #tpu.memory_space<vmem>>, vector<16xi32>,
    %get3A_931 = vector.shape_cast %get3A_930 : vector<16xi32> to vector<16xi32>
    %eq3A_932 = arith.cmpi eq, %get3A_928, %get3A_931 : vector<16xi32>
    %jit3A_933 = arith.constant 10000 : i32
    %broadcast_in_dim3A_934 = vector.broadcast %jit3A_933 : i32 to vector<16xi32>
    %select_n3A_935 = arith.select %eq3A_932, %broadcast_in_dim3A_934, %get3A_931 : vector<16xi1>, vector<16xi32>
    %swap3A_936 = arith.constant 64 : index
    %swap3A_937 = tpu.vector_load %arg12[%swap3A_936] {strides = array<i32>} : memref<128xi32, #tpu.memory_space<vmem>>, vector<16xi32>,
    %swap3A_938 = vector.shape_cast %swap3A_937 : vector<16xi32> to vector<16xi32>
    %swap3A_939 = vector.shape_cast %select_n3A_935 : vector<16xi32> to vector<16xi32>
    tpu.vector_store %arg12[%swap3A_936], %swap3A_939 {strides = array<i32>} : memref<128xi32, #tpu.memory_space<vmem>>, vector<16xi32>,
    %get3A_940 = arith.constant 80 : index
    %get3A_941 = tpu.vector_load %arg11[%get3A_940] {strides = array<i32>} : memref<128xi32, #tpu.memory_space<vmem>>, vector<16xi32>,
    %get3A_942 = vector.shape_cast %get3A_941 : vector<16xi32> to vector<16xi32>
    %get3A_943 = arith.constant 80 : index
    %get3A_944 = tpu.vector_load %arg12[%get3A_943] {strides = array<i32>} : memref<128xi32, #tpu.memory_space<vmem>>, vector<16xi32>,
    %get3A_945 = vector.shape_cast %get3A_944 : vector<16xi32> to vector<16xi32>
    %eq3A_946 = arith.cmpi eq, %get3A_942, %get3A_945 : vector<16xi32>
    %jit3A_947 = arith.constant 10000 : i32
    %broadcast_in_dim3A_948 = vector.broadcast %jit3A_947 : i32 to vector<16xi32>
    %select_n3A_949 = arith.select %eq3A_946, %broadcast_in_dim3A_948, %get3A_945 : vector<16xi1>, vector<16xi32>
    %swap3A_950 = arith.constant 80 : index
    %swap3A_951 = tpu.vector_load %arg12[%swap3A_950] {strides = array<i32>} : memref<128xi32, #tpu.memory_space<vmem>>, vector<16xi32>,
    %swap3A_952 = vector.shape_cast %swap3A_951 : vector<16xi32> to vector<16xi32>
    %swap3A_953 = vector.shape_cast %select_n3A_949 : vector<16xi32> to vector<16xi32>
    tpu.vector_store %arg12[%swap3A_950], %swap3A_953 {strides = array<i32>} : memref<128xi32, #tpu.memory_space<vmem>>, vector<16xi32>,
    %get3A_954 = arith.constant 96 : index
    %get3A_955 = tpu.vector_load %arg11[%get3A_954] {strides = array<i32>} : memref<128xi32, #tpu.memory_space<vmem>>, vector<16xi32>,
    %get3A_956 = vector.shape_cast %get3A_955 : vector<16xi32> to vector<16xi32>
    %get3A_957 = arith.constant 96 : index
    %get3A_958 = tpu.vector_load %arg12[%get3A_957] {strides = array<i32>} : memref<128xi32, #tpu.memory_space<vmem>>, vector<16xi32>,
    %get3A_959 = vector.shape_cast %get3A_958 : vector<16xi32> to vector<16xi32>
    %eq3A_960 = arith.cmpi eq, %get3A_956, %get3A_959 : vector<16xi32>
    %jit3A_961 = arith.constant 10000 : i32
    %broadcast_in_dim3A_962 = vector.broadcast %jit3A_961 : i32 to vector<16xi32>
    %select_n3A_963 = arith.select %eq3A_960, %broadcast_in_dim3A_962, %get3A_959 : vector<16xi1>, vector<16xi32>
    %swap3A_964 = arith.constant 96 : index
    %swap3A_965 = tpu.vector_load %arg12[%swap3A_964] {strides = array<i32>} : memref<128xi32, #tpu.memory_space<vmem>>, vector<16xi32>,
    %swap3A_966 = vector.shape_cast %swap3A_965 : vector<16xi32> to vector<16xi32>
    %swap3A_967 = vector.shape_cast %select_n3A_963 : vector<16xi32> to vector<16xi32>
    tpu.vector_store %arg12[%swap3A_964], %swap3A_967 {strides = array<i32>} : memref<128xi32, #tpu.memory_space<vmem>>, vector<16xi32>,
    %get3A_968 = arith.constant 112 : index
    %get3A_969 = tpu.vector_load %arg11[%get3A_968] {strides = array<i32>} : memref<128xi32, #tpu.memory_space<vmem>>, vector<16xi32>,
    %get3A_970 = vector.shape_cast %get3A_969 : vector<16xi32> to vector<16xi32>
    %get3A_971 = arith.constant 112 : index
    %get3A_972 = tpu.vector_load %arg12[%get3A_971] {strides = array<i32>} : memref<128xi32, #tpu.memory_space<vmem>>, vector<16xi32>,
    %get3A_973 = vector.shape_cast %get3A_972 : vector<16xi32> to vector<16xi32>
    %eq3A_974 = arith.cmpi eq, %get3A_970, %get3A_973 : vector<16xi32>
    %jit3A_975 = arith.constant 10000 : i32
    %broadcast_in_dim3A_976 = vector.broadcast %jit3A_975 : i32 to vector<16xi32>
    %select_n3A_977 = arith.select %eq3A_974, %broadcast_in_dim3A_976, %get3A_973 : vector<16xi1>, vector<16xi32>
    %swap3A_978 = arith.constant 112 : index
    %swap3A_979 = tpu.vector_load %arg12[%swap3A_978] {strides = array<i32>} : memref<128xi32, #tpu.memory_space<vmem>>, vector<16xi32>,
    %swap3A_980 = vector.shape_cast %swap3A_979 : vector<16xi32> to vector<16xi32>
    %swap3A_981 = vector.shape_cast %select_n3A_977 : vector<16xi32> to vector<16xi32>
    tpu.vector_store %arg12[%swap3A_978], %swap3A_981 {strides = array<i32>} : memref<128xi32, #tpu.memory_space<vmem>>, vector<16xi32>,
    %add3A_982 = arith.constant 32 : i32
    %add3A_983 = arith.addi %add3A, %add3A_982 : i32
    %mul3A_984 = arith.constant 128 : i32
    %mul3A_985 = arith.muli %add3A_983, %mul3A_984 : i32
    %multiple_of3A_986 = tpu.assume_multiple %mul3A_985, 128 : i32
    %dma_wait3A_987 = tpu.memref_slice %arg3[%multiple_of3A_986] : memref<320000xi32, #tpu.memory_space<hbm>> -> memref<128xi32, #tpu.memory_space<hbm>>
    %dma_wait3A_988 = tpu.memref_slice %arg3[%multiple_of3A_986] : memref<320000xi32, #tpu.memory_space<hbm>> -> memref<128xi32, #tpu.memory_space<hbm>>
    tpu.wait_dma2 semaphore(%arg21 : memref<!tpu.dma_semaphore, #tpu.memory_space<semaphore_mem>>) src(%dma_wait3A_988 : memref<128xi32, #tpu.memory_space<hbm>>) dst(%arg13 : memref<128xi32, #tpu.memory_space<vmem>>)
    %dma_wait3A_989 = tpu.memref_slice %arg4[%multiple_of3A_986] : memref<320000xi32, #tpu.memory_space<hbm>> -> memref<128xi32, #tpu.memory_space<hbm>>
    %dma_wait3A_990 = tpu.memref_slice %arg4[%multiple_of3A_986] : memref<320000xi32, #tpu.memory_space<hbm>> -> memref<128xi32, #tpu.memory_space<hbm>>
    tpu.wait_dma2 semaphore(%arg21 : memref<!tpu.dma_semaphore, #tpu.memory_space<semaphore_mem>>) src(%dma_wait3A_990 : memref<128xi32, #tpu.memory_space<hbm>>) dst(%arg14 : memref<128xi32, #tpu.memory_space<vmem>>)
    %dma_start3A_991 = arith.constant 0 : i32
    %dma_start3A_992 = arith.constant 0 : i32
    %dma_start3A_993 = tpu.memref_slice %arg2[%dma_start3A_991, %dma_start3A_992] : memref<10000x128xf32, #tpu.memory_space<hbm>> -> memref<10000x128xf32, #tpu.memory_space<hbm>>
    tpu.enqueue_indirect_dma source(%dma_start3A_993 : memref<10000x128xf32, #tpu.memory_space<hbm>>) target(%arg10 : memref<128x128xf32, #tpu.memory_space<vmem>>) offsets(%arg13 : memref<128xi32, #tpu.memory_space<vmem>>) semaphore(%arg19 : memref<!tpu.dma_semaphore, #tpu.memory_space<semaphore_mem>>)
    %get3A_994 = arith.constant 0 : index
    %get3A_995 = tpu.vector_load %arg13[%get3A_994] {strides = array<i32>} : memref<128xi32, #tpu.memory_space<vmem>>, vector<16xi32>,
    %get3A_996 = vector.shape_cast %get3A_995 : vector<16xi32> to vector<16xi32>
    %get3A_997 = arith.constant 0 : index
    %get3A_998 = tpu.vector_load %arg14[%get3A_997] {strides = array<i32>} : memref<128xi32, #tpu.memory_space<vmem>>, vector<16xi32>,
    %get3A_999 = vector.shape_cast %get3A_998 : vector<16xi32> to vector<16xi32>
    %eq3A_1000 = arith.cmpi eq, %get3A_996, %get3A_999 : vector<16xi32>
    %jit3A_1001 = arith.constant 10000 : i32
    %broadcast_in_dim3A_1002 = vector.broadcast %jit3A_1001 : i32 to vector<16xi32>
    %select_n3A_1003 = arith.select %eq3A_1000, %broadcast_in_dim3A_1002, %get3A_999 : vector<16xi1>, vector<16xi32>
    %swap3A_1004 = arith.constant 0 : index
    %swap3A_1005 = tpu.vector_load %arg14[%swap3A_1004] {strides = array<i32>} : memref<128xi32, #tpu.memory_space<vmem>>, vector<16xi32>,
    %swap3A_1006 = vector.shape_cast %swap3A_1005 : vector<16xi32> to vector<16xi32>
    %swap3A_1007 = vector.shape_cast %select_n3A_1003 : vector<16xi32> to vector<16xi32>
    tpu.vector_store %arg14[%swap3A_1004], %swap3A_1007 {strides = array<i32>} : memref<128xi32, #tpu.memory_space<vmem>>, vector<16xi32>,
    %get3A_1008 = arith.constant 16 : index
    %get3A_1009 = tpu.vector_load %arg13[%get3A_1008] {strides = array<i32>} : memref<128xi32, #tpu.memory_space<vmem>>, vector<16xi32>,
    %get3A_1010 = vector.shape_cast %get3A_1009 : vector<16xi32> to vector<16xi32>
    %get3A_1011 = arith.constant 16 : index
    %get3A_1012 = tpu.vector_load %arg14[%get3A_1011] {strides = array<i32>} : memref<128xi32, #tpu.memory_space<vmem>>, vector<16xi32>,
    %get3A_1013 = vector.shape_cast %get3A_1012 : vector<16xi32> to vector<16xi32>
    %eq3A_1014 = arith.cmpi eq, %get3A_1010, %get3A_1013 : vector<16xi32>
    %jit3A_1015 = arith.constant 10000 : i32
    %broadcast_in_dim3A_1016 = vector.broadcast %jit3A_1015 : i32 to vector<16xi32>
    %select_n3A_1017 = arith.select %eq3A_1014, %broadcast_in_dim3A_1016, %get3A_1013 : vector<16xi1>, vector<16xi32>
    %swap3A_1018 = arith.constant 16 : index
    %swap3A_1019 = tpu.vector_load %arg14[%swap3A_1018] {strides = array<i32>} : memref<128xi32, #tpu.memory_space<vmem>>, vector<16xi32>,
    %swap3A_1020 = vector.shape_cast %swap3A_1019 : vector<16xi32> to vector<16xi32>
    %swap3A_1021 = vector.shape_cast %select_n3A_1017 : vector<16xi32> to vector<16xi32>
    tpu.vector_store %arg14[%swap3A_1018], %swap3A_1021 {strides = array<i32>} : memref<128xi32, #tpu.memory_space<vmem>>, vector<16xi32>,
    %get3A_1022 = arith.constant 32 : index
    %get3A_1023 = tpu.vector_load %arg13[%get3A_1022] {strides = array<i32>} : memref<128xi32, #tpu.memory_space<vmem>>, vector<16xi32>,
    %get3A_1024 = vector.shape_cast %get3A_1023 : vector<16xi32> to vector<16xi32>
    %get3A_1025 = arith.constant 32 : index
    %get3A_1026 = tpu.vector_load %arg14[%get3A_1025] {strides = array<i32>} : memref<128xi32, #tpu.memory_space<vmem>>, vector<16xi32>,
    %get3A_1027 = vector.shape_cast %get3A_1026 : vector<16xi32> to vector<16xi32>
    %eq3A_1028 = arith.cmpi eq, %get3A_1024, %get3A_1027 : vector<16xi32>
    %jit3A_1029 = arith.constant 10000 : i32
    %broadcast_in_dim3A_1030 = vector.broadcast %jit3A_1029 : i32 to vector<16xi32>
    %select_n3A_1031 = arith.select %eq3A_1028, %broadcast_in_dim3A_1030, %get3A_1027 : vector<16xi1>, vector<16xi32>
    %swap3A_1032 = arith.constant 32 : index
    %swap3A_1033 = tpu.vector_load %arg14[%swap3A_1032] {strides = array<i32>} : memref<128xi32, #tpu.memory_space<vmem>>, vector<16xi32>,
    %swap3A_1034 = vector.shape_cast %swap3A_1033 : vector<16xi32> to vector<16xi32>
    %swap3A_1035 = vector.shape_cast %select_n3A_1031 : vector<16xi32> to vector<16xi32>
    tpu.vector_store %arg14[%swap3A_1032], %swap3A_1035 {strides = array<i32>} : memref<128xi32, #tpu.memory_space<vmem>>, vector<16xi32>,
    %get3A_1036 = arith.constant 48 : index
    %get3A_1037 = tpu.vector_load %arg13[%get3A_1036] {strides = array<i32>} : memref<128xi32, #tpu.memory_space<vmem>>, vector<16xi32>,
    %get3A_1038 = vector.shape_cast %get3A_1037 : vector<16xi32> to vector<16xi32>
    %get3A_1039 = arith.constant 48 : index
    %get3A_1040 = tpu.vector_load %arg14[%get3A_1039] {strides = array<i32>} : memref<128xi32, #tpu.memory_space<vmem>>, vector<16xi32>,
    %get3A_1041 = vector.shape_cast %get3A_1040 : vector<16xi32> to vector<16xi32>
    %eq3A_1042 = arith.cmpi eq, %get3A_1038, %get3A_1041 : vector<16xi32>
    %jit3A_1043 = arith.constant 10000 : i32
    %broadcast_in_dim3A_1044 = vector.broadcast %jit3A_1043 : i32 to vector<16xi32>
    %select_n3A_1045 = arith.select %eq3A_1042, %broadcast_in_dim3A_1044, %get3A_1041 : vector<16xi1>, vector<16xi32>
    %swap3A_1046 = arith.constant 48 : index
    %swap3A_1047 = tpu.vector_load %arg14[%swap3A_1046] {strides = array<i32>} : memref<128xi32, #tpu.memory_space<vmem>>, vector<16xi32>,
    %swap3A_1048 = vector.shape_cast %swap3A_1047 : vector<16xi32> to vector<16xi32>
    %swap3A_1049 = vector.shape_cast %select_n3A_1045 : vector<16xi32> to vector<16xi32>
    tpu.vector_store %arg14[%swap3A_1046], %swap3A_1049 {strides = array<i32>} : memref<128xi32, #tpu.memory_space<vmem>>, vector<16xi32>,
    %get3A_1050 = arith.constant 64 : index
    %get3A_1051 = tpu.vector_load %arg13[%get3A_1050] {strides = array<i32>} : memref<128xi32, #tpu.memory_space<vmem>>, vector<16xi32>,
    %get3A_1052 = vector.shape_cast %get3A_1051 : vector<16xi32> to vector<16xi32>
    %get3A_1053 = arith.constant 64 : index
    %get3A_1054 = tpu.vector_load %arg14[%get3A_1053] {strides = array<i32>} : memref<128xi32, #tpu.memory_space<vmem>>, vector<16xi32>,
    %get3A_1055 = vector.shape_cast %get3A_1054 : vector<16xi32> to vector<16xi32>
    %eq3A_1056 = arith.cmpi eq, %get3A_1052, %get3A_1055 : vector<16xi32>
    %jit3A_1057 = arith.constant 10000 : i32
    %broadcast_in_dim3A_1058 = vector.broadcast %jit3A_1057 : i32 to vector<16xi32>
    %select_n3A_1059 = arith.select %eq3A_1056, %broadcast_in_dim3A_1058, %get3A_1055 : vector<16xi1>, vector<16xi32>
    %swap3A_1060 = arith.constant 64 : index
    %swap3A_1061 = tpu.vector_load %arg14[%swap3A_1060] {strides = array<i32>} : memref<128xi32, #tpu.memory_space<vmem>>, vector<16xi32>,
    %swap3A_1062 = vector.shape_cast %swap3A_1061 : vector<16xi32> to vector<16xi32>
    %swap3A_1063 = vector.shape_cast %select_n3A_1059 : vector<16xi32> to vector<16xi32>
    tpu.vector_store %arg14[%swap3A_1060], %swap3A_1063 {strides = array<i32>} : memref<128xi32, #tpu.memory_space<vmem>>, vector<16xi32>,
    %get3A_1064 = arith.constant 80 : index
    %get3A_1065 = tpu.vector_load %arg13[%get3A_1064] {strides = array<i32>} : memref<128xi32, #tpu.memory_space<vmem>>, vector<16xi32>,
    %get3A_1066 = vector.shape_cast %get3A_1065 : vector<16xi32> to vector<16xi32>
    %get3A_1067 = arith.constant 80 : index
    %get3A_1068 = tpu.vector_load %arg14[%get3A_1067] {strides = array<i32>} : memref<128xi32, #tpu.memory_space<vmem>>, vector<16xi32>,
    %get3A_1069 = vector.shape_cast %get3A_1068 : vector<16xi32> to vector<16xi32>
    %eq3A_1070 = arith.cmpi eq, %get3A_1066, %get3A_1069 : vector<16xi32>
    %jit3A_1071 = arith.constant 10000 : i32
    %broadcast_in_dim3A_1072 = vector.broadcast %jit3A_1071 : i32 to vector<16xi32>
    %select_n3A_1073 = arith.select %eq3A_1070, %broadcast_in_dim3A_1072, %get3A_1069 : vector<16xi1>, vector<16xi32>
    %swap3A_1074 = arith.constant 80 : index
    %swap3A_1075 = tpu.vector_load %arg14[%swap3A_1074] {strides = array<i32>} : memref<128xi32, #tpu.memory_space<vmem>>, vector<16xi32>,
    %swap3A_1076 = vector.shape_cast %swap3A_1075 : vector<16xi32> to vector<16xi32>
    %swap3A_1077 = vector.shape_cast %select_n3A_1073 : vector<16xi32> to vector<16xi32>
    tpu.vector_store %arg14[%swap3A_1074], %swap3A_1077 {strides = array<i32>} : memref<128xi32, #tpu.memory_space<vmem>>, vector<16xi32>,
    %get3A_1078 = arith.constant 96 : index
    %get3A_1079 = tpu.vector_load %arg13[%get3A_1078] {strides = array<i32>} : memref<128xi32, #tpu.memory_space<vmem>>, vector<16xi32>,
    %get3A_1080 = vector.shape_cast %get3A_1079 : vector<16xi32> to vector<16xi32>
    %get3A_1081 = arith.constant 96 : index
    %get3A_1082 = tpu.vector_load %arg14[%get3A_1081] {strides = array<i32>} : memref<128xi32, #tpu.memory_space<vmem>>, vector<16xi32>,
    %get3A_1083 = vector.shape_cast %get3A_1082 : vector<16xi32> to vector<16xi32>
    %eq3A_1084 = arith.cmpi eq, %get3A_1080, %get3A_1083 : vector<16xi32>
    %jit3A_1085 = arith.constant 10000 : i32
    %broadcast_in_dim3A_1086 = vector.broadcast %jit3A_1085 : i32 to vector<16xi32>
    %select_n3A_1087 = arith.select %eq3A_1084, %broadcast_in_dim3A_1086, %get3A_1083 : vector<16xi1>, vector<16xi32>
    %swap3A_1088 = arith.constant 96 : index
    %swap3A_1089 = tpu.vector_load %arg14[%swap3A_1088] {strides = array<i32>} : memref<128xi32, #tpu.memory_space<vmem>>, vector<16xi32>,
    %swap3A_1090 = vector.shape_cast %swap3A_1089 : vector<16xi32> to vector<16xi32>
    %swap3A_1091 = vector.shape_cast %select_n3A_1087 : vector<16xi32> to vector<16xi32>
    tpu.vector_store %arg14[%swap3A_1088], %swap3A_1091 {strides = array<i32>} : memref<128xi32, #tpu.memory_space<vmem>>, vector<16xi32>,
    %get3A_1092 = arith.constant 112 : index
    %get3A_1093 = tpu.vector_load %arg13[%get3A_1092] {strides = array<i32>} : memref<128xi32, #tpu.memory_space<vmem>>, vector<16xi32>,
    %get3A_1094 = vector.shape_cast %get3A_1093 : vector<16xi32> to vector<16xi32>
    %get3A_1095 = arith.constant 112 : index
    %get3A_1096 = tpu.vector_load %arg14[%get3A_1095] {strides = array<i32>} : memref<128xi32, #tpu.memory_space<vmem>>, vector<16xi32>,
    %get3A_1097 = vector.shape_cast %get3A_1096 : vector<16xi32> to vector<16xi32>
    %eq3A_1098 = arith.cmpi eq, %get3A_1094, %get3A_1097 : vector<16xi32>
    %jit3A_1099 = arith.constant 10000 : i32
    %broadcast_in_dim3A_1100 = vector.broadcast %jit3A_1099 : i32 to vector<16xi32>
    %select_n3A_1101 = arith.select %eq3A_1098, %broadcast_in_dim3A_1100, %get3A_1097 : vector<16xi1>, vector<16xi32>
    %swap3A_1102 = arith.constant 112 : index
    %swap3A_1103 = tpu.vector_load %arg14[%swap3A_1102] {strides = array<i32>} : memref<128xi32, #tpu.memory_space<vmem>>, vector<16xi32>,
    %swap3A_1104 = vector.shape_cast %swap3A_1103 : vector<16xi32> to vector<16xi32>
    %swap3A_1105 = vector.shape_cast %select_n3A_1101 : vector<16xi32> to vector<16xi32>
    tpu.vector_store %arg14[%swap3A_1102], %swap3A_1105 {strides = array<i32>} : memref<128xi32, #tpu.memory_space<vmem>>, vector<16xi32>,
    %scan3A_1106 = arith.constant 0 : i32
    %scan3A_1107 = arith.constant 0 : i32
    %scan3A_1108 = arith.constant 39 : i32
    %scan3A_1109 = arith.addi %scan3A_1107, %scan3A_1108 : i32
    %scan3A_1110 = arith.constant 1 : i32
    scf.for %scan3A_1133 = %scan3A_1107 to %scan3A_1109 step %scan3A_1110  : i32 {
      %mul3A_1134 = arith.constant 2 : i32
      %mul3A_1135 = arith.muli %scan3A_1133, %mul3A_1134 : i32
      %add3A_1136 = arith.constant 1 : i32
      %add3A_1137 = arith.addi %mul3A_1135, %add3A_1136 : i32
      %dma_wait3A_1138 = arith.constant 0 : i32
      %dma_wait3A_1139 = arith.constant 0 : i32
      %dma_wait3A_1140 = tpu.memref_slice %arg2[%dma_wait3A_1138, %dma_wait3A_1139] : memref<10000x128xf32, #tpu.memory_space<hbm>> -> memref<10000x128xf32, #tpu.memory_space<hbm>>
      tpu.wait_indirect_dma semaphore(%arg18 : memref<!tpu.dma_semaphore, #tpu.memory_space<semaphore_mem>>) src(%dma_wait3A_1140 : memref<10000x128xf32, #tpu.memory_space<hbm>>) dst(%arg9 : memref<128x128xf32, #tpu.memory_space<vmem>>)
      "tpu.region"() ({
        %run_scoped3A = tpu.sem_alloc : memref<!tpu.dma_semaphore, #tpu.memory_space<semaphore_mem>>
        %dma_start3A_1168 = arith.constant 0 : i32
        %dma_start3A_1169 = arith.constant 0 : i32
        %dma_start3A_1170 = tpu.memref_slice %arg7[%dma_start3A_1168, %dma_start3A_1169] : memref<10016x128xf32, #tpu.memory_space<vmem_shared>> -> memref<10016x128xf32, #tpu.memory_space<vmem_shared>>
        tpu.enqueue_indirect_dma source(%arg9 : memref<128x128xf32, #tpu.memory_space<vmem>>) target(%dma_start3A_1170 : memref<10016x128xf32, #tpu.memory_space<vmem_shared>>) offsets(%arg12 : memref<128xi32, #tpu.memory_space<vmem>>) semaphore(%run_scoped3A : memref<!tpu.dma_semaphore, #tpu.memory_space<semaphore_mem>>) {add = true}
        %dma_wait3A_1171 = arith.constant 0 : i32
        %dma_wait3A_1172 = arith.constant 0 : i32
        %dma_wait3A_1173 = tpu.memref_slice %arg7[%dma_wait3A_1171, %dma_wait3A_1172] : memref<10016x128xf32, #tpu.memory_space<vmem_shared>> -> memref<10016x128xf32, #tpu.memory_space<vmem_shared>>
        tpu.wait_indirect_dma semaphore(%run_scoped3A : memref<!tpu.dma_semaphore, #tpu.memory_space<semaphore_mem>>) src(%arg9 : memref<128x128xf32, #tpu.memory_space<vmem>>) dst(%dma_wait3A_1173 : memref<10016x128xf32, #tpu.memory_space<vmem_shared>>)
        tpu.yield
      }) : () -> ()
      "tpu.region"() ({
        %run_scoped3A = tpu.sem_alloc : memref<!tpu.dma_semaphore, #tpu.memory_space<semaphore_mem>>
        %dma_start3A_1168 = arith.constant 0 : i32
        %dma_start3A_1169 = tpu.memref_slice %arg8[%dma_start3A_1168] : memref<10016xf32, #tpu.memory_space<vmem_shared>> -> memref<10016xf32, #tpu.memory_space<vmem_shared>>
        tpu.enqueue_indirect_dma source(%arg17 : memref<128xf32, #tpu.memory_space<vmem>>) target(%dma_start3A_1169 : memref<10016xf32, #tpu.memory_space<vmem_shared>>) offsets(%arg12 : memref<128xi32, #tpu.memory_space<vmem>>) semaphore(%run_scoped3A : memref<!tpu.dma_semaphore, #tpu.memory_space<semaphore_mem>>) {add = true}
        %dma_wait3A_1170 = arith.constant 0 : i32
        %dma_wait3A_1171 = tpu.memref_slice %arg8[%dma_wait3A_1170] : memref<10016xf32, #tpu.memory_space<vmem_shared>> -> memref<10016xf32, #tpu.memory_space<vmem_shared>>
        tpu.wait_indirect_dma semaphore(%run_scoped3A : memref<!tpu.dma_semaphore, #tpu.memory_space<semaphore_mem>>) src(%arg17 : memref<128xf32, #tpu.memory_space<vmem>>) dst(%dma_wait3A_1171 : memref<10016xf32, #tpu.memory_space<vmem_shared>>)
        tpu.yield
      }) : () -> ()
      %add3A_1141 = arith.constant 2 : i32
      %add3A_1142 = arith.addi %mul3A_1135, %add3A_1141 : i32
      %lt3A_1143 = arith.cmpi slt, %add3A_1142, %add3A_859 : i32
      %convert_element_type3A_1144 = arith.extui %lt3A_1143 : i1 to i32
      %cond3A_1145 = arith.constant 0 : i32
      %cond3A_1146 = arith.cmpi ne, %convert_element_type3A_1144, %cond3A_1145 : i32
      scf.if %cond3A_1146 {
        %add3A_1168 = arith.constant 2 : i32
        %add3A_1169 = arith.addi %mul3A_1135, %add3A_1168 : i32
        %mul3A_1170 = arith.constant 32 : i32
        %mul3A_1171 = arith.muli %add3A_1169, %mul3A_1170 : i32
        %add3A_1172 = arith.addi %add3A, %mul3A_1171 : i32
        %mul3A_1173 = arith.constant 128 : i32
        %mul3A_1174 = arith.muli %add3A_1172, %mul3A_1173 : i32
        %multiple_of3A_1175 = tpu.assume_multiple %mul3A_1174, 128 : i32
        %dma_start3A_1176 = tpu.memref_slice %arg3[%multiple_of3A_1175] : memref<320000xi32, #tpu.memory_space<hbm>> -> memref<128xi32, #tpu.memory_space<hbm>>
        %dma_start3A_1177 = tpu.memref_slice %arg3[%multiple_of3A_1175] : memref<320000xi32, #tpu.memory_space<hbm>> -> memref<128xi32, #tpu.memory_space<hbm>>
        tpu.enqueue_dma source(%dma_start3A_1177 : memref<128xi32, #tpu.memory_space<hbm>>) target(%arg11 : memref<128xi32, #tpu.memory_space<vmem>>) target_semaphore(%arg20 : memref<!tpu.dma_semaphore, #tpu.memory_space<semaphore_mem>>)
        %dma_start3A_1178 = tpu.memref_slice %arg4[%multiple_of3A_1175] : memref<320000xi32, #tpu.memory_space<hbm>> -> memref<128xi32, #tpu.memory_space<hbm>>
        %dma_start3A_1179 = tpu.memref_slice %arg4[%multiple_of3A_1175] : memref<320000xi32, #tpu.memory_space<hbm>> -> memref<128xi32, #tpu.memory_space<hbm>>
        tpu.enqueue_dma source(%dma_start3A_1179 : memref<128xi32, #tpu.memory_space<hbm>>) target(%arg12 : memref<128xi32, #tpu.memory_space<vmem>>) target_semaphore(%arg20 : memref<!tpu.dma_semaphore, #tpu.memory_space<semaphore_mem>>)
      } else {
      }
      %dma_wait3A_1147 = arith.constant 0 : i32
      %dma_wait3A_1148 = arith.constant 0 : i32
      %dma_wait3A_1149 = tpu.memref_slice %arg2[%dma_wait3A_1147, %dma_wait3A_1148] : memref<10000x128xf32, #tpu.memory_space<hbm>> -> memref<10000x128xf32, #tpu.memory_space<hbm>>
      tpu.wait_indirect_dma semaphore(%arg19 : memref<!tpu.dma_semaphore, #tpu.memory_space<semaphore_mem>>) src(%dma_wait3A_1149 : memref<10000x128xf32, #tpu.memory_space<hbm>>) dst(%arg10 : memref<128x128xf32, #tpu.memory_space<vmem>>)
      "tpu.region"() ({
        %run_scoped3A = tpu.sem_alloc : memref<!tpu.dma_semaphore, #tpu.memory_space<semaphore_mem>>
        %dma_start3A_1168 = arith.constant 0 : i32
        %dma_start3A_1169 = arith.constant 0 : i32
        %dma_start3A_1170 = tpu.memref_slice %arg7[%dma_start3A_1168, %dma_start3A_1169] : memref<10016x128xf32, #tpu.memory_space<vmem_shared>> -> memref<10016x128xf32, #tpu.memory_space<vmem_shared>>
        tpu.enqueue_indirect_dma source(%arg10 : memref<128x128xf32, #tpu.memory_space<vmem>>) target(%dma_start3A_1170 : memref<10016x128xf32, #tpu.memory_space<vmem_shared>>) offsets(%arg14 : memref<128xi32, #tpu.memory_space<vmem>>) semaphore(%run_scoped3A : memref<!tpu.dma_semaphore, #tpu.memory_space<semaphore_mem>>) {add = true}
        %dma_wait3A_1171 = arith.constant 0 : i32
        %dma_wait3A_1172 = arith.constant 0 : i32
        %dma_wait3A_1173 = tpu.memref_slice %arg7[%dma_wait3A_1171, %dma_wait3A_1172] : memref<10016x128xf32, #tpu.memory_space<vmem_shared>> -> memref<10016x128xf32, #tpu.memory_space<vmem_shared>>
        tpu.wait_indirect_dma semaphore(%run_scoped3A : memref<!tpu.dma_semaphore, #tpu.memory_space<semaphore_mem>>) src(%arg10 : memref<128x128xf32, #tpu.memory_space<vmem>>) dst(%dma_wait3A_1173 : memref<10016x128xf32, #tpu.memory_space<vmem_shared>>)
        tpu.yield
      }) : () -> ()
      "tpu.region"() ({
        %run_scoped3A = tpu.sem_alloc : memref<!tpu.dma_semaphore, #tpu.memory_space<semaphore_mem>>
        %dma_start3A_1168 = arith.constant 0 : i32
        %dma_start3A_1169 = tpu.memref_slice %arg8[%dma_start3A_1168] : memref<10016xf32, #tpu.memory_space<vmem_shared>> -> memref<10016xf32, #tpu.memory_space<vmem_shared>>
        tpu.enqueue_indirect_dma source(%arg17 : memref<128xf32, #tpu.memory_space<vmem>>) target(%dma_start3A_1169 : memref<10016xf32, #tpu.memory_space<vmem_shared>>) offsets(%arg14 : memref<128xi32, #tpu.memory_space<vmem>>) semaphore(%run_scoped3A : memref<!tpu.dma_semaphore, #tpu.memory_space<semaphore_mem>>) {add = true}
        %dma_wait3A_1170 = arith.constant 0 : i32
        %dma_wait3A_1171 = tpu.memref_slice %arg8[%dma_wait3A_1170] : memref<10016xf32, #tpu.memory_space<vmem_shared>> -> memref<10016xf32, #tpu.memory_space<vmem_shared>>
        tpu.wait_indirect_dma semaphore(%run_scoped3A : memref<!tpu.dma_semaphore, #tpu.memory_space<semaphore_mem>>) src(%arg17 : memref<128xf32, #tpu.memory_space<vmem>>) dst(%dma_wait3A_1171 : memref<10016xf32, #tpu.memory_space<vmem_shared>>)
        tpu.yield
      }) : () -> ()
      %add3A_1150 = arith.constant 2 : i32
      %add3A_1151 = arith.addi %add3A_1137, %add3A_1150 : i32
      %lt3A_1152 = arith.cmpi slt, %add3A_1151, %add3A_859 : i32
      %convert_element_type3A_1153 = arith.extui %lt3A_1152 : i1 to i32
      %cond3A_1154 = arith.constant 0 : i32
      %cond3A_1155 = arith.cmpi ne, %convert_element_type3A_1153, %cond3A_1154 : i32
      scf.if %cond3A_1155 {
        %add3A_1168 = arith.constant 2 : i32
        %add3A_1169 = arith.addi %add3A_1137, %add3A_1168 : i32
        %mul3A_1170 = arith.constant 32 : i32
        %mul3A_1171 = arith.muli %add3A_1169, %mul3A_1170 : i32
        %add3A_1172 = arith.addi %add3A, %mul3A_1171 : i32
        %mul3A_1173 = arith.constant 128 : i32
        %mul3A_1174 = arith.muli %add3A_1172, %mul3A_1173 : i32
        %multiple_of3A_1175 = tpu.assume_multiple %mul3A_1174, 128 : i32
        %dma_start3A_1176 = tpu.memref_slice %arg3[%multiple_of3A_1175] : memref<320000xi32, #tpu.memory_space<hbm>> -> memref<128xi32, #tpu.memory_space<hbm>>
        %dma_start3A_1177 = tpu.memref_slice %arg3[%multiple_of3A_1175] : memref<320000xi32, #tpu.memory_space<hbm>> -> memref<128xi32, #tpu.memory_space<hbm>>
        tpu.enqueue_dma source(%dma_start3A_1177 : memref<128xi32, #tpu.memory_space<hbm>>) target(%arg13 : memref<128xi32, #tpu.memory_space<vmem>>) target_semaphore(%arg21 : memref<!tpu.dma_semaphore, #tpu.memory_space<semaphore_mem>>)
        %dma_start3A_1178 = tpu.memref_slice %arg4[%multiple_of3A_1175] : memref<320000xi32, #tpu.memory_space<hbm>> -> memref<128xi32, #tpu.memory_space<hbm>>
        %dma_start3A_1179 = tpu.memref_slice %arg4[%multiple_of3A_1175] : memref<320000xi32, #tpu.memory_space<hbm>> -> memref<128xi32, #tpu.memory_space<hbm>>
        tpu.enqueue_dma source(%dma_start3A_1179 : memref<128xi32, #tpu.memory_space<hbm>>) target(%arg14 : memref<128xi32, #tpu.memory_space<vmem>>) target_semaphore(%arg21 : memref<!tpu.dma_semaphore, #tpu.memory_space<semaphore_mem>>)
      } else {
      }
      %add3A_1156 = arith.constant 2 : i32
      %add3A_1157 = arith.addi %mul3A_1135, %add3A_1156 : i32
      %lt3A_1158 = arith.cmpi slt, %add3A_1157, %add3A_859 : i32
      %convert_element_type3A_1159 = arith.extui %lt3A_1158 : i1 to i32
      %cond3A_1160 = arith.constant 0 : i32
      %cond3A_1161 = arith.cmpi ne, %convert_element_type3A_1159, %cond3A_1160 : i32
      scf.if %cond3A_1161 {
        %add3A_1168 = arith.constant 2 : i32
        %add3A_1169 = arith.addi %mul3A_1135, %add3A_1168 : i32
        %mul3A_1170 = arith.constant 32 : i32
        %mul3A_1171 = arith.muli %add3A_1169, %mul3A_1170 : i32
        %add3A_1172 = arith.addi %add3A, %mul3A_1171 : i32
        %mul3A_1173 = arith.constant 128 : i32
        %mul3A_1174 = arith.muli %add3A_1172, %mul3A_1173 : i32
        %multiple_of3A_1175 = tpu.assume_multiple %mul3A_1174, 128 : i32
        %dma_wait3A_1176 = tpu.memref_slice %arg3[%multiple_of3A_1175] : memref<320000xi32, #tpu.memory_space<hbm>> -> memref<128xi32, #tpu.memory_space<hbm>>
        %dma_wait3A_1177 = tpu.memref_slice %arg3[%multiple_of3A_1175] : memref<320000xi32, #tpu.memory_space<hbm>> -> memref<128xi32, #tpu.memory_space<hbm>>
        tpu.wait_dma2 semaphore(%arg20 : memref<!tpu.dma_semaphore, #tpu.memory_space<semaphore_mem>>) src(%dma_wait3A_1177 : memref<128xi32, #tpu.memory_space<hbm>>) dst(%arg11 : memref<128xi32, #tpu.memory_space<vmem>>)
        %dma_wait3A_1178 = tpu.memref_slice %arg4[%multiple_of3A_1175] : memref<320000xi32, #tpu.memory_space<hbm>> -> memref<128xi32, #tpu.memory_space<hbm>>
        %dma_wait3A_1179 = tpu.memref_slice %arg4[%multiple_of3A_1175] : memref<320000xi32, #tpu.memory_space<hbm>> -> memref<128xi32, #tpu.memory_space<hbm>>
        tpu.wait_dma2 semaphore(%arg20 : memref<!tpu.dma_semaphore, #tpu.memory_space<semaphore_mem>>) src(%dma_wait3A_1179 : memref<128xi32, #tpu.memory_space<hbm>>) dst(%arg12 : memref<128xi32, #tpu.memory_space<vmem>>)
        %dma_start3A_1180 = arith.constant 0 : i32
        %dma_start3A_1181 = arith.constant 0 : i32
        %dma_start3A_1182 = tpu.memref_slice %arg2[%dma_start3A_1180, %dma_start3A_1181] : memref<10000x128xf32, #tpu.memory_space<hbm>> -> memref<10000x128xf32, #tpu.memory_space<hbm>>
        tpu.enqueue_indirect_dma source(%dma_start3A_1182 : memref<10000x128xf32, #tpu.memory_space<hbm>>) target(%arg9 : memref<128x128xf32, #tpu.memory_space<vmem>>) offsets(%arg11 : memref<128xi32, #tpu.memory_space<vmem>>) semaphore(%arg18 : memref<!tpu.dma_semaphore, #tpu.memory_space<semaphore_mem>>)
        %get3A_1183 = arith.constant 0 : index
        %get3A_1184 = tpu.vector_load %arg11[%get3A_1183] {strides = array<i32>} : memref<128xi32, #tpu.memory_space<vmem>>, vector<16xi32>,
        %get3A_1185 = vector.shape_cast %get3A_1184 : vector<16xi32> to vector<16xi32>
        %get3A_1186 = arith.constant 0 : index
        %get3A_1187 = tpu.vector_load %arg12[%get3A_1186] {strides = array<i32>} : memref<128xi32, #tpu.memory_space<vmem>>, vector<16xi32>,
        %get3A_1188 = vector.shape_cast %get3A_1187 : vector<16xi32> to vector<16xi32>
        %eq3A_1189 = arith.cmpi eq, %get3A_1185, %get3A_1188 : vector<16xi32>
        %jit3A_1190 = arith.constant 10000 : i32
        %broadcast_in_dim3A_1191 = vector.broadcast %jit3A_1190 : i32 to vector<16xi32>
        %select_n3A_1192 = arith.select %eq3A_1189, %broadcast_in_dim3A_1191, %get3A_1188 : vector<16xi1>, vector<16xi32>
        %swap3A_1193 = arith.constant 0 : index
        %swap3A_1194 = tpu.vector_load %arg12[%swap3A_1193] {strides = array<i32>} : memref<128xi32, #tpu.memory_space<vmem>>, vector<16xi32>,
        %swap3A_1195 = vector.shape_cast %swap3A_1194 : vector<16xi32> to vector<16xi32>
        %swap3A_1196 = vector.shape_cast %select_n3A_1192 : vector<16xi32> to vector<16xi32>
        tpu.vector_store %arg12[%swap3A_1193], %swap3A_1196 {strides = array<i32>} : memref<128xi32, #tpu.memory_space<vmem>>, vector<16xi32>,
        %get3A_1197 = arith.constant 16 : index
        %get3A_1198 = tpu.vector_load %arg11[%get3A_1197] {strides = array<i32>} : memref<128xi32, #tpu.memory_space<vmem>>, vector<16xi32>,
        %get3A_1199 = vector.shape_cast %get3A_1198 : vector<16xi32> to vector<16xi32>
        %get3A_1200 = arith.constant 16 : index
        %get3A_1201 = tpu.vector_load %arg12[%get3A_1200] {strides = array<i32>} : memref<128xi32, #tpu.memory_space<vmem>>, vector<16xi32>,
        %get3A_1202 = vector.shape_cast %get3A_1201 : vector<16xi32> to vector<16xi32>
        %eq3A_1203 = arith.cmpi eq, %get3A_1199, %get3A_1202 : vector<16xi32>
        %jit3A_1204 = arith.constant 10000 : i32
        %broadcast_in_dim3A_1205 = vector.broadcast %jit3A_1204 : i32 to vector<16xi32>
        %select_n3A_1206 = arith.select %eq3A_1203, %broadcast_in_dim3A_1205, %get3A_1202 : vector<16xi1>, vector<16xi32>
        %swap3A_1207 = arith.constant 16 : index
        %swap3A_1208 = tpu.vector_load %arg12[%swap3A_1207] {strides = array<i32>} : memref<128xi32, #tpu.memory_space<vmem>>, vector<16xi32>,
        %swap3A_1209 = vector.shape_cast %swap3A_1208 : vector<16xi32> to vector<16xi32>
        %swap3A_1210 = vector.shape_cast %select_n3A_1206 : vector<16xi32> to vector<16xi32>
        tpu.vector_store %arg12[%swap3A_1207], %swap3A_1210 {strides = array<i32>} : memref<128xi32, #tpu.memory_space<vmem>>, vector<16xi32>,
        %get3A_1211 = arith.constant 32 : index
        %get3A_1212 = tpu.vector_load %arg11[%get3A_1211] {strides = array<i32>} : memref<128xi32, #tpu.memory_space<vmem>>, vector<16xi32>,
        %get3A_1213 = vector.shape_cast %get3A_1212 : vector<16xi32> to vector<16xi32>
        %get3A_1214 = arith.constant 32 : index
        %get3A_1215 = tpu.vector_load %arg12[%get3A_1214] {strides = array<i32>} : memref<128xi32, #tpu.memory_space<vmem>>, vector<16xi32>,
        %get3A_1216 = vector.shape_cast %get3A_1215 : vector<16xi32> to vector<16xi32>
        %eq3A_1217 = arith.cmpi eq, %get3A_1213, %get3A_1216 : vector<16xi32>
        %jit3A_1218 = arith.constant 10000 : i32
        %broadcast_in_dim3A_1219 = vector.broadcast %jit3A_1218 : i32 to vector<16xi32>
        %select_n3A_1220 = arith.select %eq3A_1217, %broadcast_in_dim3A_1219, %get3A_1216 : vector<16xi1>, vector<16xi32>
        %swap3A_1221 = arith.constant 32 : index
        %swap3A_1222 = tpu.vector_load %arg12[%swap3A_1221] {strides = array<i32>} : memref<128xi32, #tpu.memory_space<vmem>>, vector<16xi32>,
        %swap3A_1223 = vector.shape_cast %swap3A_1222 : vector<16xi32> to vector<16xi32>
        %swap3A_1224 = vector.shape_cast %select_n3A_1220 : vector<16xi32> to vector<16xi32>
        tpu.vector_store %arg12[%swap3A_1221], %swap3A_1224 {strides = array<i32>} : memref<128xi32, #tpu.memory_space<vmem>>, vector<16xi32>,
        %get3A_1225 = arith.constant 48 : index
        %get3A_1226 = tpu.vector_load %arg11[%get3A_1225] {strides = array<i32>} : memref<128xi32, #tpu.memory_space<vmem>>, vector<16xi32>,
        %get3A_1227 = vector.shape_cast %get3A_1226 : vector<16xi32> to vector<16xi32>
        %get3A_1228 = arith.constant 48 : index
        %get3A_1229 = tpu.vector_load %arg12[%get3A_1228] {strides = array<i32>} : memref<128xi32, #tpu.memory_space<vmem>>, vector<16xi32>,
        %get3A_1230 = vector.shape_cast %get3A_1229 : vector<16xi32> to vector<16xi32>
        %eq3A_1231 = arith.cmpi eq, %get3A_1227, %get3A_1230 : vector<16xi32>
        %jit3A_1232 = arith.constant 10000 : i32
        %broadcast_in_dim3A_1233 = vector.broadcast %jit3A_1232 : i32 to vector<16xi32>
        %select_n3A_1234 = arith.select %eq3A_1231, %broadcast_in_dim3A_1233, %get3A_1230 : vector<16xi1>, vector<16xi32>
        %swap3A_1235 = arith.constant 48 : index
        %swap3A_1236 = tpu.vector_load %arg12[%swap3A_1235] {strides = array<i32>} : memref<128xi32, #tpu.memory_space<vmem>>, vector<16xi32>,
        %swap3A_1237 = vector.shape_cast %swap3A_1236 : vector<16xi32> to vector<16xi32>
        %swap3A_1238 = vector.shape_cast %select_n3A_1234 : vector<16xi32> to vector<16xi32>
        tpu.vector_store %arg12[%swap3A_1235], %swap3A_1238 {strides = array<i32>} : memref<128xi32, #tpu.memory_space<vmem>>, vector<16xi32>,
        %get3A_1239 = arith.constant 64 : index
        %get3A_1240 = tpu.vector_load %arg11[%get3A_1239] {strides = array<i32>} : memref<128xi32, #tpu.memory_space<vmem>>, vector<16xi32>,
        %get3A_1241 = vector.shape_cast %get3A_1240 : vector<16xi32> to vector<16xi32>
        %get3A_1242 = arith.constant 64 : index
        %get3A_1243 = tpu.vector_load %arg12[%get3A_1242] {strides = array<i32>} : memref<128xi32, #tpu.memory_space<vmem>>, vector<16xi32>,
        %get3A_1244 = vector.shape_cast %get3A_1243 : vector<16xi32> to vector<16xi32>
        %eq3A_1245 = arith.cmpi eq, %get3A_1241, %get3A_1244 : vector<16xi32>
        %jit3A_1246 = arith.constant 10000 : i32
        %broadcast_in_dim3A_1247 = vector.broadcast %jit3A_1246 : i32 to vector<16xi32>
        %select_n3A_1248 = arith.select %eq3A_1245, %broadcast_in_dim3A_1247, %get3A_1244 : vector<16xi1>, vector<16xi32>
        %swap3A_1249 = arith.constant 64 : index
        %swap3A_1250 = tpu.vector_load %arg12[%swap3A_1249] {strides = array<i32>} : memref<128xi32, #tpu.memory_space<vmem>>, vector<16xi32>,
        %swap3A_1251 = vector.shape_cast %swap3A_1250 : vector<16xi32> to vector<16xi32>
        %swap3A_1252 = vector.shape_cast %select_n3A_1248 : vector<16xi32> to vector<16xi32>
        tpu.vector_store %arg12[%swap3A_1249], %swap3A_1252 {strides = array<i32>} : memref<128xi32, #tpu.memory_space<vmem>>, vector<16xi32>,
        %get3A_1253 = arith.constant 80 : index
        %get3A_1254 = tpu.vector_load %arg11[%get3A_1253] {strides = array<i32>} : memref<128xi32, #tpu.memory_space<vmem>>, vector<16xi32>,
        %get3A_1255 = vector.shape_cast %get3A_1254 : vector<16xi32> to vector<16xi32>
        %get3A_1256 = arith.constant 80 : index
        %get3A_1257 = tpu.vector_load %arg12[%get3A_1256] {strides = array<i32>} : memref<128xi32, #tpu.memory_space<vmem>>, vector<16xi32>,
        %get3A_1258 = vector.shape_cast %get3A_1257 : vector<16xi32> to vector<16xi32>
        %eq3A_1259 = arith.cmpi eq, %get3A_1255, %get3A_1258 : vector<16xi32>
        %jit3A_1260 = arith.constant 10000 : i32
        %broadcast_in_dim3A_1261 = vector.broadcast %jit3A_1260 : i32 to vector<16xi32>
        %select_n3A_1262 = arith.select %eq3A_1259, %broadcast_in_dim3A_1261, %get3A_1258 : vector<16xi1>, vector<16xi32>
        %swap3A_1263 = arith.constant 80 : index
        %swap3A_1264 = tpu.vector_load %arg12[%swap3A_1263] {strides = array<i32>} : memref<128xi32, #tpu.memory_space<vmem>>, vector<16xi32>,
        %swap3A_1265 = vector.shape_cast %swap3A_1264 : vector<16xi32> to vector<16xi32>
        %swap3A_1266 = vector.shape_cast %select_n3A_1262 : vector<16xi32> to vector<16xi32>
        tpu.vector_store %arg12[%swap3A_1263], %swap3A_1266 {strides = array<i32>} : memref<128xi32, #tpu.memory_space<vmem>>, vector<16xi32>,
        %get3A_1267 = arith.constant 96 : index
        %get3A_1268 = tpu.vector_load %arg11[%get3A_1267] {strides = array<i32>} : memref<128xi32, #tpu.memory_space<vmem>>, vector<16xi32>,
        %get3A_1269 = vector.shape_cast %get3A_1268 : vector<16xi32> to vector<16xi32>
        %get3A_1270 = arith.constant 96 : index
        %get3A_1271 = tpu.vector_load %arg12[%get3A_1270] {strides = array<i32>} : memref<128xi32, #tpu.memory_space<vmem>>, vector<16xi32>,
        %get3A_1272 = vector.shape_cast %get3A_1271 : vector<16xi32> to vector<16xi32>
        %eq3A_1273 = arith.cmpi eq, %get3A_1269, %get3A_1272 : vector<16xi32>
        %jit3A_1274 = arith.constant 10000 : i32
        %broadcast_in_dim3A_1275 = vector.broadcast %jit3A_1274 : i32 to vector<16xi32>
        %select_n3A_1276 = arith.select %eq3A_1273, %broadcast_in_dim3A_1275, %get3A_1272 : vector<16xi1>, vector<16xi32>
        %swap3A_1277 = arith.constant 96 : index
        %swap3A_1278 = tpu.vector_load %arg12[%swap3A_1277] {strides = array<i32>} : memref<128xi32, #tpu.memory_space<vmem>>, vector<16xi32>,
        %swap3A_1279 = vector.shape_cast %swap3A_1278 : vector<16xi32> to vector<16xi32>
        %swap3A_1280 = vector.shape_cast %select_n3A_1276 : vector<16xi32> to vector<16xi32>
        tpu.vector_store %arg12[%swap3A_1277], %swap3A_1280 {strides = array<i32>} : memref<128xi32, #tpu.memory_space<vmem>>, vector<16xi32>,
        %get3A_1281 = arith.constant 112 : index
        %get3A_1282 = tpu.vector_load %arg11[%get3A_1281] {strides = array<i32>} : memref<128xi32, #tpu.memory_space<vmem>>, vector<16xi32>,
        %get3A_1283 = vector.shape_cast %get3A_1282 : vector<16xi32> to vector<16xi32>
        %get3A_1284 = arith.constant 112 : index
        %get3A_1285 = tpu.vector_load %arg12[%get3A_1284] {strides = array<i32>} : memref<128xi32, #tpu.memory_space<vmem>>, vector<16xi32>,
        %get3A_1286 = vector.shape_cast %get3A_1285 : vector<16xi32> to vector<16xi32>
        %eq3A_1287 = arith.cmpi eq, %get3A_1283, %get3A_1286 : vector<16xi32>
        %jit3A_1288 = arith.constant 10000 : i32
        %broadcast_in_dim3A_1289 = vector.broadcast %jit3A_1288 : i32 to vector<16xi32>
        %select_n3A_1290 = arith.select %eq3A_1287, %broadcast_in_dim3A_1289, %get3A_1286 : vector<16xi1>, vector<16xi32>
        %swap3A_1291 = arith.constant 112 : index
        %swap3A_1292 = tpu.vector_load %arg12[%swap3A_1291] {strides = array<i32>} : memref<128xi32, #tpu.memory_space<vmem>>, vector<16xi32>,
        %swap3A_1293 = vector.shape_cast %swap3A_1292 : vector<16xi32> to vector<16xi32>
        %swap3A_1294 = vector.shape_cast %select_n3A_1290 : vector<16xi32> to vector<16xi32>
        tpu.vector_store %arg12[%swap3A_1291], %swap3A_1294 {strides = array<i32>} : memref<128xi32, #tpu.memory_space<vmem>>, vector<16xi32>,
      } else {
      }
      %add3A_1162 = arith.constant 2 : i32
      %add3A_1163 = arith.addi %add3A_1137, %add3A_1162 : i32
      %lt3A_1164 = arith.cmpi slt, %add3A_1163, %add3A_859 : i32
      %convert_element_type3A_1165 = arith.extui %lt3A_1164 : i1 to i32
      %cond3A_1166 = arith.constant 0 : i32
      %cond3A_1167 = arith.cmpi ne, %convert_element_type3A_1165, %cond3A_1166 : i32
      scf.if %cond3A_1167 {
        %add3A_1168 = arith.constant 2 : i32
        %add3A_1169 = arith.addi %add3A_1137, %add3A_1168 : i32
        %mul3A_1170 = arith.constant 32 : i32
        %mul3A_1171 = arith.muli %add3A_1169, %mul3A_1170 : i32
        %add3A_1172 = arith.addi %add3A, %mul3A_1171 : i32
        %mul3A_1173 = arith.constant 128 : i32
        %mul3A_1174 = arith.muli %add3A_1172, %mul3A_1173 : i32
        %multiple_of3A_1175 = tpu.assume_multiple %mul3A_1174, 128 : i32
        %dma_wait3A_1176 = tpu.memref_slice %arg3[%multiple_of3A_1175] : memref<320000xi32, #tpu.memory_space<hbm>> -> memref<128xi32, #tpu.memory_space<hbm>>
        %dma_wait3A_1177 = tpu.memref_slice %arg3[%multiple_of3A_1175] : memref<320000xi32, #tpu.memory_space<hbm>> -> memref<128xi32, #tpu.memory_space<hbm>>
        tpu.wait_dma2 semaphore(%arg21 : memref<!tpu.dma_semaphore, #tpu.memory_space<semaphore_mem>>) src(%dma_wait3A_1177 : memref<128xi32, #tpu.memory_space<hbm>>) dst(%arg13 : memref<128xi32, #tpu.memory_space<vmem>>)
        %dma_wait3A_1178 = tpu.memref_slice %arg4[%multiple_of3A_1175] : memref<320000xi32, #tpu.memory_space<hbm>> -> memref<128xi32, #tpu.memory_space<hbm>>
        %dma_wait3A_1179 = tpu.memref_slice %arg4[%multiple_of3A_1175] : memref<320000xi32, #tpu.memory_space<hbm>> -> memref<128xi32, #tpu.memory_space<hbm>>
        tpu.wait_dma2 semaphore(%arg21 : memref<!tpu.dma_semaphore, #tpu.memory_space<semaphore_mem>>) src(%dma_wait3A_1179 : memref<128xi32, #tpu.memory_space<hbm>>) dst(%arg14 : memref<128xi32, #tpu.memory_space<vmem>>)
        %dma_start3A_1180 = arith.constant 0 : i32
        %dma_start3A_1181 = arith.constant 0 : i32
        %dma_start3A_1182 = tpu.memref_slice %arg2[%dma_start3A_1180, %dma_start3A_1181] : memref<10000x128xf32, #tpu.memory_space<hbm>> -> memref<10000x128xf32, #tpu.memory_space<hbm>>
        tpu.enqueue_indirect_dma source(%dma_start3A_1182 : memref<10000x128xf32, #tpu.memory_space<hbm>>) target(%arg10 : memref<128x128xf32, #tpu.memory_space<vmem>>) offsets(%arg13 : memref<128xi32, #tpu.memory_space<vmem>>) semaphore(%arg19 : memref<!tpu.dma_semaphore, #tpu.memory_space<semaphore_mem>>)
        %get3A_1183 = arith.constant 0 : index
        %get3A_1184 = tpu.vector_load %arg13[%get3A_1183] {strides = array<i32>} : memref<128xi32, #tpu.memory_space<vmem>>, vector<16xi32>,
        %get3A_1185 = vector.shape_cast %get3A_1184 : vector<16xi32> to vector<16xi32>
        %get3A_1186 = arith.constant 0 : index
        %get3A_1187 = tpu.vector_load %arg14[%get3A_1186] {strides = array<i32>} : memref<128xi32, #tpu.memory_space<vmem>>, vector<16xi32>,
        %get3A_1188 = vector.shape_cast %get3A_1187 : vector<16xi32> to vector<16xi32>
        %eq3A_1189 = arith.cmpi eq, %get3A_1185, %get3A_1188 : vector<16xi32>
        %jit3A_1190 = arith.constant 10000 : i32
        %broadcast_in_dim3A_1191 = vector.broadcast %jit3A_1190 : i32 to vector<16xi32>
        %select_n3A_1192 = arith.select %eq3A_1189, %broadcast_in_dim3A_1191, %get3A_1188 : vector<16xi1>, vector<16xi32>
        %swap3A_1193 = arith.constant 0 : index
        %swap3A_1194 = tpu.vector_load %arg14[%swap3A_1193] {strides = array<i32>} : memref<128xi32, #tpu.memory_space<vmem>>, vector<16xi32>,
        %swap3A_1195 = vector.shape_cast %swap3A_1194 : vector<16xi32> to vector<16xi32>
        %swap3A_1196 = vector.shape_cast %select_n3A_1192 : vector<16xi32> to vector<16xi32>
        tpu.vector_store %arg14[%swap3A_1193], %swap3A_1196 {strides = array<i32>} : memref<128xi32, #tpu.memory_space<vmem>>, vector<16xi32>,
        %get3A_1197 = arith.constant 16 : index
        %get3A_1198 = tpu.vector_load %arg13[%get3A_1197] {strides = array<i32>} : memref<128xi32, #tpu.memory_space<vmem>>, vector<16xi32>,
        %get3A_1199 = vector.shape_cast %get3A_1198 : vector<16xi32> to vector<16xi32>
        %get3A_1200 = arith.constant 16 : index
        %get3A_1201 = tpu.vector_load %arg14[%get3A_1200] {strides = array<i32>} : memref<128xi32, #tpu.memory_space<vmem>>, vector<16xi32>,
        %get3A_1202 = vector.shape_cast %get3A_1201 : vector<16xi32> to vector<16xi32>
        %eq3A_1203 = arith.cmpi eq, %get3A_1199, %get3A_1202 : vector<16xi32>
        %jit3A_1204 = arith.constant 10000 : i32
        %broadcast_in_dim3A_1205 = vector.broadcast %jit3A_1204 : i32 to vector<16xi32>
        %select_n3A_1206 = arith.select %eq3A_1203, %broadcast_in_dim3A_1205, %get3A_1202 : vector<16xi1>, vector<16xi32>
        %swap3A_1207 = arith.constant 16 : index
        %swap3A_1208 = tpu.vector_load %arg14[%swap3A_1207] {strides = array<i32>} : memref<128xi32, #tpu.memory_space<vmem>>, vector<16xi32>,
        %swap3A_1209 = vector.shape_cast %swap3A_1208 : vector<16xi32> to vector<16xi32>
        %swap3A_1210 = vector.shape_cast %select_n3A_1206 : vector<16xi32> to vector<16xi32>
        tpu.vector_store %arg14[%swap3A_1207], %swap3A_1210 {strides = array<i32>} : memref<128xi32, #tpu.memory_space<vmem>>, vector<16xi32>,
        %get3A_1211 = arith.constant 32 : index
        %get3A_1212 = tpu.vector_load %arg13[%get3A_1211] {strides = array<i32>} : memref<128xi32, #tpu.memory_space<vmem>>, vector<16xi32>,
        %get3A_1213 = vector.shape_cast %get3A_1212 : vector<16xi32> to vector<16xi32>
        %get3A_1214 = arith.constant 32 : index
        %get3A_1215 = tpu.vector_load %arg14[%get3A_1214] {strides = array<i32>} : memref<128xi32, #tpu.memory_space<vmem>>, vector<16xi32>,
        %get3A_1216 = vector.shape_cast %get3A_1215 : vector<16xi32> to vector<16xi32>
        %eq3A_1217 = arith.cmpi eq, %get3A_1213, %get3A_1216 : vector<16xi32>
        %jit3A_1218 = arith.constant 10000 : i32
        %broadcast_in_dim3A_1219 = vector.broadcast %jit3A_1218 : i32 to vector<16xi32>
        %select_n3A_1220 = arith.select %eq3A_1217, %broadcast_in_dim3A_1219, %get3A_1216 : vector<16xi1>, vector<16xi32>
        %swap3A_1221 = arith.constant 32 : index
        %swap3A_1222 = tpu.vector_load %arg14[%swap3A_1221] {strides = array<i32>} : memref<128xi32, #tpu.memory_space<vmem>>, vector<16xi32>,
        %swap3A_1223 = vector.shape_cast %swap3A_1222 : vector<16xi32> to vector<16xi32>
        %swap3A_1224 = vector.shape_cast %select_n3A_1220 : vector<16xi32> to vector<16xi32>
        tpu.vector_store %arg14[%swap3A_1221], %swap3A_1224 {strides = array<i32>} : memref<128xi32, #tpu.memory_space<vmem>>, vector<16xi32>,
        %get3A_1225 = arith.constant 48 : index
        %get3A_1226 = tpu.vector_load %arg13[%get3A_1225] {strides = array<i32>} : memref<128xi32, #tpu.memory_space<vmem>>, vector<16xi32>,
        %get3A_1227 = vector.shape_cast %get3A_1226 : vector<16xi32> to vector<16xi32>
        %get3A_1228 = arith.constant 48 : index
        %get3A_1229 = tpu.vector_load %arg14[%get3A_1228] {strides = array<i32>} : memref<128xi32, #tpu.memory_space<vmem>>, vector<16xi32>,
        %get3A_1230 = vector.shape_cast %get3A_1229 : vector<16xi32> to vector<16xi32>
        %eq3A_1231 = arith.cmpi eq, %get3A_1227, %get3A_1230 : vector<16xi32>
        %jit3A_1232 = arith.constant 10000 : i32
        %broadcast_in_dim3A_1233 = vector.broadcast %jit3A_1232 : i32 to vector<16xi32>
        %select_n3A_1234 = arith.select %eq3A_1231, %broadcast_in_dim3A_1233, %get3A_1230 : vector<16xi1>, vector<16xi32>
        %swap3A_1235 = arith.constant 48 : index
        %swap3A_1236 = tpu.vector_load %arg14[%swap3A_1235] {strides = array<i32>} : memref<128xi32, #tpu.memory_space<vmem>>, vector<16xi32>,
        %swap3A_1237 = vector.shape_cast %swap3A_1236 : vector<16xi32> to vector<16xi32>
        %swap3A_1238 = vector.shape_cast %select_n3A_1234 : vector<16xi32> to vector<16xi32>
        tpu.vector_store %arg14[%swap3A_1235], %swap3A_1238 {strides = array<i32>} : memref<128xi32, #tpu.memory_space<vmem>>, vector<16xi32>,
        %get3A_1239 = arith.constant 64 : index
        %get3A_1240 = tpu.vector_load %arg13[%get3A_1239] {strides = array<i32>} : memref<128xi32, #tpu.memory_space<vmem>>, vector<16xi32>,
        %get3A_1241 = vector.shape_cast %get3A_1240 : vector<16xi32> to vector<16xi32>
        %get3A_1242 = arith.constant 64 : index
        %get3A_1243 = tpu.vector_load %arg14[%get3A_1242] {strides = array<i32>} : memref<128xi32, #tpu.memory_space<vmem>>, vector<16xi32>,
        %get3A_1244 = vector.shape_cast %get3A_1243 : vector<16xi32> to vector<16xi32>
        %eq3A_1245 = arith.cmpi eq, %get3A_1241, %get3A_1244 : vector<16xi32>
        %jit3A_1246 = arith.constant 10000 : i32
        %broadcast_in_dim3A_1247 = vector.broadcast %jit3A_1246 : i32 to vector<16xi32>
        %select_n3A_1248 = arith.select %eq3A_1245, %broadcast_in_dim3A_1247, %get3A_1244 : vector<16xi1>, vector<16xi32>
        %swap3A_1249 = arith.constant 64 : index
        %swap3A_1250 = tpu.vector_load %arg14[%swap3A_1249] {strides = array<i32>} : memref<128xi32, #tpu.memory_space<vmem>>, vector<16xi32>,
        %swap3A_1251 = vector.shape_cast %swap3A_1250 : vector<16xi32> to vector<16xi32>
        %swap3A_1252 = vector.shape_cast %select_n3A_1248 : vector<16xi32> to vector<16xi32>
        tpu.vector_store %arg14[%swap3A_1249], %swap3A_1252 {strides = array<i32>} : memref<128xi32, #tpu.memory_space<vmem>>, vector<16xi32>,
        %get3A_1253 = arith.constant 80 : index
        %get3A_1254 = tpu.vector_load %arg13[%get3A_1253] {strides = array<i32>} : memref<128xi32, #tpu.memory_space<vmem>>, vector<16xi32>,
        %get3A_1255 = vector.shape_cast %get3A_1254 : vector<16xi32> to vector<16xi32>
        %get3A_1256 = arith.constant 80 : index
        %get3A_1257 = tpu.vector_load %arg14[%get3A_1256] {strides = array<i32>} : memref<128xi32, #tpu.memory_space<vmem>>, vector<16xi32>,
        %get3A_1258 = vector.shape_cast %get3A_1257 : vector<16xi32> to vector<16xi32>
        %eq3A_1259 = arith.cmpi eq, %get3A_1255, %get3A_1258 : vector<16xi32>
        %jit3A_1260 = arith.constant 10000 : i32
        %broadcast_in_dim3A_1261 = vector.broadcast %jit3A_1260 : i32 to vector<16xi32>
        %select_n3A_1262 = arith.select %eq3A_1259, %broadcast_in_dim3A_1261, %get3A_1258 : vector<16xi1>, vector<16xi32>
        %swap3A_1263 = arith.constant 80 : index
        %swap3A_1264 = tpu.vector_load %arg14[%swap3A_1263] {strides = array<i32>} : memref<128xi32, #tpu.memory_space<vmem>>, vector<16xi32>,
        %swap3A_1265 = vector.shape_cast %swap3A_1264 : vector<16xi32> to vector<16xi32>
        %swap3A_1266 = vector.shape_cast %select_n3A_1262 : vector<16xi32> to vector<16xi32>
        tpu.vector_store %arg14[%swap3A_1263], %swap3A_1266 {strides = array<i32>} : memref<128xi32, #tpu.memory_space<vmem>>, vector<16xi32>,
        %get3A_1267 = arith.constant 96 : index
        %get3A_1268 = tpu.vector_load %arg13[%get3A_1267] {strides = array<i32>} : memref<128xi32, #tpu.memory_space<vmem>>, vector<16xi32>,
        %get3A_1269 = vector.shape_cast %get3A_1268 : vector<16xi32> to vector<16xi32>
        %get3A_1270 = arith.constant 96 : index
        %get3A_1271 = tpu.vector_load %arg14[%get3A_1270] {strides = array<i32>} : memref<128xi32, #tpu.memory_space<vmem>>, vector<16xi32>,
        %get3A_1272 = vector.shape_cast %get3A_1271 : vector<16xi32> to vector<16xi32>
        %eq3A_1273 = arith.cmpi eq, %get3A_1269, %get3A_1272 : vector<16xi32>
        %jit3A_1274 = arith.constant 10000 : i32
        %broadcast_in_dim3A_1275 = vector.broadcast %jit3A_1274 : i32 to vector<16xi32>
        %select_n3A_1276 = arith.select %eq3A_1273, %broadcast_in_dim3A_1275, %get3A_1272 : vector<16xi1>, vector<16xi32>
        %swap3A_1277 = arith.constant 96 : index
        %swap3A_1278 = tpu.vector_load %arg14[%swap3A_1277] {strides = array<i32>} : memref<128xi32, #tpu.memory_space<vmem>>, vector<16xi32>,
        %swap3A_1279 = vector.shape_cast %swap3A_1278 : vector<16xi32> to vector<16xi32>
        %swap3A_1280 = vector.shape_cast %select_n3A_1276 : vector<16xi32> to vector<16xi32>
        tpu.vector_store %arg14[%swap3A_1277], %swap3A_1280 {strides = array<i32>} : memref<128xi32, #tpu.memory_space<vmem>>, vector<16xi32>,
        %get3A_1281 = arith.constant 112 : index
        %get3A_1282 = tpu.vector_load %arg13[%get3A_1281] {strides = array<i32>} : memref<128xi32, #tpu.memory_space<vmem>>, vector<16xi32>,
        %get3A_1283 = vector.shape_cast %get3A_1282 : vector<16xi32> to vector<16xi32>
        %get3A_1284 = arith.constant 112 : index
        %get3A_1285 = tpu.vector_load %arg14[%get3A_1284] {strides = array<i32>} : memref<128xi32, #tpu.memory_space<vmem>>, vector<16xi32>,
        %get3A_1286 = vector.shape_cast %get3A_1285 : vector<16xi32> to vector<16xi32>
        %eq3A_1287 = arith.cmpi eq, %get3A_1283, %get3A_1286 : vector<16xi32>
        %jit3A_1288 = arith.constant 10000 : i32
        %broadcast_in_dim3A_1289 = vector.broadcast %jit3A_1288 : i32 to vector<16xi32>
        %select_n3A_1290 = arith.select %eq3A_1287, %broadcast_in_dim3A_1289, %get3A_1286 : vector<16xi1>, vector<16xi32>
        %swap3A_1291 = arith.constant 112 : index
        %swap3A_1292 = tpu.vector_load %arg14[%swap3A_1291] {strides = array<i32>} : memref<128xi32, #tpu.memory_space<vmem>>, vector<16xi32>,
        %swap3A_1293 = vector.shape_cast %swap3A_1292 : vector<16xi32> to vector<16xi32>
        %swap3A_1294 = vector.shape_cast %select_n3A_1290 : vector<16xi32> to vector<16xi32>
        tpu.vector_store %arg14[%swap3A_1291], %swap3A_1294 {strides = array<i32>} : memref<128xi32, #tpu.memory_space<vmem>>, vector<16xi32>,
      } else {
      }
    }
    %scan3A_1111 = arith.constant 39 : i32
    %lt3A_1112 = arith.constant 4 : i32
    %lt3A_1113 = arith.cmpi slt, %add3A, %lt3A_1112 : i32
    %convert_element_type3A_1114 = arith.extui %lt3A_1113 : i1 to i32
    %cond3A_1115 = arith.constant 0 : i32
    %cond3A_1116 = arith.cmpi ne, %convert_element_type3A_1114, %cond3A_1115 : i32
    scf.if %cond3A_1116 {
      %dma_wait3A_1133 = arith.constant 0 : i32
      %dma_wait3A_1134 = arith.constant 0 : i32
      %dma_wait3A_1135 = tpu.memref_slice %arg2[%dma_wait3A_1133, %dma_wait3A_1134] : memref<10000x128xf32, #tpu.memory_space<hbm>> -> memref<10000x128xf32, #tpu.memory_space<hbm>>
      tpu.wait_indirect_dma semaphore(%arg18 : memref<!tpu.dma_semaphore, #tpu.memory_space<semaphore_mem>>) src(%dma_wait3A_1135 : memref<10000x128xf32, #tpu.memory_space<hbm>>) dst(%arg9 : memref<128x128xf32, #tpu.memory_space<vmem>>)
      "tpu.region"() ({
        %run_scoped3A = tpu.sem_alloc : memref<!tpu.dma_semaphore, #tpu.memory_space<semaphore_mem>>
        %dma_start3A_1136 = arith.constant 0 : i32
        %dma_start3A_1137 = arith.constant 0 : i32
        %dma_start3A_1138 = tpu.memref_slice %arg7[%dma_start3A_1136, %dma_start3A_1137] : memref<10016x128xf32, #tpu.memory_space<vmem_shared>> -> memref<10016x128xf32, #tpu.memory_space<vmem_shared>>
        tpu.enqueue_indirect_dma source(%arg9 : memref<128x128xf32, #tpu.memory_space<vmem>>) target(%dma_start3A_1138 : memref<10016x128xf32, #tpu.memory_space<vmem_shared>>) offsets(%arg12 : memref<128xi32, #tpu.memory_space<vmem>>) semaphore(%run_scoped3A : memref<!tpu.dma_semaphore, #tpu.memory_space<semaphore_mem>>) {add = true}
        %dma_wait3A_1139 = arith.constant 0 : i32
        %dma_wait3A_1140 = arith.constant 0 : i32
        %dma_wait3A_1141 = tpu.memref_slice %arg7[%dma_wait3A_1139, %dma_wait3A_1140] : memref<10016x128xf32, #tpu.memory_space<vmem_shared>> -> memref<10016x128xf32, #tpu.memory_space<vmem_shared>>
        tpu.wait_indirect_dma semaphore(%run_scoped3A : memref<!tpu.dma_semaphore, #tpu.memory_space<semaphore_mem>>) src(%arg9 : memref<128x128xf32, #tpu.memory_space<vmem>>) dst(%dma_wait3A_1141 : memref<10016x128xf32, #tpu.memory_space<vmem_shared>>)
        tpu.yield
      }) : () -> ()
      "tpu.region"() ({
        %run_scoped3A = tpu.sem_alloc : memref<!tpu.dma_semaphore, #tpu.memory_space<semaphore_mem>>
        %dma_start3A_1136 = arith.constant 0 : i32
        %dma_start3A_1137 = tpu.memref_slice %arg8[%dma_start3A_1136] : memref<10016xf32, #tpu.memory_space<vmem_shared>> -> memref<10016xf32, #tpu.memory_space<vmem_shared>>
        tpu.enqueue_indirect_dma source(%arg17 : memref<128xf32, #tpu.memory_space<vmem>>) target(%dma_start3A_1137 : memref<10016xf32, #tpu.memory_space<vmem_shared>>) offsets(%arg12 : memref<128xi32, #tpu.memory_space<vmem>>) semaphore(%run_scoped3A : memref<!tpu.dma_semaphore, #tpu.memory_space<semaphore_mem>>) {add = true}
        %dma_wait3A_1138 = arith.constant 0 : i32
        %dma_wait3A_1139 = tpu.memref_slice %arg8[%dma_wait3A_1138] : memref<10016xf32, #tpu.memory_space<vmem_shared>> -> memref<10016xf32, #tpu.memory_space<vmem_shared>>
        tpu.wait_indirect_dma semaphore(%run_scoped3A : memref<!tpu.dma_semaphore, #tpu.memory_space<semaphore_mem>>) src(%arg17 : memref<128xf32, #tpu.memory_space<vmem>>) dst(%dma_wait3A_1139 : memref<10016xf32, #tpu.memory_space<vmem_shared>>)
        tpu.yield
      }) : () -> ()
    } else {
    }
    %barrier3A_1117 = arith.constant 0 : index
    tpu.barrier barrier_id(%barrier3A_1117)
    %while3A_1118 = arith.constant 0 : i32
    %while3A_1119 = arith.constant 0 : i32
    %while3A_1120 = arith.subi %add3A_841, %while3A_1119 : i32
    %while3A_1121 = arith.addi %while3A_1119, %while3A_1120 : i32
    %while3A_1122 = arith.constant 1 : i32
    %while3A_1123 = arith.divsi %while3A_1120, %while3A_1122 : i32
    %while3A_1124 = arith.muli %while3A_1123, %while3A_1122 : i32
    %while3A_1125 = arith.addi %while3A_1119, %while3A_1124 : i32
    %while3A_1126 = arith.constant 1 : i32
    scf.for %while3A_1133 = %while3A_1119 to %while3A_1125 step %while3A_1126  : i32 {
      %mul3A_1134 = arith.constant 16 : i32
      %mul3A_1135 = arith.muli %while3A_1133, %mul3A_1134 : i32
      %add3A_1136 = arith.addi %arg1, %mul3A_1135 : i32
      %mul3A_1137 = arith.constant 16 : i32
      %mul3A_1138 = arith.muli %add3A_1136, %mul3A_1137 : i32
      %multiple_of3A_1139 = tpu.assume_multiple %mul3A_1138, 16 : i32
      "tpu.region"() ({
        %run_scoped3A = tpu.sem_alloc : memref<!tpu.dma_semaphore, #tpu.memory_space<semaphore_mem>>
        %dma_start3A_1140 = arith.constant 0 : i32
        %dma_start3A_1141 = tpu.memref_slice %arg5[%arg0, %multiple_of3A_1139, %dma_start3A_1140] : memref<2x10016x128xf32, #tpu.memory_space<hbm>> -> memref<1x16x128xf32, #tpu.memory_space<hbm>>
        %dma_start3A_1142 = tpu.memref_squeeze %dma_start3A_1141 : memref<1x16x128xf32, #tpu.memory_space<hbm>> -> memref<16x128xf32, #tpu.memory_space<hbm>>
        %dma_start3A_1143 = arith.constant 0 : i32
        %dma_start3A_1144 = tpu.memref_slice %arg7[%multiple_of3A_1139, %dma_start3A_1143] : memref<10016x128xf32, #tpu.memory_space<vmem_shared>> -> memref<16x128xf32, #tpu.memory_space<vmem_shared>>
        tpu.enqueue_dma source(%dma_start3A_1144 : memref<16x128xf32, #tpu.memory_space<vmem_shared>>) target(%dma_start3A_1142 : memref<16x128xf32, #tpu.memory_space<hbm>>) target_semaphore(%run_scoped3A : memref<!tpu.dma_semaphore, #tpu.memory_space<semaphore_mem>>)
        %dma_wait3A_1145 = arith.constant 0 : i32
        %dma_wait3A_1146 = tpu.memref_slice %arg5[%arg0, %multiple_of3A_1139, %dma_wait3A_1145] : memref<2x10016x128xf32, #tpu.memory_space<hbm>> -> memref<1x16x128xf32, #tpu.memory_space<hbm>>
        %dma_wait3A_1147 = tpu.memref_squeeze %dma_wait3A_1146 : memref<1x16x128xf32, #tpu.memory_space<hbm>> -> memref<16x128xf32, #tpu.memory_space<hbm>>
        %dma_wait3A_1148 = arith.constant 0 : i32
        %dma_wait3A_1149 = tpu.memref_slice %arg7[%multiple_of3A_1139, %dma_wait3A_1148] : memref<10016x128xf32, #tpu.memory_space<vmem_shared>> -> memref<16x128xf32, #tpu.memory_space<vmem_shared>>
        tpu.wait_dma2 semaphore(%run_scoped3A : memref<!tpu.dma_semaphore, #tpu.memory_space<semaphore_mem>>) src(%dma_wait3A_1149 : memref<16x128xf32, #tpu.memory_space<vmem_shared>>) dst(%dma_wait3A_1147 : memref<16x128xf32, #tpu.memory_space<hbm>>)
        tpu.yield
      }) : () -> ()
    }
    %while3A_1127 = arith.constant 1 : i32
    scf.for %while3A_1133 = %while3A_1125 to %while3A_1121 step %while3A_1127  : i32 {
      %mul3A_1134 = arith.constant 16 : i32
      %mul3A_1135 = arith.muli %while3A_1133, %mul3A_1134 : i32
      %add3A_1136 = arith.addi %arg1, %mul3A_1135 : i32
      %mul3A_1137 = arith.constant 16 : i32
      %mul3A_1138 = arith.muli %add3A_1136, %mul3A_1137 : i32
      %multiple_of3A_1139 = tpu.assume_multiple %mul3A_1138, 16 : i32
      "tpu.region"() ({
        %run_scoped3A = tpu.sem_alloc : memref<!tpu.dma_semaphore, #tpu.memory_space<semaphore_mem>>
        %dma_start3A_1140 = arith.constant 0 : i32
        %dma_start3A_1141 = tpu.memref_slice %arg5[%arg0, %multiple_of3A_1139, %dma_start3A_1140] : memref<2x10016x128xf32, #tpu.memory_space<hbm>> -> memref<1x16x128xf32, #tpu.memory_space<hbm>>
        %dma_start3A_1142 = tpu.memref_squeeze %dma_start3A_1141 : memref<1x16x128xf32, #tpu.memory_space<hbm>> -> memref<16x128xf32, #tpu.memory_space<hbm>>
        %dma_start3A_1143 = arith.constant 0 : i32
        %dma_start3A_1144 = tpu.memref_slice %arg7[%multiple_of3A_1139, %dma_start3A_1143] : memref<10016x128xf32, #tpu.memory_space<vmem_shared>> -> memref<16x128xf32, #tpu.memory_space<vmem_shared>>
        tpu.enqueue_dma source(%dma_start3A_1144 : memref<16x128xf32, #tpu.memory_space<vmem_shared>>) target(%dma_start3A_1142 : memref<16x128xf32, #tpu.memory_space<hbm>>) target_semaphore(%run_scoped3A : memref<!tpu.dma_semaphore, #tpu.memory_space<semaphore_mem>>)
        %dma_wait3A_1145 = arith.constant 0 : i32
        %dma_wait3A_1146 = tpu.memref_slice %arg5[%arg0, %multiple_of3A_1139, %dma_wait3A_1145] : memref<2x10016x128xf32, #tpu.memory_space<hbm>> -> memref<1x16x128xf32, #tpu.memory_space<hbm>>
        %dma_wait3A_1147 = tpu.memref_squeeze %dma_wait3A_1146 : memref<1x16x128xf32, #tpu.memory_space<hbm>> -> memref<16x128xf32, #tpu.memory_space<hbm>>
        %dma_wait3A_1148 = arith.constant 0 : i32
        %dma_wait3A_1149 = tpu.memref_slice %arg7[%multiple_of3A_1139, %dma_wait3A_1148] : memref<10016x128xf32, #tpu.memory_space<vmem_shared>> -> memref<16x128xf32, #tpu.memory_space<vmem_shared>>
        tpu.wait_dma2 semaphore(%run_scoped3A : memref<!tpu.dma_semaphore, #tpu.memory_space<semaphore_mem>>) src(%dma_wait3A_1149 : memref<16x128xf32, #tpu.memory_space<vmem_shared>>) dst(%dma_wait3A_1147 : memref<16x128xf32, #tpu.memory_space<hbm>>)
        tpu.yield
      }) : () -> ()
    }
    %eq3A_1128 = arith.constant 0 : i32
    %eq3A_1129 = arith.cmpi eq, %arg1, %eq3A_1128 : i32
    %convert_element_type3A_1130 = arith.extui %eq3A_1129 : i1 to i32
    %cond3A_1131 = arith.constant 0 : i32
    %cond3A_1132 = arith.cmpi ne, %convert_element_type3A_1130, %cond3A_1131 : i32
    scf.if %cond3A_1132 {
      "tpu.region"() ({
        %run_scoped3A = tpu.sem_alloc : memref<!tpu.dma_semaphore, #tpu.memory_space<semaphore_mem>>
        %dma_start3A_1133 = arith.constant 0 : i32
        %dma_start3A_1134 = tpu.memref_slice %arg6[%arg0, %dma_start3A_1133] : memref<2x10016xf32, #tpu.memory_space<hbm>> -> memref<1x10016xf32, #tpu.memory_space<hbm>>
        %dma_start3A_1135 = tpu.memref_squeeze %dma_start3A_1134 : memref<1x10016xf32, #tpu.memory_space<hbm>> -> memref<10016xf32, #tpu.memory_space<hbm>>
        tpu.enqueue_dma source(%arg8 : memref<10016xf32, #tpu.memory_space<vmem_shared>>) target(%dma_start3A_1135 : memref<10016xf32, #tpu.memory_space<hbm>>) target_semaphore(%run_scoped3A : memref<!tpu.dma_semaphore, #tpu.memory_space<semaphore_mem>>)
        %dma_wait3A_1136 = arith.constant 0 : i32
        %dma_wait3A_1137 = tpu.memref_slice %arg6[%arg0, %dma_wait3A_1136] : memref<2x10016xf32, #tpu.memory_space<hbm>> -> memref<1x10016xf32, #tpu.memory_space<hbm>>
        %dma_wait3A_1138 = tpu.memref_squeeze %dma_wait3A_1137 : memref<1x10016xf32, #tpu.memory_space<hbm>> -> memref<10016xf32, #tpu.memory_space<hbm>>
        tpu.wait_dma2 semaphore(%run_scoped3A : memref<!tpu.dma_semaphore, #tpu.memory_space<semaphore_mem>>) src(%arg8 : memref<10016xf32, #tpu.memory_space<vmem_shared>>) dst(%dma_wait3A_1138 : memref<10016xf32, #tpu.memory_space<hbm>>)
        tpu.yield
      }) : () -> ()
    } else {
    }
    return
  }
}

module attributes {stable_mosaic.version = 14 : i64} {
  func.func @_tc_body(%arg0: i32, %arg1: memref<400x128xf32, #tpu.memory_space<vmem>>, %arg2: memref<2x400x128xf32, #tpu.memory_space<vmem>>, %arg3: memref<400x2xf32, #tpu.memory_space<vmem>>, %arg4: memref<128x128xf32, #tpu.memory_space<vmem>>, %arg5: memref<1x128xf32, #tpu.memory_space<vmem>>, %arg6: memref<128x128xf32, #tpu.memory_space<vmem>>, %arg7: memref<128x128xf32, #tpu.memory_space<vmem>>, %arg8: memref<1x128xf32, #tpu.memory_space<vmem>>, %arg9: memref<128x128xf32, #tpu.memory_space<vmem>>, %arg10: memref<1x128xf32, #tpu.memory_space<vmem>>, %arg11: memref<128x64xf32, #tpu.memory_space<vmem>>, %arg12: memref<1x64xf32, #tpu.memory_space<vmem>>, %arg13: memref<64x6xf32, #tpu.memory_space<vmem>>, %arg14: memref<1x6xf32, #tpu.memory_space<vmem>>, %arg15: memref<400x6xf32, #tpu.memory_space<vmem>>) attributes {dimension_semantics = [#tpu.dimension_semantics<arbitrary>], iteration_bounds = array<i64: 25>, scalar_prefetch = 0 : i64, scratch_operands = 0 : i64, tpu.core_type = #tpu.core_type<tc>, window_params = [{transform_indices = @transform_0, window_bounds = array<i64: 400, 128>}, {transform_indices = @transform_1, window_bounds = array<i64: 2, 400, 128>}, {transform_indices = @transform_2, window_bounds = array<i64: 400, 2>}, {pipeline_mode = #tpu.pipeline_mode<synchronous>, transform_indices = @transform_3, window_bounds = array<i64: 128, 128>}, {pipeline_mode = #tpu.pipeline_mode<synchronous>, transform_indices = @transform_4, window_bounds = array<i64: 1, 128>}, {pipeline_mode = #tpu.pipeline_mode<synchronous>, transform_indices = @transform_5, window_bounds = array<i64: 128, 128>}, {pipeline_mode = #tpu.pipeline_mode<synchronous>, transform_indices = @transform_6, window_bounds = array<i64: 128, 128>}, {pipeline_mode = #tpu.pipeline_mode<synchronous>, transform_indices = @transform_7, window_bounds = array<i64: 1, 128>}, {pipeline_mode = #tpu.pipeline_mode<synchronous>, transform_indices = @transform_8, window_bounds = array<i64: 128, 128>}, {pipeline_mode = #tpu.pipeline_mode<synchronous>, transform_indices = @transform_9, window_bounds = array<i64: 1, 128>}, {pipeline_mode = #tpu.pipeline_mode<synchronous>, transform_indices = @transform_10, window_bounds = array<i64: 128, 64>}, {pipeline_mode = #tpu.pipeline_mode<synchronous>, transform_indices = @transform_11, window_bounds = array<i64: 1, 64>}, {pipeline_mode = #tpu.pipeline_mode<synchronous>, transform_indices = @transform_12, window_bounds = array<i64: 64, 6>}, {pipeline_mode = #tpu.pipeline_mode<synchronous>, transform_indices = @transform_13, window_bounds = array<i64: 1, 6>}, {transform_indices = @transform_14, window_bounds = array<i64: 400, 6>}]} {
    %get3A = arith.constant 0 : index
    %get3A_0 = arith.constant 0 : index
    %get3A_1 = vector.load %arg1[%get3A, %get3A_0] : memref<400x128xf32, #tpu.memory_space<vmem>>, vector<400x128xf32>
    %get3A_2 = arith.constant 0 : index
    %get3A_3 = arith.constant 0 : index
    %get3A_4 = arith.constant 0 : index
    %get3A_5 = vector.load %arg2[%get3A_2, %get3A_3, %get3A_4] : memref<2x400x128xf32, #tpu.memory_space<vmem>>, vector<1x400x128xf32>
    %get3A_6 = vector.shape_cast %get3A_5 : vector<1x400x128xf32> to vector<400x128xf32>
    %get3A_7 = arith.constant 1 : index
    %get3A_8 = arith.constant 0 : index
    %get3A_9 = arith.constant 0 : index
    %get3A_10 = vector.load %arg2[%get3A_7, %get3A_8, %get3A_9] : memref<2x400x128xf32, #tpu.memory_space<vmem>>, vector<1x400x128xf32>
    %get3A_11 = vector.shape_cast %get3A_10 : vector<1x400x128xf32> to vector<400x128xf32>
    %add3A = arith.addf %get3A_6, %get3A_11 : vector<400x128xf32>
    %get3A_12 = arith.constant 0 : index
    %get3A_13 = arith.constant 0 : index
    %get3A_14 = vector.load %arg3[%get3A_12, %get3A_13] : memref<400x2xf32, #tpu.memory_space<vmem>>, vector<400x2xf32>
    %slice3A = vector.extract_strided_slice %get3A_14 {offsets = [0, 0], sizes = [400, 1], strides = [1, 1]} : vector<400x2xf32> to vector<400x1xf32>
    %add3A_15 = arith.constant 1.000000e+00 : f32
    %add3A_16 = vector.broadcast %add3A_15 : f32 to vector<400x1xf32>
    %add3A_17 = arith.addf %add3A_16, %slice3A : vector<400x1xf32>
    %slice3A_18 = vector.extract_strided_slice %get3A_14 {offsets = [0, 1], sizes = [400, 1], strides = [1, 1]} : vector<400x2xf32> to vector<400x1xf32>
    %add3A_19 = arith.addf %add3A_17, %slice3A_18 : vector<400x1xf32>
    %add3A_20 = arith.addf %get3A_1, %add3A : vector<400x128xf32>
    %div3A = vector.broadcast %add3A_19 : vector<400x1xf32> to vector<400x128xf32>
    %div3A_21 = arith.divf %add3A_20, %div3A : vector<400x128xf32>
    %get3A_22 = arith.constant 0 : index
    %get3A_23 = arith.constant 0 : index
    %get3A_24 = vector.load %arg4[%get3A_22, %get3A_23] : memref<128x128xf32, #tpu.memory_space<vmem>>, vector<128x128xf32>
    %dot_general3A = arith.constant dense<0.000000e+00> : vector<400x128xf32>
    %dot_general3A_25 = tpu.matmul %div3A_21, %get3A_24, %dot_general3A {dimension_numbers = #tpu.dot_dimension_numbers<[1], [0], [0], [1], [0, 0, 1, 1], [], []>, transpose_lhs_hint = false} : vector<400x128xf32>, vector<128x128xf32>, vector<400x128xf32> -> vector<400x128xf32>
    %get3A_26 = arith.constant 0 : index
    %get3A_27 = arith.constant 0 : index
    %get3A_28 = vector.load %arg6[%get3A_26, %get3A_27] : memref<128x128xf32, #tpu.memory_space<vmem>>, vector<128x128xf32>
    %dot_general3A_29 = arith.constant dense<0.000000e+00> : vector<400x128xf32>
    %dot_general3A_30 = tpu.matmul %get3A_1, %get3A_28, %dot_general3A_29 {dimension_numbers = #tpu.dot_dimension_numbers<[1], [0], [0], [1], [0, 0, 1, 1], [], []>, transpose_lhs_hint = false} : vector<400x128xf32>, vector<128x128xf32>, vector<400x128xf32> -> vector<400x128xf32>
    %add3A_31 = arith.addf %dot_general3A_25, %dot_general3A_30 : vector<400x128xf32>
    %get3A_32 = arith.constant 0 : index
    %get3A_33 = arith.constant 0 : index
    %get3A_34 = vector.load %arg5[%get3A_32, %get3A_33] : memref<1x128xf32, #tpu.memory_space<vmem>>, vector<1x128xf32>
    %add3A_35 = vector.broadcast %get3A_34 : vector<1x128xf32> to vector<400x128xf32>
    %add3A_36 = arith.addf %add3A_31, %add3A_35 : vector<400x128xf32>
    %max3A = arith.constant 0.000000e+00 : f32
    %max3A_37 = vector.broadcast %max3A : f32 to vector<400x128xf32>
    %max3A_38 = arith.maximumf %add3A_36, %max3A_37 : vector<400x128xf32>
    %get3A_39 = arith.constant 0 : index
    %get3A_40 = arith.constant 0 : index
    %get3A_41 = vector.load %arg7[%get3A_39, %get3A_40] : memref<128x128xf32, #tpu.memory_space<vmem>>, vector<128x128xf32>
    %dot_general3A_42 = arith.constant dense<0.000000e+00> : vector<400x128xf32>
    %dot_general3A_43 = tpu.matmul %max3A_38, %get3A_41, %dot_general3A_42 {dimension_numbers = #tpu.dot_dimension_numbers<[1], [0], [0], [1], [0, 0, 1, 1], [], []>, transpose_lhs_hint = false} : vector<400x128xf32>, vector<128x128xf32>, vector<400x128xf32> -> vector<400x128xf32>
    %get3A_44 = arith.constant 0 : index
    %get3A_45 = arith.constant 0 : index
    %get3A_46 = vector.load %arg8[%get3A_44, %get3A_45] : memref<1x128xf32, #tpu.memory_space<vmem>>, vector<1x128xf32>
    %add3A_47 = vector.broadcast %get3A_46 : vector<1x128xf32> to vector<400x128xf32>
    %add3A_48 = arith.addf %dot_general3A_43, %add3A_47 : vector<400x128xf32>
    %ge3A = arith.constant 0.000000e+00 : f32
    %ge3A_49 = vector.broadcast %ge3A : f32 to vector<400x128xf32>
    %ge3A_50 = arith.cmpf oge, %add3A_48, %ge3A_49 : vector<400x128xf32>
    %mul3A = arith.constant 0.00999999977 : f32
    %mul3A_51 = vector.broadcast %mul3A : f32 to vector<400x128xf32>
    %mul3A_52 = arith.mulf %mul3A_51, %add3A_48 : vector<400x128xf32>
    %select_n3A = arith.select %ge3A_50, %add3A_48, %mul3A_52 : vector<400x128xi1>, vector<400x128xf32>
    %get3A_53 = arith.constant 0 : index
    %get3A_54 = arith.constant 0 : index
    %get3A_55 = vector.load %arg9[%get3A_53, %get3A_54] : memref<128x128xf32, #tpu.memory_space<vmem>>, vector<128x128xf32>
    %dot_general3A_56 = arith.constant dense<0.000000e+00> : vector<400x128xf32>
    %dot_general3A_57 = tpu.matmul %select_n3A, %get3A_55, %dot_general3A_56 {dimension_numbers = #tpu.dot_dimension_numbers<[1], [0], [0], [1], [0, 0, 1, 1], [], []>, transpose_lhs_hint = false} : vector<400x128xf32>, vector<128x128xf32>, vector<400x128xf32> -> vector<400x128xf32>
    %get3A_58 = arith.constant 0 : index
    %get3A_59 = arith.constant 0 : index
    %get3A_60 = vector.load %arg10[%get3A_58, %get3A_59] : memref<1x128xf32, #tpu.memory_space<vmem>>, vector<1x128xf32>
    %add3A_61 = vector.broadcast %get3A_60 : vector<1x128xf32> to vector<400x128xf32>
    %add3A_62 = arith.addf %dot_general3A_57, %add3A_61 : vector<400x128xf32>
    %get3A_63 = arith.constant 0 : index
    %get3A_64 = arith.constant 0 : index
    %get3A_65 = vector.load %arg11[%get3A_63, %get3A_64] : memref<128x64xf32, #tpu.memory_space<vmem>>, vector<128x64xf32>
    %dot_general3A_66 = arith.constant dense<0.000000e+00> : vector<400x64xf32>
    %dot_general3A_67 = tpu.matmul %add3A_62, %get3A_65, %dot_general3A_66 {dimension_numbers = #tpu.dot_dimension_numbers<[1], [0], [0], [1], [0, 0, 1, 1], [], []>, transpose_lhs_hint = false} : vector<400x128xf32>, vector<128x64xf32>, vector<400x64xf32> -> vector<400x64xf32>
    %get3A_68 = arith.constant 0 : index
    %get3A_69 = arith.constant 0 : index
    %get3A_70 = vector.load %arg12[%get3A_68, %get3A_69] : memref<1x64xf32, #tpu.memory_space<vmem>>, vector<1x64xf32>
    %add3A_71 = vector.broadcast %get3A_70 : vector<1x64xf32> to vector<400x64xf32>
    %add3A_72 = arith.addf %dot_general3A_67, %add3A_71 : vector<400x64xf32>
    %get3A_73 = arith.constant 0 : index
    %get3A_74 = arith.constant 0 : index
    %get3A_75 = vector.load %arg13[%get3A_73, %get3A_74] : memref<64x6xf32, #tpu.memory_space<vmem>>, vector<64x6xf32>
    %dot_general3A_76 = arith.constant dense<0.000000e+00> : vector<400x6xf32>
    %dot_general3A_77 = tpu.matmul %add3A_72, %get3A_75, %dot_general3A_76 {dimension_numbers = #tpu.dot_dimension_numbers<[1], [0], [0], [1], [0, 0, 1, 1], [], []>, transpose_lhs_hint = false} : vector<400x64xf32>, vector<64x6xf32>, vector<400x6xf32> -> vector<400x6xf32>
    %get3A_78 = arith.constant 0 : index
    %get3A_79 = arith.constant 0 : index
    %get3A_80 = vector.load %arg14[%get3A_78, %get3A_79] : memref<1x6xf32, #tpu.memory_space<vmem>>, vector<1x6xf32>
    %add3A_81 = vector.broadcast %get3A_80 : vector<1x6xf32> to vector<400x6xf32>
    %add3A_82 = arith.addf %dot_general3A_77, %add3A_81 : vector<400x6xf32>
    %logistic3A = arith.negf %add3A_82 : vector<400x6xf32>
    %logistic3A_83 = math.exp %logistic3A : vector<400x6xf32>
    %logistic3A_84 = arith.constant 1.000000e+00 : f32
    %logistic3A_85 = vector.broadcast %logistic3A_84 : f32 to vector<400x6xf32>
    %logistic3A_86 = arith.addf %logistic3A_85, %logistic3A_83 : vector<400x6xf32>
    %logistic3A_87 = arith.divf %logistic3A_85, %logistic3A_86 : vector<400x6xf32>
    %swap3A = arith.constant 0 : index
    %swap3A_88 = arith.constant 0 : index
    %swap3A_89 = vector.load %arg15[%swap3A, %swap3A_88] : memref<400x6xf32, #tpu.memory_space<vmem>>, vector<400x6xf32>
    tpu.vector_store %arg15[%swap3A, %swap3A_88], %logistic3A_87 {strides = array<i32>} : memref<400x6xf32, #tpu.memory_space<vmem>>, vector<400x6xf32>,
    return
  }
  func.func @transform_0(%arg0: i32) -> (i32, i32) {
    %c0_i32 = arith.constant 0 : i32
    %c0_i32_0 = arith.constant 0 : i32
    return %arg0, %c0_i32 : i32, i32
  }
  func.func @transform_1(%arg0: i32) -> (i32, i32, i32) {
    %c0_i32 = arith.constant 0 : i32
    %c0_i32_0 = arith.constant 0 : i32
    %c0_i32_1 = arith.constant 0 : i32
    return %c0_i32, %arg0, %c0_i32_0 : i32, i32, i32
  }
  func.func @transform_2(%arg0: i32) -> (i32, i32) {
    %c0_i32 = arith.constant 0 : i32
    %c0_i32_0 = arith.constant 0 : i32
    return %arg0, %c0_i32 : i32, i32
  }
  func.func @transform_3(%arg0: i32) -> (i32, i32) {
    %c0_i32 = arith.constant 0 : i32
    %c0_i32_0 = arith.constant 0 : i32
    %c0_i32_1 = arith.constant 0 : i32
    return %c0_i32, %c0_i32_0 : i32, i32
  }
  func.func @transform_4(%arg0: i32) -> (i32, i32) {
    %c0_i32 = arith.constant 0 : i32
    %c0_i32_0 = arith.constant 0 : i32
    %c0_i32_1 = arith.constant 0 : i32
    return %c0_i32, %c0_i32_0 : i32, i32
  }
  func.func @transform_5(%arg0: i32) -> (i32, i32) {
    %c0_i32 = arith.constant 0 : i32
    %c0_i32_0 = arith.constant 0 : i32
    %c0_i32_1 = arith.constant 0 : i32
    return %c0_i32, %c0_i32_0 : i32, i32
  }
  func.func @transform_6(%arg0: i32) -> (i32, i32) {
    %c0_i32 = arith.constant 0 : i32
    %c0_i32_0 = arith.constant 0 : i32
    %c0_i32_1 = arith.constant 0 : i32
    return %c0_i32, %c0_i32_0 : i32, i32
  }
  func.func @transform_7(%arg0: i32) -> (i32, i32) {
    %c0_i32 = arith.constant 0 : i32
    %c0_i32_0 = arith.constant 0 : i32
    %c0_i32_1 = arith.constant 0 : i32
    return %c0_i32, %c0_i32_0 : i32, i32
  }
  func.func @transform_8(%arg0: i32) -> (i32, i32) {
    %c0_i32 = arith.constant 0 : i32
    %c0_i32_0 = arith.constant 0 : i32
    %c0_i32_1 = arith.constant 0 : i32
    return %c0_i32, %c0_i32_0 : i32, i32
  }
  func.func @transform_9(%arg0: i32) -> (i32, i32) {
    %c0_i32 = arith.constant 0 : i32
    %c0_i32_0 = arith.constant 0 : i32
    %c0_i32_1 = arith.constant 0 : i32
    return %c0_i32, %c0_i32_0 : i32, i32
  }
  func.func @transform_10(%arg0: i32) -> (i32, i32) {
    %c0_i32 = arith.constant 0 : i32
    %c0_i32_0 = arith.constant 0 : i32
    %c0_i32_1 = arith.constant 0 : i32
    return %c0_i32, %c0_i32_0 : i32, i32
  }
  func.func @transform_11(%arg0: i32) -> (i32, i32) {
    %c0_i32 = arith.constant 0 : i32
    %c0_i32_0 = arith.constant 0 : i32
    %c0_i32_1 = arith.constant 0 : i32
    return %c0_i32, %c0_i32_0 : i32, i32
  }
  func.func @transform_12(%arg0: i32) -> (i32, i32) {
    %c0_i32 = arith.constant 0 : i32
    %c0_i32_0 = arith.constant 0 : i32
    %c0_i32_1 = arith.constant 0 : i32
    return %c0_i32, %c0_i32_0 : i32, i32
  }
  func.func @transform_13(%arg0: i32) -> (i32, i32) {
    %c0_i32 = arith.constant 0 : i32
    %c0_i32_0 = arith.constant 0 : i32
    %c0_i32_1 = arith.constant 0 : i32
    return %c0_i32, %c0_i32_0 : i32, i32
  }
  func.func @transform_14(%arg0: i32) -> (i32, i32) {
    %c0_i32 = arith.constant 0 : i32
    %c0_i32_0 = arith.constant 0 : i32
    return %arg0, %c0_i32 : i32, i32
  }
}

</mosaic_0001>

<sc_bundles>
// kernel: kernel.4.cloned.1.call-start
scs
__scs_entry_jumppad:
0x0: {  	(pc) =	sbr.rel $0x88, $3  }
0x1: {  	(tag) =	ssettag $0x0;
	lr =	simm.s32 $0x1  }
0x2: {  	[smem:$0x3F94] =	sst lr;
	_ =	strace $0xD0000000  }
0x3: {  	_ = 	snop  }
0x4: {  	_ = 	snop  }
0x5: {  	_ = 	snop  }
0x6: {  	_ = 	snop  }
0x7: {  	_ = 	snop  }
__scs_overlays_trampoline_lowered:
0x8: {  	[smem:$0x3FA3] =	sst s0  }
0x9: {  	[smem:$0x3FA4] =	sst s1  }
0xa: {  	[smem:$0x3FA5] =	sst s2  }
0xb: {  	[smem:$0x3FA6] =	sst s3  }
0xc: {  	[smem:$0x3FA7] =	sst s4  }
0xd: {  	[smem:$0x3FA8] =	sst s5  }
0xe: {  	[smem:$0x3FA9] =	sst s6  }
0xf: {  	[smem:$0x3FAA] =	sst s7  }
0x10: {  	[smem:$0x3FAB] =	sst s8  }
0x11: {  	[smem:$0x3FAC] =	sst s9;
	s0 =	simm.s32 @!p0 $0x0  }
0x12: {  	s1 =	sld [smem:$0x3F92];
	s0 =	simm.s32 @p0 $0x1  }
0x13: {  	[smem:$0x3FAD] =	sst s0;
	s0 =	simm.s32 @!p1 $0x0  }
0x14: {  	s2 =	sld [smem:$0x3F91];
	s0 =	simm.s32 @p1 $0x1  }
0x15: {  	[smem:$0x3FAE] =	sst s0;
	s0 =	simm.s32 @!p2 $0x0  }
0x16: {  	s3 =	sld [smem:$0x3FDB];
	s0 =	simm.s32 @p2 $0x1  }
0x17: {  	s4 =	simm.s32 $0x1BF5;
	[smem:$0x3FB0] =	sst s0  }
0x18: {  	s0 =	sld [smem:$0x3F93];
	_ =	swait.ge [sflag:s4], $0x0  }
0x19: {  	s7 =	sld [smem:$0x3F94]  }
0x1a: {  	s8 =	sadd.s32 $0xFFFFE003, lr  }
0x1b: {  	s9 =	sadd.s32 $0xFFFFFEF7, lr;
	s5 =	simm.s32 $0xFFFFFFFF;
	p2 =	slt.u32 s8, $0xFFFFF086  }
0x1c: {  	p1 =	slt.u32 s9, $0xF7A;
	s5 =	simm.s32 @!p2 $0x0  }
0x1d: {  	s5 =	simm.s32 @p1 $0x1;
	p0 =	seq.s32 s7, s2  }
0x1e: {  	s7 =	smul.u32 @!p0 $0xF7A, s2;
	p2 =	seq.s32 @!p0 s5, $0x0  }
0x1f: {  	s9 =	smul.u32 $0xF7A, s1;
	s8 =	simm.s32 @!p0 $0x1BF5;
	p2 =	por !p2, p0  }
0x20: {  	[sflag:s8] =	ssyncset.s32 @!p0 $0xFFFFF086;
	s6 =	sadd.s32 @!p0 s3, s7;
	s7 =	simm.s32 @!p0 $0x108  }
0x21: {  	s3 =	sadd.s32 s3, s9;
	s6 =	sadd.s32 @!p0 $0x88, s6;
	s7 =	simm.s32 @p2 $0x1082  }
0x22: {  	[simem:s7], [sflag:s8] =	dma.local @!p0 [hbm:s6], $0xF7A  }
0x23: {  	s9 =	sor.u32 $0xD0000000, s2;
	s6 =	simm.s32 $0x108;
	_ =	swait.ge @!p0 [sflag:s8], $0x0  }
0x24: {  	s3 =	sadd.s32 $0x88, s3;
	s6 =	simm.s32 @!p1 $0x1082;
	[sflag:s4] =	ssyncset.s32 $0xFFFFF086  }
0x25: {  	[simem:s6], [sflag:s4] =	dma.local [hbm:s3], $0xF7A  }
0x26: {  	[smem:$0x3F94] =	sst s1;
	(tag) =	ssettag s2;
	_ =	strace s9  }
0x27: {  	s1 =	sld [smem:$0x3FA4]  }
0x28: {  	s2 =	sld [smem:$0x3FA5]  }
0x29: {  	s4 =	sld [smem:$0x3FA7]  }
0x2a: {  	p0 =	seq.s32 s5, $0x0;
	s5 =	sld [smem:$0x3FA8]  }
0x2b: {  	s6 =	sld [smem:$0x3FA9]  }
0x2c: {  	s7 =	sld [smem:$0x3FAA]  }
0x2d: {  	s3 =	simm.s32 $0x108;
	s8 =	sld [smem:$0x3FAB]  }
0x2e: {  	s3 =	simm.s32 @!p0 $0x1082;
	s9 =	sld [smem:$0x3FAC]  }
0x2f: {  	lr =	sadd.s32 s0, s3;
	s0 =	sld [smem:$0x3FA3]  }
0x30: {  	s3 =	sld [smem:$0x3FA6]  }
0x31: {  	[smem:$0x3FAF] =	sst s10  }
0x32: {  	s10 =	sld [smem:$0x3FAD];
	_ =	sdelay $0x3  }
0x33: {  	p0 =	seq.s32 s10, $0x1;
	s10 =	sld [smem:$0x3FAF];
	_ =	sdelay $0x3  }
0x34: {  	[smem:$0x3FAF] =	sst s10  }
0x35: {  	s10 =	sld [smem:$0x3FAE];
	_ =	sdelay $0x3  }
0x36: {  	p1 =	seq.s32 s10, $0x1;
	s10 =	sld [smem:$0x3FAF];
	_ =	sdelay $0x3  }
0x37: {  	[smem:$0x3FAF] =	sst s10  }
0x38: {  	s10 =	sld [smem:$0x3FB0]  }
0x39: {  	_ = 	snop;
	(pc) =	sbr.ind lr, $3  }
0x3a: {  	_ = 	snop  }
0x3b: {  	_ = 	snop  }
0x3c: {  	p2 =	seq.s32 s10, $0x1;
	s10 =	sld [smem:$0x3FAF]  }
0x3d: {  	_ =	shalt  }
0x3e: {  	_ =	shalt  }
0x3f: {  	_ =	shalt  }
0x40: {  	_ =	shalt  }
0x41: {  	_ =	shalt  }
0x42: {  	_ =	shalt  }
0x43: {  	_ =	shalt  }
0x44: {  	_ =	shalt  }
0x45: {  	_ =	shalt  }
0x46: {  	_ =	shalt  }
0x47: {  	_ =	shalt  }
0x48: {  	_ =	shalt  }
0x49: {  	_ =	shalt  }
0x4a: {  	_ =	shalt  }
0x4b: {  	_ =	shalt  }
0x4c: {  	_ =	shalt  }
0x4d: {  	_ =	shalt  }
0x4e: {  	_ =	shalt  }
0x4f: {  	_ =	shalt  }
0x50: {  	_ =	shalt  }
0x51: {  	_ =	shalt  }
0x52: {  	_ =	shalt  }
0x53: {  	_ =	shalt  }
0x54: {  	_ =	shalt  }
0x55: {  	_ =	shalt  }
0x56: {  	_ =	shalt  }
0x57: {  	_ =	shalt  }
0x58: {  	_ =	shalt  }
0x59: {  	_ =	shalt  }
0x5a: {  	_ =	shalt  }
0x5b: {  	_ =	shalt  }
0x5c: {  	_ =	shalt  }
0x5d: {  	_ =	shalt  }
0x5e: {  	_ =	shalt  }
0x5f: {  	_ =	shalt  }
0x60: {  	_ =	shalt  }
0x61: {  	_ =	shalt  }
0x62: {  	_ =	shalt  }
0x63: {  	_ =	shalt  }
0x64: {  	_ =	shalt  }
0x65: {  	_ =	shalt  }
0x66: {  	_ =	shalt  }
0x67: {  	_ =	shalt  }
0x68: {  	_ =	shalt  }
0x69: {  	_ =	shalt  }
0x6a: {  	_ =	shalt  }
0x6b: {  	_ =	shalt  }
0x6c: {  	_ =	shalt  }
0x6d: {  	_ =	shalt  }
0x6e: {  	_ =	shalt  }
0x6f: {  	_ =	shalt  }
0x70: {  	_ =	shalt  }
0x71: {  	_ =	shalt  }
0x72: {  	_ =	shalt  }
0x73: {  	_ =	shalt  }
0x74: {  	_ =	shalt  }
0x75: {  	_ =	shalt  }
0x76: {  	_ =	shalt  }
0x77: {  	_ =	shalt  }
0x78: {  	_ =	shalt  }
0x79: {  	_ =	shalt  }
0x7a: {  	_ =	shalt  }
0x7b: {  	_ =	shalt  }
0x7c: {  	_ =	shalt  }
0x7d: {  	_ =	shalt  }
0x7e: {  	_ =	shalt  }
0x7f: {  	_ =	shalt  }
0x80: {  	_ =	shalt  }
0x81: {  	_ =	shalt  }
0x82: {  	_ =	shalt  }
0x83: {  	_ =	shalt  }
0x84: {  	_ =	shalt  }
0x85: {  	_ =	shalt  }
0x86: {  	_ =	shalt  }
0x87: {  	_ =	shalt  }
.Lfunc_end0:
.L_simem_size_0:
called_computation_lowered:
.L_overlay_start_0:
0x88: {  	s2 =	sld [smem:$0x3FD9]  }
0x89: {  	s3 =	sld [smem:$0x3FFE];
	_ =	sdelay $0x1  }
0x8a: {  	s1 =	srdreg.scid  }
0x8b: {  	s0 =	sand.u32 $0x1, s1  }
0x8c: {  	s17 =	sshll.u32 s0, $0xA;
	s2 =	sadd.s32 s3, s2  }
0x8d: {  	s2 =	sadd.s32 s2, s17  }
0x8e: {  	[smem:$0x3FBB] =	sst s2  }
0x8f: {  	_ = 	snop  }
0x90: {  	s2 =	sld [smem:$0x3FC9]  }
0x91: {  	s18 =	sld [smem:$0x3FD0];
	(tm) =	ssettm $0x1  }
0x92: {  	s4 =	sld [smem:$0x3FFB];
	_ =	sdelay $0x3  }
0x93: {  	_ =	strace s4  }
0x94: {  	s4 =	sld [smem:$0x3FFC];
	_ =	sdelay $0x3  }
0x95: {  	_ =	strace s4  }
0x96: {  	s4 =	sld [smem:$0x3FFD];
	_ =	sdelay $0x3  }
0x97: {  	_ =	strace s4  }
0x98: {  	_ =	strace $0x8FFFFFFF  }
0x99: {  	s19 =	sld [smem:$0x3FDB];
	_ =	sdelay $0x1  }
0x9a: {  	s5 =	simm.s32 $_scs_section_size  }
0x9b: {  	s6 =	simm.s32 $_size__tile_overlayer_lowered;
	s7 =	simm.s32 $_tile_overlayer_lowered  }
0x9c: {  	s22 =	simm.s32 $0x1BFF;
	s21 =	sshll.u32 s7, $0x1;
	s4 =	sadd.s32 s5, s19  }
0x9d: {  	s8 =	simm.s32 $0x0;
	s20 =	sshll.u32 s6, $0x1;
	s6 =	sadd.s32 s21, s4  }
0x9e: {  	[timem:s8], [sflag:s22] =	dma.local [hbm:s6], s20  }
0x9f: {  	_ =	swait.ge [sflag:s22], s20  }
0xa0: {  	s5 =	ssub.s32 $0x0, s20;
	[sflag:s22] =	ssyncset.done $0x0  }
0xa1: {  	[sflag:s22] =	ssyncadd.s32 s5;
	_ =	sdelay $0x1  }
0xa2: {  	s23 =	simm.s32 $0x1B8B  }
0xa3: {  	_ =	swait.ge [sflag:s23], $0x1  }
0xa4: {  	[sflag:s23] =	ssyncset.done $0x0  }
0xa5: {  	s25 =	simm.s32 $0x1B8E;
	s24 =	sld [smem:$0x3FFE];
	[sflag:s23] =	ssyncadd.s32 $0xFFFFFFFF  }
0xa6: {  	s26 =	simm.s32 $execute0_lowered;
	[smem:$0x3FD2] =	sst s25  }
0xa7: {  	s6 =	sshll.u32 s26, $0x1;
	_ =	strace $0x80000046;
	[dreg:$0x1] =	wrdreg $0xFFFFFFFF  }
0xa8: {  	s28 =	simm.s32 $_size_execute0_lowered;
	s4 =	sadd.s32 s4, s6;
	[dreg:$0x0] =	wrdreg $0x0  }
0xa9: {  	s6 =	sshll.u32 s28, $0x1;
	[dreg:$0x2] =	wrdreg s4  }
0xaa: {  	[dreg:$0x3] =	wrdreg s6  }
0xab: {  	[dreg:$0x4] =	wrdreg $0xC0  }
0xac: {  	_ =	task [dreg:s8], $0x5FFFF  }
0xad: {  	[dreg:$0x1] =	wrdreg $0xFFFFFFFF  }
0xae: {  	[dreg:$0x0] =	wrdreg $0x60  }
0xaf: {  	[dreg:$0x2] =	wrdreg s2  }
0xb0: {  	[dreg:$0x3] =	wrdreg s24  }
0xb1: {  	[dreg:$0x4] =	wrdreg s18  }
0xb2: {  	[dreg:$0x5] =	wrdreg $0x0  }
0xb3: {  	[dreg:$0x6] =	wrdreg $0x139000  }
0xb4: {  	[dreg:$0x7] =	wrdreg $0x9  }
0xb5: {  	_ =	task.clear_ibuf [dreg:s8], $0x8FFFF;
	_ =	strace $0x90000046  }
0xb6: {  	s29 =	simm.s32 $0x9;
	_ =	strace $0x80000048  }
0xb7: {  	_ =	swait.ge [sflag:s29], $0x1  }
0xb8: {  	[sflag:s29] =	ssyncadd.s32 $0xFFFFFFFF  }
0xb9: {  	_ =	strace $0x90000048  }
0xba: {  	_ =	sfence  }
0xbb: {  	s30 =	sld [smem:$0x0];
	_ =	sdelay $0x2  }
0xbc: {  	s31 =	sshll.u32 s1, $0xD;
	s1 =	sshrl.u32 s1, $0x2  }
0xbd: {  	s3 =	sand.u32 $0x4000, s31;
	s1 =	sadd.s32 s1, s30  }
0xbe: {  	s0 =	sor.u32 s3, s0;
	s1 =	sshll.u32 s1, $0x11  }
0xbf: {  	s0 =	sor.u32 s1, s0  }
0xc0: {  	s0 =	sadd.s32 $0x8F2B, s0  }
0xc1: {  	[sflag:s0] =	ssyncadd.remote.s32 $0x1  }
0xc2: {  	_ =	sfence.sel $0xFFFF  }
0xc3: {  	[dreg:$0x0] =	wrdreg $0xFFFFFFFF;
	(pc) =	sbr.abs _section_cstart, $3  }
0xc4: {  	[dreg:$0x1] =	wrdreg $0xFFFFFFFF  }
0xc5: {  	_ =	task.clear_ibuf [dreg:s8], $0x2FFFF;
	_ =	strace $0x9FFFFFFF  }
0xc6: {  	(tm) =	ssettm $0x7FFFFFFF  }
0xc7: {  	_ =	shalt  }
tec
execute0_lowered:
.L_overlay_start_1:
0x0: {  	(tag) =	ssettag $0x1  }
0x1: {  	s1 =	rddreg [dreg:$0x0]  }
0x2: {  	s0 =	rddreg [dreg:$0x1]  }
0x3: {  	s5 =	rddreg [dreg:$0x2]  }
0x4: {  	s2 =	rddreg [dreg:$0x3]  }
0x5: {  	s3 =	rddreg [dreg:$0x4];
	s4 =	simm.s32 $0x0  }
0x6: {  	s6 =	srdreg.scid;
	s15 =	stileid.u32;
	s29 =	simm.s32 $0x1BBF8  }
0x7: {  	s31 =	simm.s32 $0x1BCF8;
	[smem:$0x7FF] =	sst s4;
	s6 =	sand.u32 $0x1, s6  }
0x8: {  	s8 =	sshll.u32 s15, $0xB;
	s9 =	sadd.s32 $0xBC00, s0;
	s18 =	sadd.s32 $0x400, s3  }
0x9: {  	s19 =	sadd.s32 $0x800, s3;
	_ =	strace $0x80000047;
	[dreg:$0xa] =	wrdreg s18  }
0xa: {  	s12 =	sadd.s32 $0x1E00, s0;
	s20 =	sadd.s32 $0xC00, s3;
	[dreg:$0xb] =	wrdreg s19  }
0xb: {  	s13 =	sshll.u32 s15, $0x5;
	s21 =	sadd.s32 $0x1000, s3;
	[dreg:$0xc] =	wrdreg s20  }
0xc: {  	p0 =	slt.u32 s15, $0x2;
	s22 =	sadd.s32 $0x1400, s3;
	[dreg:$0xd] =	wrdreg s21  }
0xd: {  	s23 =	sadd.s32 $0x1800, s3;
	s24 =	sadd.s32 $0x1C00, s3;
	[dreg:$0xe] =	wrdreg s22  }
0xe: {  	p1 =	sgt.u32 s15, $0x1;
	s7 =	smul.u32 $0x139000, s6;
	[dreg:$0xf] =	wrdreg s23  }
0xf: {  	s10 =	ssub.s32 $0x2, s6;
	s6 =	sshll.u32 s6, $0x4;
	[dreg:$0x10] =	wrdreg s24  }
0x10: {  	s25 =	sadd.s32 s13, s9;
	s26 =	sadd.s32 s13, s12;
	s19 =	simm.s32 $0x4F  }
0x11: {  	s20 =	simm.s32 $0x1BB78;
	s23 =	simm.s32 $0x1BC78;
	s11 =	sshrl.u32 s10, $0x1  }
0x12: {  	s14 =	sor.u32 s6, s13;
	s5 =	sadd.s32 s5, s6;
	s21 =	sadd.s32 s6, s25  }
0x13: {  	s22 =	sadd.s32 s6, s26;
	s19 =	simm.s32 @!p0 $0x4E;
	s26 =	sadd.s32 $0x2400, s3  }
0x14: {  	s6 =	simm.s32 $0x80;
	s13 =	simm.s32 $0x1C978;
	s7 =	sadd.s32 s8, s7  }
0x15: {  	s28 =	sor.u32 $0x200, s14;
	s30 =	sadd.s32 s9, s14;
	[dreg:$0x11] =	wrdreg s5  }
0x16: {  	s16 =	sadd.s32 s12, s14;
	s5 =	simm.s32 $0x5;
	[dreg:$0x6] =	wrdreg s30  }
0x17: {  	s14 =	simm.s32 $0x2;
	s7 =	sshrl.u32 s7, $0x3;
	[dreg:$0x7] =	wrdreg s16  }
0x18: {  	s17 =	sadd.s32 s9, s28;
	s9 =	simm.s32 $0x17B78;
	s0 =	sadd.s32 s7, s0  }
0x19: {  	s7 =	ssub.s32 s10, s11;
	[dreg:$0x8] =	wrdreg s17;
	s10 =	sadd.s32 s12, s28  }
0x1a: {  	s11 =	sadd.s32 s8, s2;
	s28 =	sadd.s32 $0x2000, s3;
	s8 =	simm.s32 $0x4  }
0x1b: {  	s12 =	simm.s32 $0x1;
	[dreg:$0x9] =	wrdreg s10;
	s10 =	simm.s32 $0x28  }
0x1c: {  	[dreg:$0x12] =	wrdreg s28;
	s30 =	smax.u32 s7, $0x1;
	s25 =	sadd.s32 $0x15A00, s0  }
0x1d: {  	s0 =	simm.s32 $0x1BD78;
	s7 =	simm.s32 $0x13B78;
	s10 =	simm.s32 @!p0 $0x27  }
0x1e: {  	v0 =	vimm.f32 $0.0e+00;
	v1 =	vimm.f32 $1.000000000e+00;
	[dreg:$0x13] =	wrdreg s30;
	p0 =	sne.s32 s15, $0x0;
	s15 =	simm.s32 $0x0  }
.LBB2_1:
0x1f: {  	s16 =	rddreg [dreg:$0x6]  }
0x20: {  	[tilespmem:s20], [sflag:$0x3] =	stream.linear.gather [hbm4b:s16+s4], $0x80, $0x38;
	[tilespmem:$0x1C9F8] =	vst v63  }
0x21: {  	s24 =	rddreg [dreg:$0x7]  }
0x22: {  	[tilespmem:s29], [sflag:$0x3] =	stream.linear.gather [hbm4b:s24+s4], $0x80, $0x38;
	[tilespmem:$0x1C9F8] =	vst v63  }
0x23: {  	s28 =	rddreg [dreg:$0x8]  }
0x24: {  	[tilespmem:s23], [sflag:$0x4] =	stream.linear.gather [hbm4b:s28+s4], $0x80, $0x38;
	[tilespmem:$0x1C9F8] =	vst v63  }
0x25: {  	s30 =	rddreg [dreg:$0x9]  }
0x26: {  	[tilespmem:s31], [sflag:$0x4] =	stream.linear.gather [hbm4b:s30+s4], $0x80, $0x38;
	[tilespmem:$0x1C9F8] =	vst v63  }
0x27: {  	[tilespmem:$0x1BD78] =	vst v0  }
0x28: {  	[tilespmem:$0x1BD88] =	vst v0  }
0x29: {  	[tilespmem:$0x1BD98] =	vst v0  }
0x2a: {  	[tilespmem:$0x1BDA8] =	vst v0  }
0x2b: {  	[tilespmem:$0x1BDB8] =	vst v0  }
0x2c: {  	[tilespmem:$0x1BDC8] =	vst v0  }
0x2d: {  	[tilespmem:$0x1BDD8] =	vst v0  }
0x2e: {  	[tilespmem:$0x1BDE8] =	vst v0  }
0x2f: {  	[tilespmem:$0x1BDF8] =	vst v0  }
0x30: {  	[tilespmem:$0x1BE08] =	vst v0  }
0x31: {  	[tilespmem:$0x1BE18] =	vst v0  }
0x32: {  	[tilespmem:$0x1BE28] =	vst v0  }
0x33: {  	[tilespmem:$0x1BE38] =	vst v0  }
0x34: {  	[tilespmem:$0x1BE48] =	vst v0  }
0x35: {  	[tilespmem:$0x1BE58] =	vst v0  }
0x36: {  	[tilespmem:$0x1BE68] =	vst v0  }
0x37: {  	[tilespmem:$0x1BE78] =	vst v0  }
0x38: {  	[tilespmem:$0x1BE88] =	vst v0  }
0x39: {  	[tilespmem:$0x1BE98] =	vst v0  }
0x3a: {  	[tilespmem:$0x1BEA8] =	vst v0  }
0x3b: {  	[tilespmem:$0x1BEB8] =	vst v0  }
0x3c: {  	[tilespmem:$0x1BEC8] =	vst v0  }
0x3d: {  	[tilespmem:$0x1BED8] =	vst v0  }
0x3e: {  	[tilespmem:$0x1BEE8] =	vst v0  }
0x3f: {  	[tilespmem:$0x1BEF8] =	vst v0  }
0x40: {  	[tilespmem:$0x1BF08] =	vst v0  }
0x41: {  	[tilespmem:$0x1BF18] =	vst v0  }
0x42: {  	[tilespmem:$0x1BF28] =	vst v0  }
0x43: {  	[tilespmem:$0x1BF38] =	vst v0  }
0x44: {  	[tilespmem:$0x1BF48] =	vst v0  }
0x45: {  	[tilespmem:$0x1BF58] =	vst v0  }
0x46: {  	[tilespmem:$0x1BF68] =	vst v0  }
0x47: {  	[tilespmem:$0x1BF78] =	vst v0  }
0x48: {  	[tilespmem:$0x1BF88] =	vst v0  }
0x49: {  	[tilespmem:$0x1BF98] =	vst v0  }
0x4a: {  	[tilespmem:$0x1BFA8] =	vst v0  }
0x4b: {  	[tilespmem:$0x1BFB8] =	vst v0  }
0x4c: {  	[tilespmem:$0x1BFC8] =	vst v0  }
0x4d: {  	[tilespmem:$0x1BFD8] =	vst v0  }
0x4e: {  	[tilespmem:$0x1BFE8] =	vst v0  }
0x4f: {  	[tilespmem:$0x1BFF8] =	vst v0  }
0x50: {  	[tilespmem:$0x1C008] =	vst v0  }
0x51: {  	[tilespmem:$0x1C018] =	vst v0  }
0x52: {  	[tilespmem:$0x1C028] =	vst v0  }
0x53: {  	[tilespmem:$0x1C038] =	vst v0  }
0x54: {  	[tilespmem:$0x1C048] =	vst v0  }
0x55: {  	[tilespmem:$0x1C058] =	vst v0  }
0x56: {  	[tilespmem:$0x1C068] =	vst v0  }
0x57: {  	[tilespmem:$0x1C078] =	vst v0  }
0x58: {  	[tilespmem:$0x1C088] =	vst v0  }
0x59: {  	[tilespmem:$0x1C098] =	vst v0  }
0x5a: {  	[tilespmem:$0x1C0A8] =	vst v0  }
0x5b: {  	[tilespmem:$0x1C0B8] =	vst v0  }
0x5c: {  	[tilespmem:$0x1C0C8] =	vst v0  }
0x5d: {  	[tilespmem:$0x1C0D8] =	vst v0  }
0x5e: {  	[tilespmem:$0x1C0E8] =	vst v0  }
0x5f: {  	[tilespmem:$0x1C0F8] =	vst v0  }
0x60: {  	[tilespmem:$0x1C108] =	vst v0  }
0x61: {  	[tilespmem:$0x1C118] =	vst v0  }
0x62: {  	[tilespmem:$0x1C128] =	vst v0  }
0x63: {  	[tilespmem:$0x1C138] =	vst v0  }
0x64: {  	[tilespmem:$0x1C148] =	vst v0  }
0x65: {  	[tilespmem:$0x1C158] =	vst v0  }
0x66: {  	[tilespmem:$0x1C168] =	vst v0  }
0x67: {  	[tilespmem:$0x1C178] =	vst v0  }
0x68: {  	[tilespmem:$0x1C188] =	vst v0  }
0x69: {  	[tilespmem:$0x1C198] =	vst v0  }
0x6a: {  	[tilespmem:$0x1C1A8] =	vst v0  }
0x6b: {  	[tilespmem:$0x1C1B8] =	vst v0  }
0x6c: {  	[tilespmem:$0x1C1C8] =	vst v0  }
0x6d: {  	[tilespmem:$0x1C1D8] =	vst v0  }
0x6e: {  	[tilespmem:$0x1C1E8] =	vst v0  }
0x6f: {  	[tilespmem:$0x1C1F8] =	vst v0  }
0x70: {  	[tilespmem:$0x1C208] =	vst v0  }
0x71: {  	[tilespmem:$0x1C218] =	vst v0  }
0x72: {  	[tilespmem:$0x1C228] =	vst v0  }
0x73: {  	[tilespmem:$0x1C238] =	vst v0  }
0x74: {  	[tilespmem:$0x1C248] =	vst v0  }
0x75: {  	[tilespmem:$0x1C258] =	vst v0  }
0x76: {  	[tilespmem:$0x1C268] =	vst v0  }
0x77: {  	[tilespmem:$0x1C278] =	vst v0  }
0x78: {  	[tilespmem:$0x1C288] =	vst v0  }
0x79: {  	[tilespmem:$0x1C298] =	vst v0  }
0x7a: {  	[tilespmem:$0x1C2A8] =	vst v0  }
0x7b: {  	[tilespmem:$0x1C2B8] =	vst v0  }
0x7c: {  	[tilespmem:$0x1C2C8] =	vst v0  }
0x7d: {  	[tilespmem:$0x1C2D8] =	vst v0  }
0x7e: {  	[tilespmem:$0x1C2E8] =	vst v0  }
0x7f: {  	[tilespmem:$0x1C2F8] =	vst v0  }
0x80: {  	[tilespmem:$0x1C308] =	vst v0  }
0x81: {  	[tilespmem:$0x1C318] =	vst v0  }
0x82: {  	[tilespmem:$0x1C328] =	vst v0  }
0x83: {  	[tilespmem:$0x1C338] =	vst v0  }
0x84: {  	[tilespmem:$0x1C348] =	vst v0  }
0x85: {  	[tilespmem:$0x1C358] =	vst v0  }
0x86: {  	[tilespmem:$0x1C368] =	vst v0  }
0x87: {  	[tilespmem:$0x1C378] =	vst v0  }
0x88: {  	[tilespmem:$0x1C388] =	vst v0  }
0x89: {  	[tilespmem:$0x1C398] =	vst v0  }
0x8a: {  	[tilespmem:$0x1C3A8] =	vst v0  }
0x8b: {  	[tilespmem:$0x1C3B8] =	vst v0  }
0x8c: {  	[tilespmem:$0x1C3C8] =	vst v0  }
0x8d: {  	[tilespmem:$0x1C3D8] =	vst v0  }
0x8e: {  	[tilespmem:$0x1C3E8] =	vst v0  }
0x8f: {  	[tilespmem:$0x1C3F8] =	vst v0  }
0x90: {  	[tilespmem:$0x1C408] =	vst v0  }
0x91: {  	[tilespmem:$0x1C418] =	vst v0  }
0x92: {  	[tilespmem:$0x1C428] =	vst v0  }
0x93: {  	[tilespmem:$0x1C438] =	vst v0  }
0x94: {  	[tilespmem:$0x1C448] =	vst v0  }
0x95: {  	[tilespmem:$0x1C458] =	vst v0  }
0x96: {  	[tilespmem:$0x1C468] =	vst v0  }
0x97: {  	[tilespmem:$0x1C478] =	vst v0  }
0x98: {  	[tilespmem:$0x1C488] =	vst v0  }
0x99: {  	[tilespmem:$0x1C498] =	vst v0  }
0x9a: {  	[tilespmem:$0x1C4A8] =	vst v0  }
0x9b: {  	[tilespmem:$0x1C4B8] =	vst v0  }
0x9c: {  	[tilespmem:$0x1C4C8] =	vst v0  }
0x9d: {  	[tilespmem:$0x1C4D8] =	vst v0  }
0x9e: {  	[tilespmem:$0x1C4E8] =	vst v0  }
0x9f: {  	[tilespmem:$0x1C4F8] =	vst v0  }
0xa0: {  	[tilespmem:$0x1C508] =	vst v0  }
0xa1: {  	[tilespmem:$0x1C518] =	vst v0  }
0xa2: {  	[tilespmem:$0x1C528] =	vst v0  }
0xa3: {  	[tilespmem:$0x1C538] =	vst v0  }
0xa4: {  	[tilespmem:$0x1C548] =	vst v0  }
0xa5: {  	[tilespmem:$0x1C558] =	vst v0  }
0xa6: {  	[tilespmem:$0x1C568] =	vst v0  }
0xa7: {  	[tilespmem:$0x1C978] =	vst v1  }
0xa8: {  	[tilespmem:$0x1C988] =	vst v1  }
0xa9: {  	[tilespmem:$0x1C998] =	vst v1  }
0xaa: {  	[tilespmem:$0x1C9A8] =	vst v1  }
0xab: {  	[tilespmem:$0x1C9B8] =	vst v1  }
0xac: {  	[tilespmem:$0x1C9C8] =	vst v1  }
0xad: {  	[tilespmem:$0x1C9D8] =	vst v1  }
0xae: {  	s17 =	simm.s32 $0x0;
	s16 =	simm.s32 $0x40;
	[tilespmem:$0x1C9E8] =	vst v1  }
.LBB2_2:
0xaf: {  	p2 =	sne.s32 s16, $0xFC0;
	[tilespmem:s17+$0x1C578] =	vst v0;
	s17 =	smov.u32 s16;
	s16 =	sadd.s32 $0x40, s16  }
.Ltmp0:
0xb0: {  	(pc) =	sbr.rel @p2 .LBB2_2-.Ltmp0, $2  }
0xb1: {  	_ =	sdelay $0x2  }
0xb2: {  	s17 =	sshra.s32 s17, $0x2  }
0xb3: {  	p2 =	sne.s32 s10, $0x1  }
.Ltmp1:
0xb4: {  	_ = 	snop;
	(pc) =	sbr.rel @!p2 .LBB2_5-.Ltmp1, $4  }
0xb5: {  	[tilespmem:s17+$0x1C578] =	vst v0  }
0xb6: {  	[spmem:s11] =	stream.linear.scatter [tilespmem:s0], [sflag:$0x5], $0x800, $0x38;
	[tilespmem:$0x1C9F8] =	vst v63  }
0xb7: {  	_ =	swait.ge [sflag:s5], $0x800  }
0xb8: {  	s16 =	sadd.s32 $0xFFFFFFFF, s10;
	s17 =	smov.u32 s11;
	[sflag:s5] =	ssyncset.done $0x0  }
.LBB2_4:
0xb9: {  	p3 =	sne.s32 s16, $0x1;
	[sflag:s5] =	ssyncadd.s32 $0xFFFFF800;
	s17 =	sadd.s32 $0x8000, s17  }
.Ltmp2:
0xba: {  	s16 =	sadd.s32 $0xFFFFFFFF, s16;
	(pc) =	sbr.rel @p3 .LBB2_4-.Ltmp2, $4  }
0xbb: {  	_ = 	snop  }
0xbc: {  	[spmem:s17] =	stream.linear.scatter [tilespmem:s0], [sflag:$0x5], $0x800, $0x38;
	[tilespmem:$0x1C9F8] =	vst v63  }
0xbd: {  	_ =	swait.ge [sflag:s5], $0x800  }
0xbe: {  	[sflag:s5] =	ssyncset.done $0x0  }
.LBB2_5:
0xbf: {  	[sflag:s5] =	ssyncadd.s32 $0xFFFFF800;
	s16 =	simm.s32 @!p0 $0x1C578;
	s17 =	simm.s32 @!p0 $0x5  }
0xc0: {  	[spmem:s3] =	stream.linear.scatter @!p0 [tilespmem:s16], [sflag:$0x5], $0x400, $0x38;
	[tilespmem:$0x1C9F8] =	vst v63  }
0xc1: {  	_ =	swait.ge @!p0 [sflag:s17], $0x400  }
0xc2: {  	[sflag:s17] =	ssyncset.done @!p0 $0x0  }
0xc3: {  	s18 =	rddreg [dreg:$0xa];
	[sflag:s17] =	ssyncadd.s32 @!p0 $0xFFFFFC00  }
0xc4: {  	[spmem:s18] =	stream.linear.scatter @!p0 [tilespmem:s16], [sflag:$0x5], $0x400, $0x38;
	[tilespmem:$0x1C9F8] =	vst v63  }
0xc5: {  	_ =	swait.ge @!p0 [sflag:s17], $0x400  }
0xc6: {  	[sflag:s17] =	ssyncset.done @!p0 $0x0  }
0xc7: {  	s18 =	rddreg [dreg:$0xb];
	[sflag:s17] =	ssyncadd.s32 @!p0 $0xFFFFFC00  }
0xc8: {  	[spmem:s18] =	stream.linear.scatter @!p0 [tilespmem:s16], [sflag:$0x5], $0x400, $0x38;
	[tilespmem:$0x1C9F8] =	vst v63  }
0xc9: {  	_ =	swait.ge @!p0 [sflag:s17], $0x400  }
0xca: {  	[sflag:s17] =	ssyncset.done @!p0 $0x0  }
0xcb: {  	s18 =	rddreg [dreg:$0xc];
	[sflag:s17] =	ssyncadd.s32 @!p0 $0xFFFFFC00  }
0xcc: {  	[spmem:s18] =	stream.linear.scatter @!p0 [tilespmem:s16], [sflag:$0x5], $0x400, $0x38;
	[tilespmem:$0x1C9F8] =	vst v63  }
0xcd: {  	_ =	swait.ge @!p0 [sflag:s17], $0x400  }
0xce: {  	[sflag:s17] =	ssyncset.done @!p0 $0x0  }
0xcf: {  	s18 =	rddreg [dreg:$0xd];
	[sflag:s17] =	ssyncadd.s32 @!p0 $0xFFFFFC00  }
0xd0: {  	[spmem:s18] =	stream.linear.scatter @!p0 [tilespmem:s16], [sflag:$0x5], $0x400, $0x38;
	[tilespmem:$0x1C9F8] =	vst v63  }
0xd1: {  	_ =	swait.ge @!p0 [sflag:s17], $0x400  }
0xd2: {  	[sflag:s17] =	ssyncset.done @!p0 $0x0  }
0xd3: {  	s18 =	rddreg [dreg:$0xe];
	[sflag:s17] =	ssyncadd.s32 @!p0 $0xFFFFFC00  }
0xd4: {  	[spmem:s18] =	stream.linear.scatter @!p0 [tilespmem:s16], [sflag:$0x5], $0x400, $0x38;
	[tilespmem:$0x1C9F8] =	vst v63  }
0xd5: {  	_ =	swait.ge @!p0 [sflag:s17], $0x400  }
0xd6: {  	[sflag:s17] =	ssyncset.done @!p0 $0x0  }
0xd7: {  	s18 =	rddreg [dreg:$0xf];
	[sflag:s17] =	ssyncadd.s32 @!p0 $0xFFFFFC00  }
0xd8: {  	[spmem:s18] =	stream.linear.scatter @!p0 [tilespmem:s16], [sflag:$0x5], $0x400, $0x38;
	[tilespmem:$0x1C9F8] =	vst v63  }
0xd9: {  	_ =	swait.ge @!p0 [sflag:s17], $0x400  }
0xda: {  	[sflag:s17] =	ssyncset.done @!p0 $0x0  }
0xdb: {  	s18 =	rddreg [dreg:$0x10];
	[sflag:s17] =	ssyncadd.s32 @!p0 $0xFFFFFC00  }
0xdc: {  	[spmem:s18] =	stream.linear.scatter @!p0 [tilespmem:s16], [sflag:$0x5], $0x400, $0x38;
	[tilespmem:$0x1C9F8] =	vst v63  }
0xdd: {  	_ =	swait.ge @!p0 [sflag:s17], $0x400  }
0xde: {  	[sflag:s17] =	ssyncset.done @!p0 $0x0  }
0xdf: {  	s18 =	rddreg [dreg:$0x12];
	[sflag:s17] =	ssyncadd.s32 @!p0 $0xFFFFFC00  }
0xe0: {  	[spmem:s18] =	stream.linear.scatter @!p0 [tilespmem:s16], [sflag:$0x5], $0x400, $0x38;
	[tilespmem:$0x1C9F8] =	vst v63  }
0xe1: {  	_ =	swait.ge @!p0 [sflag:s17], $0x400  }
0xe2: {  	[sflag:s17] =	ssyncset.done @!p0 $0x0  }
0xe3: {  	[sflag:s17] =	ssyncadd.s32 @!p0 $0xFFFFFC00  }
0xe4: {  	[spmem:s26] =	stream.linear.scatter @!p0 [tilespmem:s16], [sflag:$0x5], $0x320, $0x38;
	[tilespmem:$0x1C9F8] =	vst v63  }
0xe5: {  	_ =	swait.ge @!p0 [sflag:s17], $0x320  }
0xe6: {  	[sflag:s17] =	ssyncset.done @!p0 $0x0  }
0xe7: {  	[sflag:s17] =	ssyncadd.s32 @!p0 $0xFFFFFCE0  }
0xe8: {  	s16 =	simm.s32 $0x3;
	[bflag:$0x0] =	sbarrier.arrive $0xFFFF  }
0xe9: {  	_ =	swait.ge [sflag:s16], $0x80  }
0xea: {  	[sflag:s16] =	ssyncset.done $0x0  }
0xeb: {  	[sflag:s16] =	ssyncadd.s32 $0xFFFFFF80  }
0xec: {  	_ =	swait.ge [sflag:s16], $0x80  }
0xed: {  	[sflag:s16] =	ssyncset.done $0x0  }
0xee: {  	[sflag:s16] =	ssyncadd.s32 $0xFFFFFF80  }
0xef: {  	[tilespmem:s7], [sflag:$0x1] =	stream.indirect.gather [hbm4b:s1+s6], $0x80, s20, s6, $0xb8;
	[tilespmem:$0x1C9F8] =	vst v63  }
0xf0: {  	v2 =	vld [tilespmem:$0x1BB78]  }
0xf1: {  	v3 =	vld [tilespmem:$0x1BBF8]  }
0xf2: {  	v4 =	vld [tilespmem:$0x1BB88]  }
0xf3: {  	v5 =	vld [tilespmem:$0x1BC08]  }
0xf4: {  	v6 =	vld [tilespmem:$0x1BB98]  }
0xf5: {  	v7 =	vld [tilespmem:$0x1BC18]  }
0xf6: {  	v8 =	vld [tilespmem:$0x1BBA8]  }
0xf7: {  	v9 =	vld [tilespmem:$0x1BC28]  }
0xf8: {  	v10 =	vld [tilespmem:$0x1BBB8]  }
0xf9: {  	v11 =	vld [tilespmem:$0x1BC38]  }
0xfa: {  	v12 =	vld [tilespmem:$0x1BBC8]  }
0xfb: {  	v13 =	vld [tilespmem:$0x1BC48]  }
0xfc: {  	v14 =	vld [tilespmem:$0x1BBD8]  }
0xfd: {  	vm0 =	veq.s32 v2, v3;
	v2 =	vld [tilespmem:$0x1BC58]  }
0xfe: {  	v3 =	vsel vm0, $0x2710, v3;
	vm0 =	veq.s32 v4, v5;
	v4 =	vld [tilespmem:$0x1BBE8]  }
0xff: {  	[tilespmem:$0x1BBF8] =	vst v3;
	v3 =	vsel vm0, $0x2710, v5;
	vm0 =	veq.s32 v6, v7;
	v5 =	vld [tilespmem:$0x1BC68]  }
0x100: {  	[tilespmem:$0x1BC08] =	vst v3;
	v3 =	vsel vm0, $0x2710, v7;
	vm0 =	veq.s32 v8, v9  }
0x101: {  	[tilespmem:$0x1BC18] =	vst v3;
	v3 =	vsel vm0, $0x2710, v9;
	vm0 =	veq.s32 v10, v11  }
0x102: {  	[tilespmem:$0x1BC28] =	vst v3;
	v3 =	vsel vm0, $0x2710, v11;
	vm0 =	veq.s32 v12, v13  }
0x103: {  	[tilespmem:$0x1BC38] =	vst v3;
	v3 =	vsel vm0, $0x2710, v13;
	vm0 =	veq.s32 v14, v2  }
0x104: {  	[tilespmem:$0x1BC48] =	vst v3;
	v2 =	vsel vm0, $0x2710, v2;
	vm0 =	veq.s32 v4, v5  }
0x105: {  	[tilespmem:$0x1BC58] =	vst v2;
	v2 =	vsel vm0, $0x2710, v5  }
0x106: {  	[tilespmem:$0x1BC68] =	vst v2  }
0x107: {  	_ =	swait.ge [sflag:s8], $0x80  }
0x108: {  	[sflag:s8] =	ssyncset.done $0x0  }
0x109: {  	[sflag:s8] =	ssyncadd.s32 $0xFFFFFF80  }
0x10a: {  	_ =	swait.ge [sflag:s8], $0x80  }
0x10b: {  	[sflag:s8] =	ssyncset.done $0x0  }
0x10c: {  	[sflag:s8] =	ssyncadd.s32 $0xFFFFFF80  }
0x10d: {  	[tilespmem:s9], [sflag:$0x2] =	stream.indirect.gather [hbm4b:s1+s6], $0x80, s23, s6, $0xb8;
	[tilespmem:$0x1C9F8] =	vst v63  }
0x10e: {  	v2 =	vld [tilespmem:$0x1BC78]  }
0x10f: {  	v3 =	vld [tilespmem:$0x1BCF8]  }
0x110: {  	v4 =	vld [tilespmem:$0x1BC88]  }
0x111: {  	v5 =	vld [tilespmem:$0x1BD08]  }
0x112: {  	v6 =	vld [tilespmem:$0x1BC98]  }
0x113: {  	v7 =	vld [tilespmem:$0x1BD18]  }
0x114: {  	v8 =	vld [tilespmem:$0x1BCA8]  }
0x115: {  	v9 =	vld [tilespmem:$0x1BD28]  }
0x116: {  	v10 =	vld [tilespmem:$0x1BCB8]  }
0x117: {  	v11 =	vld [tilespmem:$0x1BD38]  }
0x118: {  	v61 =	vld [tilespmem:$0x1BCC8]  }
0x119: {  	v62 =	vld [tilespmem:$0x1BD48]  }
0x11a: {  	v63 =	vld [tilespmem:$0x1BCD8]  }
0x11b: {  	vm0 =	veq.s32 v2, v3;
	v2 =	vld [tilespmem:$0x1BD58]  }
0x11c: {  	v3 =	vsel vm0, $0x2710, v3;
	vm0 =	veq.s32 v4, v5;
	v4 =	vld [tilespmem:$0x1BCE8]  }
0x11d: {  	[tilespmem:$0x1BCF8] =	vst v3;
	v3 =	vsel vm0, $0x2710, v5;
	vm0 =	veq.s32 v6, v7;
	v5 =	vld [tilespmem:$0x1BD68]  }
0x11e: {  	vm1 =	veq.s32 v8, v9;
	[tilespmem:$0x1BD08] =	vst v3;
	v3 =	vsel vm0, $0x2710, v7  }
0x11f: {  	vm0 =	veq.s32 v10, v11;
	[tilespmem:$0x1BD18] =	vst v3;
	v3 =	vsel vm1, $0x2710, v9  }
0x120: {  	[tilespmem:$0x1BD28] =	vst v3;
	v3 =	vsel vm0, $0x2710, v11;
	vm0 =	veq.s32 v61, v62  }
0x121: {  	[tilespmem:$0x1BD38] =	vst v3;
	v3 =	vsel vm0, $0x2710, v62;
	vm0 =	veq.s32 v63, v2  }
0x122: {  	[tilespmem:$0x1BD48] =	vst v3;
	v2 =	vsel vm0, $0x2710, v2;
	vm0 =	veq.s32 v4, v5  }
0x123: {  	[tilespmem:$0x1BD58] =	vst v2;
	v2 =	vsel vm0, $0x2710, v5  }
0x124: {  	[tilespmem:$0x1BD68] =	vst v2  }
0x125: {  	_ =	swait.ge [sflag:s12], $0x4000  }
0x126: {  	[sflag:s12] =	ssyncset.done $0x0  }
0x127: {  	[sflag:s12] =	ssyncadd.s32 $0xFFFFC000  }
0x128: {  	[spmem:s2] =	stream.indirect.scatter.add.f32 [tilespmem:s7], [sflag:$0x5], $0x80, s29, s6, $0xb8;
	[tilespmem:$0x1C9F8] =	vst v63  }
0x129: {  	_ =	swait.ge [sflag:s5], $0x4000  }
0x12a: {  	[sflag:s5] =	ssyncset.done $0x0  }
0x12b: {  	p4 =	sle.u32 s19, $0x2;
	[sflag:s5] =	ssyncadd.s32 $0xFFFFC000  }
0x12c: {  	[spmem:s3] =	stream.indirect.scatter.add.f32 [tilespmem:s13], [sflag:$0x5], $0x1, s29, s6, $0xb8;
	[tilespmem:$0x1C9F8] =	vst v63  }
0x12d: {  	s28 =	simm.s32 @!p4 $0x0;
	_ =	swait.ge [sflag:s5], $0x80  }
0x12e: {  	s30 =	simm.s32 @!p4 $0x1BB78;
	s17 =	sadd.s32 @!p4 $0x0, s21;
	[sflag:s5] =	ssyncset.done $0x0  }
0x12f: {  	s18 =	sadd.s32 @!p4 $0x0, s22;
	s17 =	sadd.s32 @!p4 $0x400, s17;
	[sflag:s5] =	ssyncadd.s32 $0xFFFFFF80  }
0x130: {  	[tilespmem:s30], [sflag:$0x3] =	stream.linear.gather @!p4 [hbm4b:s17+s28], $0x80, $0x38;
	[tilespmem:$0x1C9F8] =	vst v63  }
0x131: {  	s17 =	sadd.s32 @!p4 $0x400, s18;
	s18 =	simm.s32 @!p4 $0x1BBF8  }
0x132: {  	[tilespmem:s18], [sflag:$0x3] =	stream.linear.gather @!p4 [hbm4b:s17+s28], $0x80, $0x38;
	[tilespmem:$0x1C9F8] =	vst v63  }
0x133: {  	_ =	swait.ge [sflag:s14], $0x4000  }
0x134: {  	[sflag:s14] =	ssyncset.done $0x0  }
0x135: {  	[sflag:s14] =	ssyncadd.s32 $0xFFFFC000  }
0x136: {  	[spmem:s2] =	stream.indirect.scatter.add.f32 [tilespmem:s9], [sflag:$0x5], $0x80, s31, s6, $0xb8;
	[tilespmem:$0x1C9F8] =	vst v63  }
0x137: {  	_ =	swait.ge [sflag:s5], $0x4000  }
0x138: {  	[sflag:s5] =	ssyncset.done $0x0  }
0x139: {  	[sflag:s5] =	ssyncadd.s32 $0xFFFFC000  }
0x13a: {  	[spmem:s3] =	stream.indirect.scatter.add.f32 [tilespmem:s13], [sflag:$0x5], $0x1, s31, s6, $0xb8;
	[tilespmem:$0x1C9F8] =	vst v63  }
0x13b: {  	p3 =	sle.u32 s19, $0x3;
	_ =	swait.ge [sflag:s5], $0x80  }
0x13c: {  	s17 =	sadd.s32 @!p3 $0x0, s21;
	s28 =	simm.s32 @!p3 $0x0;
	[sflag:s5] =	ssyncset.done $0x0  }
0x13d: {  	s18 =	simm.s32 @!p3 $0x1BC78;
	s17 =	sadd.s32 @!p3 $0x600, s17;
	[sflag:s5] =	ssyncadd.s32 $0xFFFFFF80  }
0x13e: {  	[tilespmem:s18], [sflag:$0x4] =	stream.linear.gather @!p3 [hbm4b:s17+s28], $0x80, $0x38;
	[tilespmem:$0x1C9F8] =	vst v63  }
0x13f: {  	s17 =	sadd.s32 @!p3 $0x0, s22  }
0x140: {  	s20 =	simm.s32 @!p3 $0x1BCF8;
	s17 =	sadd.s32 @!p3 $0x600, s17  }
0x141: {  	[tilespmem:s20], [sflag:$0x4] =	stream.linear.gather @!p3 [hbm4b:s17+s28], $0x80, $0x38;
	[tilespmem:$0x1C9F8] =	vst v63  }
0x142: {  	s17 =	simm.s32 @!p4 $0x3  }
0x143: {  	_ =	swait.ge @!p4 [sflag:s17], $0x80  }
0x144: {  	[sflag:s17] =	ssyncset.done @!p4 $0x0  }
0x145: {  	[sflag:s17] =	ssyncadd.s32 @!p4 $0xFFFFFF80  }
0x146: {  	_ =	swait.ge @!p4 [sflag:s17], $0x80  }
0x147: {  	[sflag:s17] =	ssyncset.done @!p4 $0x0  }
0x148: {  	s20 =	simm.s32 @!p4 $0x80;
	[sflag:s17] =	ssyncadd.s32 @!p4 $0xFFFFFF80;
	s17 =	simm.s32 @!p4 $0x13B78  }
0x149: {  	[tilespmem:s17], [sflag:$0x1] =	stream.indirect.gather @!p4 [hbm4b:s1+s20], $0x80, s30, s20, $0xb8;
	[tilespmem:$0x1C9F8] =	vst v63  }
0x14a: {  	v6 =	vld @!p4 [tilespmem:$0x1BC48]  }
0x14b: {  	v8 =	vld @!p4 [tilespmem:$0x1BC38]  }
0x14c: {  	v5 =	vld @!p4 [tilespmem:$0x1BBC8]  }
0x14d: {  	v7 =	vld @!p4 [tilespmem:$0x1BBB8]  }
0x14e: {  	v2 =	vld @!p4 [tilespmem:$0x1BC28]  }
0x14f: {  	v4 =	vld @!p4 [tilespmem:$0x1BC58]  }
0x150: {  	v9 =	vld @!p4 [tilespmem:$0x1BBA8]  }
0x151: {  	v3 =	vld @!p4 [tilespmem:$0x1BC18]  }
0x152: {  	vm0 =	veq.s32 @!p4 v5, v6;
	v5 =	vld @!p4 [tilespmem:$0x1BC68]  }
0x153: {  	vm1 =	veq.s32 @!p4 v7, v8;
	v7 =	vld @!p4 [tilespmem:$0x1BBD8];
	v10 =	vsel @!p4 vm0, $0x2710, v6  }
0x154: {  	v8 =	vsel @!p4 vm1, $0x2710, v8;
	v6 =	vld @!p4 [tilespmem:$0x1BB88];
	[tilespmem:$0x1BC48] =	vst @!p4 v10  }
0x155: {  	s17 =	simm.s32 $0x400;
	vm0 =	veq.s32 @!p4 v9, v2;
	[tilespmem:$0x1BC38] =	vst @!p4 v8;
	v8 =	vld @!p4 [tilespmem:$0x1BBE8]  }
.LBB2_6:
0x156: {  	v9 =	vld @!p4 [tilespmem:$0x1BC08];
	s16 =	sadd.s32 $0x2, s16;
	s28 =	smov.u32 s17;
	s17 =	sadd.s32 $0x400, s17  }
0x157: {  	p5 =	sne.s32 s17, $0x9C00;
	v10 =	vld @!p4 [tilespmem:$0x1BB98]  }
0x158: {  	v11 =	vld @!p4 [tilespmem:$0x1BB78];
	vm1 =	veq.s32 @!p4 v7, v4  }
0x159: {  	v7 =	vld @!p4 [tilespmem:$0x1BBF8];
	v4 =	vsel @!p4 vm1, $0x2710, v4  }
0x15a: {  	[tilespmem:$0x1BC58] =	vst @!p4 v4;
	vm1 =	veq.s32 @!p4 v8, v5  }
0x15b: {  	vm2 =	veq.s32 @!p4 v6, v9;
	v4 =	vsel @!p4 vm1, $0x2710, v5  }
0x15c: {  	v5 =	vsel @!p4 vm2, $0x2710, v9;
	vm1 =	veq.s32 @!p4 v10, v3;
	[tilespmem:$0x1BC68] =	vst @!p4 v4  }
0x15d: {  	[tilespmem:$0x1BC08] =	vst @!p4 v5;
	v3 =	vsel @!p4 vm1, $0x2710, v3  }
0x15e: {  	vm1 =	veq.s32 @!p4 v11, v7;
	[tilespmem:$0x1BC18] =	vst @!p4 v3  }
0x15f: {  	v2 =	vsel @!p4 vm0, $0x2710, v2;
	v3 =	vsel @!p4 vm1, $0x2710, v7  }
0x160: {  	[tilespmem:$0x1BBF8] =	vst @!p4 v3  }
0x161: {  	s20 =	simm.s32 @!p3 $0x4;
	[tilespmem:$0x1BC28] =	vst @!p4 v2  }
0x162: {  	_ =	swait.ge @!p3 [sflag:s20], $0x80  }
0x163: {  	[sflag:s20] =	ssyncset.done @!p3 $0x0  }
0x164: {  	[sflag:s20] =	ssyncadd.s32 @!p3 $0xFFFFFF80  }
0x165: {  	_ =	swait.ge @!p3 [sflag:s20], $0x80  }
0x166: {  	[sflag:s20] =	ssyncset.done @!p3 $0x0  }
0x167: {  	s30 =	simm.s32 @!p3 $0x17B78;
	[sflag:s20] =	ssyncadd.s32 @!p3 $0xFFFFFF80;
	s20 =	simm.s32 @!p3 $0x80  }
0x168: {  	[tilespmem:s30], [sflag:$0x2] =	stream.indirect.gather @!p3 [hbm4b:s1+s20], $0x80, s18, s20, $0xb8;
	[tilespmem:$0x1C9F8] =	vst v63  }
0x169: {  	v2 =	vld @!p3 [tilespmem:$0x1BC78]  }
0x16a: {  	v3 =	vld @!p3 [tilespmem:$0x1BCF8]  }
0x16b: {  	v4 =	vld @!p3 [tilespmem:$0x1BC88]  }
0x16c: {  	v5 =	vld @!p3 [tilespmem:$0x1BD08]  }
0x16d: {  	v6 =	vld @!p3 [tilespmem:$0x1BC98]  }
0x16e: {  	v7 =	vld @!p3 [tilespmem:$0x1BD18]  }
0x16f: {  	vm0 =	veq.s32 @!p3 v2, v3;
	v2 =	vld @!p3 [tilespmem:$0x1BCA8]  }
0x170: {  	v3 =	vsel @!p3 vm0, $0x2710, v3;
	v8 =	vld @!p3 [tilespmem:$0x1BD28]  }
0x171: {  	[tilespmem:$0x1BCF8] =	vst @!p3 v3;
	vm0 =	veq.s32 @!p3 v4, v5;
	v3 =	vld @!p3 [tilespmem:$0x1BCB8]  }
0x172: {  	v4 =	vsel @!p3 vm0, $0x2710, v5;
	v5 =	vld @!p3 [tilespmem:$0x1BD38]  }
0x173: {  	[tilespmem:$0x1BD08] =	vst @!p3 v4;
	vm0 =	veq.s32 @!p3 v6, v7;
	v4 =	vld @!p3 [tilespmem:$0x1BCC8]  }
0x174: {  	v6 =	vsel @!p3 vm0, $0x2710, v7;
	v7 =	vld @!p3 [tilespmem:$0x1BCD8]  }
0x175: {  	[tilespmem:$0x1BD18] =	vst @!p3 v6;
	vm0 =	veq.s32 @!p3 v2, v8;
	v2 =	vld @!p3 [tilespmem:$0x1BD58]  }
0x176: {  	v6 =	vsel @!p3 vm0, $0x2710, v8;
	v8 =	vld @!p3 [tilespmem:$0x1BD48]  }
0x177: {  	[tilespmem:$0x1BD28] =	vst @!p3 v6;
	vm0 =	veq.s32 @!p3 v3, v5;
	v3 =	vld @!p3 [tilespmem:$0x1BD68]  }
0x178: {  	v5 =	vsel @!p3 vm0, $0x2710, v5;
	v6 =	vld @!p3 [tilespmem:$0x1BCE8]  }
0x179: {  	[tilespmem:$0x1BD38] =	vst @!p3 v5  }
0x17a: {  	vm0 =	veq.s32 @!p3 v7, v2  }
0x17b: {  	vm1 =	veq.s32 @!p3 v4, v8;
	v2 =	vsel @!p3 vm0, $0x2710, v2  }
0x17c: {  	v4 =	vsel @!p3 vm1, $0x2710, v8;
	[tilespmem:$0x1BD58] =	vst @!p3 v2  }
0x17d: {  	[tilespmem:$0x1BD48] =	vst @!p3 v4;
	vm0 =	veq.s32 @!p3 v6, v3  }
0x17e: {  	v2 =	vsel @!p3 vm0, $0x2710, v3  }
0x17f: {  	[tilespmem:$0x1BD68] =	vst @!p3 v2  }
0x180: {  	_ =	swait.ge [sflag:s12], $0x4000  }
0x181: {  	[sflag:s12] =	ssyncset.done $0x0  }
0x182: {  	[sflag:s12] =	ssyncadd.s32 $0xFFFFC000  }
0x183: {  	[spmem:s2] =	stream.indirect.scatter.add.f32 [tilespmem:s7], [sflag:$0x5], $0x80, s29, s6, $0xb8;
	[tilespmem:$0x1C9F8] =	vst v63  }
0x184: {  	s18 =	sadd.s32 $0xFFFFFFFF, s16;
	_ =	swait.ge [sflag:s5], $0x4000  }
0x185: {  	p4 =	sge.u32 s18, s19;
	[sflag:s5] =	ssyncset.done $0x0  }
0x186: {  	s18 =	sadd.s32 @!p4 s28, s21;
	s20 =	sadd.s32 @!p4 s28, s22;
	[sflag:s5] =	ssyncadd.s32 $0xFFFFC000  }
0x187: {  	[spmem:s3] =	stream.indirect.scatter.add.f32 [tilespmem:s13], [sflag:$0x5], $0x1, s29, s6, $0xb8;
	[tilespmem:$0x1C9F8] =	vst v63  }
0x188: {  	s18 =	sadd.s32 @!p4 $0x400, s18;
	s20 =	sadd.s32 @!p4 $0x400, s20;
	_ =	swait.ge [sflag:s5], $0x80  }
0x189: {  	[sflag:s5] =	ssyncset.done $0x0  }
0x18a: {  	s30 =	simm.s32 @!p4 $0x0;
	s23 =	simm.s32 @!p4 $0x1BB78;
	[sflag:s5] =	ssyncadd.s32 $0xFFFFFF80  }
0x18b: {  	[tilespmem:s23], [sflag:$0x3] =	stream.linear.gather @!p4 [hbm4b:s18+s30], $0x80, $0x38;
	[tilespmem:$0x1C9F8] =	vst v63  }
0x18c: {  	s18 =	simm.s32 @!p4 $0x1BBF8  }
0x18d: {  	[tilespmem:s18], [sflag:$0x3] =	stream.linear.gather @!p4 [hbm4b:s20+s30], $0x80, $0x38;
	[tilespmem:$0x1C9F8] =	vst v63  }
0x18e: {  	_ =	swait.ge [sflag:s14], $0x4000  }
0x18f: {  	[sflag:s14] =	ssyncset.done $0x0  }
0x190: {  	[sflag:s14] =	ssyncadd.s32 $0xFFFFC000  }
0x191: {  	[spmem:s2] =	stream.indirect.scatter.add.f32 [tilespmem:s9], [sflag:$0x5], $0x80, s31, s6, $0xb8;
	[tilespmem:$0x1C9F8] =	vst v63  }
0x192: {  	_ =	swait.ge [sflag:s5], $0x4000  }
0x193: {  	[sflag:s5] =	ssyncset.done $0x0  }
0x194: {  	[sflag:s5] =	ssyncadd.s32 $0xFFFFC000  }
0x195: {  	[spmem:s3] =	stream.indirect.scatter.add.f32 [tilespmem:s13], [sflag:$0x5], $0x1, s31, s6, $0xb8;
	[tilespmem:$0x1C9F8] =	vst v63  }
0x196: {  	p3 =	sge.u32 s16, s19;
	_ =	swait.ge [sflag:s5], $0x80  }
0x197: {  	s18 =	sadd.s32 @!p3 s28, s21;
	s20 =	simm.s32 @!p3 $0x0;
	[sflag:s5] =	ssyncset.done $0x0  }
0x198: {  	s30 =	sadd.s32 @!p3 $0x600, s18;
	s18 =	simm.s32 @!p3 $0x1BC78;
	[sflag:s5] =	ssyncadd.s32 $0xFFFFFF80  }
0x199: {  	[tilespmem:s18], [sflag:$0x4] =	stream.linear.gather @!p3 [hbm4b:s30+s20], $0x80, $0x38;
	[tilespmem:$0x1C9F8] =	vst v63  }
0x19a: {  	s28 =	sadd.s32 @!p3 s28, s22;
	s30 =	simm.s32 @!p4 $0x3  }
0x19b: {  	s24 =	simm.s32 @!p3 $0x1BCF8;
	s28 =	sadd.s32 @!p3 $0x600, s28  }
0x19c: {  	[tilespmem:s24], [sflag:$0x4] =	stream.linear.gather @!p3 [hbm4b:s28+s20], $0x80, $0x38;
	[tilespmem:$0x1C9F8] =	vst v63  }
0x19d: {  	_ =	swait.ge @!p4 [sflag:s30], $0x80  }
0x19e: {  	[sflag:s30] =	ssyncset.done @!p4 $0x0  }
0x19f: {  	s20 =	simm.s32 @!p4 $0x80;
	s24 =	simm.s32 @!p4 $0x13B78;
	[sflag:s30] =	ssyncadd.s32 @!p4 $0xFFFFFF80  }
0x1a0: {  	_ =	swait.ge @!p4 [sflag:s30], $0x80  }
0x1a1: {  	[sflag:s30] =	ssyncset.done @!p4 $0x0  }
0x1a2: {  	[sflag:s30] =	ssyncadd.s32 @!p4 $0xFFFFFF80  }
0x1a3: {  	[tilespmem:s24], [sflag:$0x1] =	stream.indirect.gather @!p4 [hbm4b:s1+s20], $0x80, s23, s20, $0xb8;
	[tilespmem:$0x1C9F8] =	vst v63  }
0x1a4: {  	v6 =	vld @!p4 [tilespmem:$0x1BC48]  }
0x1a5: {  	v7 =	vld @!p4 [tilespmem:$0x1BC38]  }
0x1a6: {  	v5 =	vld @!p4 [tilespmem:$0x1BBC8]  }
0x1a7: {  	v8 =	vld @!p4 [tilespmem:$0x1BBB8]  }
0x1a8: {  	v2 =	vld @!p4 [tilespmem:$0x1BC28]  }
0x1a9: {  	v4 =	vld @!p4 [tilespmem:$0x1BC58]  }
0x1aa: {  	v9 =	vld @!p4 [tilespmem:$0x1BBA8]  }
.Ltmp3:
0x1ab: {  	v3 =	vld @!p4 [tilespmem:$0x1BC18];
	(pc) =	sbr.rel @p5 .LBB2_6-.Ltmp3, $4  }
0x1ac: {  	vm1 =	veq.s32 @!p4 v5, v6;
	vm0 =	veq.s32 @!p4 v8, v7;
	v5 =	vld @!p4 [tilespmem:$0x1BC68]  }
0x1ad: {  	v10 =	vsel @!p4 vm1, $0x2710, v6;
	v8 =	vsel @!p4 vm0, $0x2710, v7;
	v7 =	vld @!p4 [tilespmem:$0x1BBD8]  }
0x1ae: {  	v6 =	vld @!p4 [tilespmem:$0x1BB88];
	[tilespmem:$0x1BC48] =	vst @!p4 v10  }
0x1af: {  	vm0 =	veq.s32 @!p4 v9, v2;
	[tilespmem:$0x1BC38] =	vst @!p4 v8;
	v8 =	vld @!p4 [tilespmem:$0x1BBE8]  }
0x1b0: {  	v9 =	vld @!p4 [tilespmem:$0x1BC08]  }
0x1b1: {  	v10 =	vld @!p4 [tilespmem:$0x1BB98]  }
0x1b2: {  	v11 =	vld @!p4 [tilespmem:$0x1BB78]  }
0x1b3: {  	v12 =	vld @!p4 [tilespmem:$0x1BBF8]  }
0x1b4: {  	v2 =	vsel @!p4 vm0, $0x2710, v2;
	vm1 =	veq.s32 @!p4 v7, v4  }
0x1b5: {  	[tilespmem:$0x1BC28] =	vst @!p4 v2;
	v4 =	vsel @!p4 vm1, $0x2710, v4;
	vm1 =	veq.s32 @!p4 v8, v5  }
0x1b6: {  	[tilespmem:$0x1BC58] =	vst @!p4 v4;
	vm2 =	veq.s32 @!p4 v6, v9;
	v4 =	vsel @!p4 vm1, $0x2710, v5  }
0x1b7: {  	vm1 =	veq.s32 @!p4 v10, v3;
	v5 =	vsel @!p4 vm2, $0x2710, v9;
	[tilespmem:$0x1BC68] =	vst @!p4 v4  }
0x1b8: {  	v3 =	vsel @!p4 vm1, $0x2710, v3;
	vm1 =	veq.s32 @!p4 v11, v12;
	[tilespmem:$0x1BC08] =	vst @!p4 v5  }
0x1b9: {  	[tilespmem:$0x1BC18] =	vst @!p4 v3;
	v3 =	vsel @!p4 vm1, $0x2710, v12  }
0x1ba: {  	s16 =	simm.s32 @!p3 $0x4;
	[tilespmem:$0x1BBF8] =	vst @!p4 v3  }
0x1bb: {  	_ =	swait.ge @!p3 [sflag:s16], $0x80  }
0x1bc: {  	[sflag:s16] =	ssyncset.done @!p3 $0x0  }
0x1bd: {  	[sflag:s16] =	ssyncadd.s32 @!p3 $0xFFFFFF80  }
0x1be: {  	_ =	swait.ge @!p3 [sflag:s16], $0x80  }
0x1bf: {  	[sflag:s16] =	ssyncset.done @!p3 $0x0  }
0x1c0: {  	s17 =	simm.s32 @!p3 $0x17B78;
	[sflag:s16] =	ssyncadd.s32 @!p3 $0xFFFFFF80;
	s16 =	simm.s32 @!p3 $0x80  }
0x1c1: {  	[tilespmem:s17], [sflag:$0x2] =	stream.indirect.gather @!p3 [hbm4b:s1+s16], $0x80, s18, s16, $0xb8;
	[tilespmem:$0x1C9F8] =	vst v63  }
0x1c2: {  	v2 =	vld @!p3 [tilespmem:$0x1BC78]  }
0x1c3: {  	v3 =	vld @!p3 [tilespmem:$0x1BCF8]  }
0x1c4: {  	v4 =	vld @!p3 [tilespmem:$0x1BC88]  }
0x1c5: {  	v5 =	vld @!p3 [tilespmem:$0x1BD08]  }
0x1c6: {  	v6 =	vld @!p3 [tilespmem:$0x1BC98]  }
0x1c7: {  	v7 =	vld @!p3 [tilespmem:$0x1BD18]  }
0x1c8: {  	v8 =	vld @!p3 [tilespmem:$0x1BCA8]  }
0x1c9: {  	v9 =	vld @!p3 [tilespmem:$0x1BD28]  }
0x1ca: {  	v10 =	vld @!p3 [tilespmem:$0x1BCB8]  }
0x1cb: {  	v11 =	vld @!p3 [tilespmem:$0x1BD38]  }
0x1cc: {  	v12 =	vld @!p3 [tilespmem:$0x1BCC8]  }
0x1cd: {  	v13 =	vld @!p3 [tilespmem:$0x1BCD8]  }
0x1ce: {  	v14 =	vld @!p3 [tilespmem:$0x1BD58]  }
0x1cf: {  	vm0 =	veq.s32 @!p3 v2, v3;
	v2 =	vld @!p3 [tilespmem:$0x1BD48]  }
0x1d0: {  	v3 =	vsel @!p3 vm0, $0x2710, v3;
	vm0 =	veq.s32 @!p3 v4, v5;
	v4 =	vld @!p3 [tilespmem:$0x1BD68]  }
0x1d1: {  	[tilespmem:$0x1BCF8] =	vst @!p3 v3;
	v3 =	vsel @!p3 vm0, $0x2710, v5;
	vm0 =	veq.s32 @!p3 v6, v7;
	v5 =	vld @!p3 [tilespmem:$0x1BCE8]  }
0x1d2: {  	vm1 =	veq.s32 @!p3 v8, v9;
	[tilespmem:$0x1BD08] =	vst @!p3 v3;
	v3 =	vsel @!p3 vm0, $0x2710, v7  }
0x1d3: {  	vm0 =	veq.s32 @!p3 v10, v11;
	[tilespmem:$0x1BD18] =	vst @!p3 v3;
	v3 =	vsel @!p3 vm1, $0x2710, v9  }
0x1d4: {  	[tilespmem:$0x1BD28] =	vst @!p3 v3;
	v3 =	vsel @!p3 vm0, $0x2710, v11;
	vm0 =	veq.s32 @!p3 v13, v14  }
0x1d5: {  	vm1 =	veq.s32 @!p3 v12, v2;
	[tilespmem:$0x1BD38] =	vst @!p3 v3;
	v3 =	vsel @!p3 vm0, $0x2710, v14  }
0x1d6: {  	v2 =	vsel @!p3 vm1, $0x2710, v2;
	[tilespmem:$0x1BD58] =	vst @!p3 v3;
	vm0 =	veq.s32 @!p3 v5, v4  }
0x1d7: {  	[tilespmem:$0x1BD48] =	vst @!p3 v2;
	v2 =	vsel @!p3 vm0, $0x2710, v4  }
0x1d8: {  	s16 =	simm.s32 @!p1 $0x1;
	[tilespmem:$0x1BD68] =	vst @!p3 v2  }
0x1d9: {  	_ =	swait.ge @!p1 [sflag:s16], $0x4000  }
0x1da: {  	s17 =	simm.s32 @!p1 $0x1BBF8;
	[sflag:s16] =	ssyncset.done @!p1 $0x0  }
0x1db: {  	s18 =	simm.s32 @!p1 $0x13B78;
	[sflag:s16] =	ssyncadd.s32 @!p1 $0xFFFFC000;
	s16 =	simm.s32 @!p1 $0x80  }
0x1dc: {  	[spmem:s2] =	stream.indirect.scatter.add.f32 @!p1 [tilespmem:s18], [sflag:$0x5], $0x80, s17, s16, $0xb8;
	[tilespmem:$0x1C9F8] =	vst v63  }
0x1dd: {  	s18 =	simm.s32 @!p1 $0x5  }
0x1de: {  	_ =	swait.ge @!p1 [sflag:s18], $0x4000  }
0x1df: {  	[sflag:s18] =	ssyncset.done @!p1 $0x0  }
0x1e0: {  	s20 =	simm.s32 @!p1 $0x1C978;
	[sflag:s18] =	ssyncadd.s32 @!p1 $0xFFFFC000  }
0x1e1: {  	[spmem:s3] =	stream.indirect.scatter.add.f32 @!p1 [tilespmem:s20], [sflag:$0x5], $0x1, s17, s16, $0xb8;
	[tilespmem:$0x1C9F8] =	vst v63  }
0x1e2: {  	_ =	swait.ge @!p1 [sflag:s18], $0x80  }
.Ltmp4:
0x1e3: {  	s24 =	stileid.u32;
	[sflag:s18] =	ssyncset.done @!p1 $0x0;
	(pc) =	sbr.rel @!p2 .LBB2_9-.Ltmp4, $4  }
0x1e4: {  	s30 =	sshrl.u32 s11, $0x3;
	s16 =	sshll.u32 s24, $0x6;
	[sflag:s18] =	ssyncadd.s32 @!p1 $0xFFFFFF80  }
0x1e5: {  	s28 =	smov.u32 s11;
	s16 =	sor.u32 $0x1C05, s16;
	[bflag:$0x0] =	sbarrier.arrive $0xFFFF  }
0x1e6: {  	[hbm:s25], [sflag:s16] =	dma.local [spmem:s30], $0x100  }
0x1e7: {  	s17 =	sadd.s32 $0xFFFFFFFF, s10;
	s18 =	sadd.s32 $0x1000, s25;
	_ =	swait.ge [sflag:s5], $0x100  }
.LBB2_8:
0x1e8: {  	[sflag:s5] =	ssyncset.done $0x0;
	s28 =	sadd.s32 $0x8000, s28;
	p2 =	sne.s32 s17, $0x1  }
.Ltmp5:
0x1e9: {  	s20 =	sshrl.u32 s28, $0x3;
	[sflag:s5] =	ssyncadd.s32 $0xFFFFFF00;
	(pc) =	sbr.rel @p2 .LBB2_8-.Ltmp5, $3  }
0x1ea: {  	[hbm:s18], [sflag:s16] =	dma.local [spmem:s20], $0x100  }
0x1eb: {  	s17 =	sadd.s32 $0xFFFFFFFF, s17;
	_ =	sdelay $0x1  }
0x1ec: {  	s18 =	sadd.s32 $0x1000, s18;
	_ =	swait.ge [sflag:s5], $0x100  }
.LBB2_9:
0x1ed: {  	[sflag:s5] =	ssyncset.done $0x0;
	s16 =	sshrl.u32 @!p0 s3, $0x3  }
0x1ee: {  	s17 =	simm.s32 @!p0 $0x1;
	s18 =	simm.s32 @!p0 $0x20;
	s20 =	simm.s32 @!p0 $0x10  }
0x1ef: {  	s23 =	simm.s32 @!p0 $0x1C05;
	s24 =	rddreg [dreg:$0x11];
	[sflag:s5] =	ssyncadd.s32 $0xFFFFFF00  }
0x1f0: {  	[hbm:s24@s18], [sflag:s23] =	dma.strided @!p0 [spmem:s16@s20], $0x4F0, s17, $0x10   }
0x1f1: {  	s16 =	simm.s32 @!p0 $0x5  }
0x1f2: {  	_ =	swait.ge @!p0 [sflag:s16], $0x4F0  }
0x1f3: {  	s15 =	sadd.s32 $0x1, s15;
	s30 =	rddreg [dreg:$0x13]  }
0x1f4: {  	p2 =	sne.s32 s15, s30  }
.Ltmp6:
0x1f5: {  	_ = 	snop;
	(pc) =	sbr.rel @p2 .LBB2_1-.Ltmp6, $3  }
0x1f6: {  	_ =	sdelay $0x1  }
0x1f7: {  	[sflag:s16] =	ssyncset.done @!p0 $0x0  }
0x1f8: {  	s20 =	simm.s32 $0x1BB78;
	s23 =	simm.s32 $0x1BC78;
	[sflag:s16] =	ssyncadd.s32 @!p0 $0xFFFFFB10  }
0x1f9: {  	_ =	sfence.sel $0x180000  }
0x1fa: {  	[bflag:$0x0] =	sbarrier.arrive $0xFFFF  }
0x1fb: {  	_ =	strace $0x90000047  }
0x1fc: {  	[bflag:$0x2] =	sbarrier.arrive $0xFFFF  }
0x1fd: {  	s0 =	rddreg [dreg:$0x5]  }
0x1fe: {  	s0 =	sadd.s32 @!p0 $0x100000, s0  }
0x1ff: {  	[sflag:s0] =	ssyncadd.tile.s32 @!p0 $0x1;
	_ =	shalt  }
.Lfunc_end2:
_tile_overlayer_lowered:
.L_overlay_start_2:
0x200: {  	(tag) =	ssettag $0x2  }
0x201: {  	s0 =	rddreg [dreg:$0x0];
	s2 =	stileid.u32  }
0x202: {  	s1 =	rddreg [dreg:$0x1];
	p0 =	sne.s32 s2, $0x0  }
0x203: {  	s3 =	rddreg [dreg:$0x2];
	[bflag:$0x3] =	sbarrier.arrive $0xFFFF;
	s2 =	simm.s32 @!p0 $0x1C05  }
0x204: {  	[timem:s3], [sflag:s2] =	dma.local @!p0 [hbm:s0], s1  }
0x205: {  	s0 =	simm.s32 @!p0 $0x5  }
0x206: {  	_ =	swait.ge @!p0 [sflag:s0], s1  }
0x207: {  	s1 =	ssub.s32 @!p0 $0x0, s1;
	[sflag:s0] =	ssyncset.done @!p0 $0x0  }
0x208: {  	[sflag:s0] =	ssyncadd.s32 @!p0 s1  }
0x209: {  	[bflag:$0x3] =	sbarrier.arrive $0xFFFF  }
0x20a: {  	_ =	shalt  }

</sc_bundles>
